<compile_context>
chip_gen: v7x
topology: tpu7x:2x2x1
jax: 0.10.2.dev20260603
libtpu: 0.0.44.dev20260713+nightly
codegen_flags: <defaults>
</compile_context>

<pallas_src>
import functools

import numpy as np
import jax
import jax.numpy as jnp
from jax import lax
from jax.experimental import pallas as pl
from jax.experimental.pallas import tpu as pltpu
from jax.experimental.pallas import tpu_sc as plsc

N = 10000
E = 160000
NODE_IN = 16
EDGE_IN = 19
OUT = 32
LW = 128

NC = 2
NS = 16
NW = NC * NS


def _leaky(x, s):
    return jnp.where(x >= 0, x, s * x)


def _dot(a, b):
    return jnp.dot(a, b, preferred_element_type=jnp.float32,
                   precision=jax.lax.Precision.HIGHEST)


def _b16(x):
    return x.astype(jnp.bfloat16).astype(jnp.float32)


def _dotb(a, b):
    return jnp.dot(a.astype(jnp.bfloat16), b.astype(jnp.bfloat16),
                   preferred_element_type=jnp.float32)



def _xnorm_body(x_ref, g_ref, b_ref, o_ref):
    xb = x_ref[...]
    m = jnp.mean(xb, axis=0, keepdims=True)
    v = jnp.mean((xb - m) ** 2, axis=0, keepdims=True)
    xn = (xb - m) * jax.lax.rsqrt(v + 1e-5) * g_ref[...] + b_ref[...]
    o_ref[...] = jnp.concatenate(
        [xn, jnp.zeros((N, LW - NODE_IN), jnp.float32)], axis=1)


def _xnorm(x, g, b):
    return pl.pallas_call(
        _xnorm_body,
        out_shape=jax.ShapeDtypeStruct((N, LW), jnp.float32),
    )(x, g.reshape(1, NODE_IN), b.reshape(1, NODE_IN))



_EB = 8000
_ESTEPS = E // _EB


def _estats_body(e_ref, g_ref, b_ref, o_ref, acc_ref):
    step = pl.program_id(0)
    eb = e_ref[...]
    s = jnp.sum(eb, axis=0, keepdims=True)
    ss = jnp.sum(eb * eb, axis=0, keepdims=True)
    blk = jnp.concatenate([s, ss], axis=0)

    @pl.when(step == 0)
    def _():
        acc_ref[...] = blk

    @pl.when(step != 0)
    def _():
        acc_ref[...] += blk

    @pl.when(step == _ESTEPS - 1)
    def _():
        mean = acc_ref[0:1] * (1.0 / E)
        var = acc_ref[1:2] * (1.0 / E) - mean * mean
        scale = jax.lax.rsqrt(var + 1e-5) * g_ref[...]
        shift = b_ref[...] - mean * scale
        o_ref[...] = jnp.concatenate([scale, shift], axis=0)


def _estats(e, g, b):
    return pl.pallas_call(
        _estats_body,
        grid=(_ESTEPS,),
        in_specs=[
            pl.BlockSpec((_EB, EDGE_IN), lambda i: (i, 0)),
            pl.BlockSpec((1, EDGE_IN), lambda i: (0, 0)),
            pl.BlockSpec((1, EDGE_IN), lambda i: (0, 0)),
        ],
        out_specs=pl.BlockSpec((2, EDGE_IN), lambda i: (0, 0)),
        out_shape=jax.ShapeDtypeStruct((2, EDGE_IN), jnp.float32),
        scratch_shapes=[pltpu.VMEM((2, EDGE_IN), jnp.float32)],
    )(e, g.reshape(1, EDGE_IN), b.reshape(1, EDGE_IN))



_BE = 800


def _nnconv_body(fin, e_ref, xs_ref, ss_ref, w1_ref, b1_ref, w2_ref, b2_ref,
                 r_ref, o_ref):
    eb = e_ref[...] * ss_ref[0:1] + ss_ref[1:2]
    h = _dot(eb, w1_ref[...]) + b1_ref[...]
    h = _leaky(h, 0.1)
    h = jnp.dot(h.astype(jnp.bfloat16), w2_ref[...],
                preferred_element_type=jnp.float32) + b2_ref[...]
    h = _leaky(h, 0.1)
    xs = xs_ref[:, :fin]
    if fin == OUT:
        xs = _b16(xs)
        h = _b16(h)
    xe = pltpu.repeat(xs, OUT, axis=1)
    m = _dot(xe * h, r_ref[...])
    o_ref[...] = jnp.concatenate(
        [m, jnp.zeros((m.shape[0], LW - OUT), jnp.float32)], axis=1)


def _reduce_mat_omajor(fin, fout):
    r = np.zeros((fin * fout, fout), np.float32)
    for o in range(fout):
        r[o * fin:(o + 1) * fin, o] = 1.0
    return jnp.asarray(r)


def _nnconv_layer(e, xs, ss, w1, b1, w2, b2, fin):
    k = fin * OUT
    perm = np.arange(k).reshape(fin, OUT).T.reshape(-1)
    w2p = w2[:, perm].astype(jnp.bfloat16)
    b2p = b2[perm]
    r = _reduce_mat_omajor(fin, OUT)
    full = lambda shape: pl.BlockSpec(shape, lambda i: (0,) * len(shape))
    return pl.pallas_call(
        functools.partial(_nnconv_body, fin),
        grid=(E // _BE,),
        in_specs=[
            pl.BlockSpec((_BE, EDGE_IN), lambda i: (i, 0)),
            pl.BlockSpec((_BE, LW), lambda i: (i, 0)),
            full((2, EDGE_IN)),
            full((EDGE_IN, fin)),
            full((1, fin)),
            full((fin, k)),
            full((1, k)),
            full((k, OUT)),
        ],
        out_specs=pl.BlockSpec((_BE, LW), lambda i: (i, 0)),
        out_shape=jax.ShapeDtypeStruct((E, LW), jnp.float32),
    )(e, xs, ss, w1, b1.reshape(1, fin), w2p, b2p.reshape(1, k), r)



def _update_body(fin, parts_ref, cur_ref, root_ref, bias_ref, o_ref):
    agg = parts_ref[0, :N, :OUT] + parts_ref[1, :N, :OUT]
    cur = cur_ref[:, :fin]
    if fin == OUT:
        rd = _dotb(cur, root_ref[...])
    else:
        rd = _dot(cur, root_ref[...])
    new = agg + rd + bias_ref[...]
    o_ref[...] = jnp.concatenate(
        [new, jnp.zeros((N, LW - OUT), jnp.float32)], axis=1)


def _update(parts, cur, root, bias, fin):
    return pl.pallas_call(
        functools.partial(_update_body, fin),
        out_shape=jax.ShapeDtypeStruct((N, LW), jnp.float32),
    )(parts, cur, root, bias.reshape(1, OUT))



_BM = 1600


def _edge_mlp_body(e_ref, xs_ref, xd_ref, ss_ref, ws_ref, wd_ref, we_ref,
                   b1_ref, w2_ref, b2_ref, w3_ref, b3_ref, o_ref):
    eb = e_ref[...] * ss_ref[0:1] + ss_ref[1:2]
    xd = xd_ref[:, :OUT]
    h = (_dotb(xs_ref[:, :OUT], ws_ref[...])
         + _dotb(xd, wd_ref[...])
         + _dotb(eb, we_ref[...])
         + b1_ref[...])
    h = _leaky(h, 0.1)
    h = _dotb(h, w2_ref[...]) + b2_ref[...]
    h = _leaky(h, 0.1)
    t = _dotb(h, w3_ref[...]) + b3_ref[...]
    o_ref[...] = jnp.concatenate(
        [xd, t, jnp.zeros((xd.shape[0], LW - OUT - 16), jnp.float32)], axis=1)


def _edge_mlp(e, xs, xd, ss, em_w1, em_b1, em_w2, em_b2, em_w3, em_b3):
    ws = em_w1[0:OUT]
    wd = em_w1[OUT:2 * OUT]
    we = em_w1[2 * OUT:]
    w3p = jnp.zeros((16, 16), jnp.float32).at[:, 0:2].set(em_w3)
    b3p = jnp.zeros((1, 16), jnp.float32).at[0, 0:2].set(em_b3).at[0, 2].set(1.0)
    full = lambda shape: pl.BlockSpec(shape, lambda i: (0,) * len(shape))
    return pl.pallas_call(
        _edge_mlp_body,
        grid=(E // _BM,),
        in_specs=[
            pl.BlockSpec((_BM, EDGE_IN), lambda i: (i, 0)),
            pl.BlockSpec((_BM, LW), lambda i: (i, 0)),
            pl.BlockSpec((_BM, LW), lambda i: (i, 0)),
            full((2, EDGE_IN)),
            full((OUT, 64)),
            full((OUT, 64)),
            full((EDGE_IN, 64)),
            full((1, 64)),
            full((64, 16)),
            full((1, 16)),
            full((16, 16)),
            full((1, 16)),
        ],
        out_specs=pl.BlockSpec((_BM, LW), lambda i: (i, 0)),
        out_shape=jax.ShapeDtypeStruct((E, LW), jnp.float32),
    )(e, xs, xd, ss, ws, wd, we, em_b1.reshape(1, 64), em_w2,
      em_b2.reshape(1, 16), w3p, b3p)



def _final_body(parts_ref, sel_ref, w1_ref, b1_ref, w2_ref, b2_ref, o_ref):
    s = parts_ref[0, :N] + parts_ref[1, :N]
    cnt = _dot(s, sel_ref[...])
    mean = s / jnp.maximum(cnt, 1.0)
    nh = _leaky(_dotb(mean, w1_ref[...])
                + b1_ref[...], 0.12)
    logits = _dotb(nh, w2_ref[...]) + b2_ref[...]
    m = jnp.max(logits, axis=1, keepdims=True)
    shifted = logits - m
    o_ref[...] = shifted - jnp.log(jnp.sum(jnp.exp(shifted), axis=1, keepdims=True))


def _final(parts, nm_w1, nm_b1, nm_w2, nm_b2):
    sel = jnp.zeros((LW, 1), jnp.float32).at[OUT + 2, 0].set(1.0)
    w1p = jnp.zeros((LW, 16), jnp.float32).at[0:OUT + 2].set(nm_w1)
    return pl.pallas_call(
        _final_body,
        out_shape=jax.ShapeDtypeStruct((N, 2), jnp.float32),
    )(parts, sel, w1p, nm_b1.reshape(1, 16), nm_w2, nm_b2.reshape(1, 2))



_GCHUNK = 200


def _gather_rows(table, idx):
    per = E // NW
    nchunks = per // _GCHUNK
    mesh = plsc.VectorSubcoreMesh(core_axis_name="c", subcore_axis_name="s")

    @functools.partial(
        pl.kernel,
        out_type=jax.ShapeDtypeStruct((E, LW), jnp.float32),
        mesh=mesh,
        scratch_types=[
            pltpu.VMEM((_GCHUNK,), jnp.int32),
            pltpu.VMEM((_GCHUNK, LW), jnp.float32),
            pltpu.SemaphoreType.DMA,
        ],
    )
    def gk(table_hbm, idx_hbm, out_hbm, idx_v, rows_v, sem):
        wid = lax.axis_index("s") * NC + lax.axis_index("c")
        base = wid * per

        def body(j, carry):
            off = base + j * _GCHUNK
            pltpu.sync_copy(idx_hbm.at[pl.ds(off, _GCHUNK)], idx_v)
            pltpu.async_copy(table_hbm.at[idx_v], rows_v, sem).wait()
            pltpu.sync_copy(rows_v, out_hbm.at[pl.ds(off, _GCHUNK)])
            return carry

        lax.fori_loop(0, nchunks, body, 0)

    return gk(table, idx)



_SCHUNK = 200
NP = 10240


def _scatter_add(data, idx):
    per_core = E // NC
    per = E // NW
    nchunks = per // _SCHUNK
    rows_per_tile = NP // NS
    zeros = jnp.zeros((NP, LW), jnp.float32)
    mesh = plsc.VectorSubcoreMesh(core_axis_name="c", subcore_axis_name="s")

    @functools.partial(
        pl.kernel,
        out_type=jax.ShapeDtypeStruct((NC * NP, LW), jnp.float32),
        mesh=mesh,
        scratch_types=[
            pltpu.VMEM((_SCHUNK,), jnp.int32),
            pltpu.VMEM((_SCHUNK, LW), jnp.float32),
            pltpu.VMEM_SHARED((NP, LW), jnp.float32),
            pltpu.SemaphoreType.DMA,
            pltpu.SemaphoreType.DMA,
        ],
    )
    def sk(data_hbm, idx_hbm, zeros_hbm, out_hbm, idx_v, dat_v, acc, sem1, sem2):
        cid = lax.axis_index("c")
        sid = lax.axis_index("s")
        r0 = sid * rows_per_tile
        pltpu.sync_copy(zeros_hbm.at[pl.ds(r0, rows_per_tile)],
                        acc.at[pl.ds(r0, rows_per_tile)])
        plsc.subcore_barrier()
        base = cid * per_core + sid * per

        def body(j, carry):
            off = base + j * _SCHUNK
            c1 = pltpu.async_copy(idx_hbm.at[pl.ds(off, _SCHUNK)], idx_v, sem1)
            c2 = pltpu.async_copy(data_hbm.at[pl.ds(off, _SCHUNK)], dat_v, sem2)
            c1.wait()
            c2.wait()
            pltpu.sync_copy(dat_v, acc.at[idx_v], add=True)
            return carry

        lax.fori_loop(0, nchunks, body, 0)
        plsc.subcore_barrier()
        pltpu.sync_copy(acc.at[pl.ds(r0, rows_per_tile)],
                        out_hbm.at[pl.ds(cid * NP + r0, rows_per_tile)])

    return sk(data, idx, zeros).reshape(NC, NP, LW)



def kernel(x, edge_index, e, xbatch, bn_node_g, bn_node_b, bn_edge_g, bn_edge_b,
           nn0_w1, nn0_b1, nn0_w2, nn0_b2, root0, bias0,
           nn1_w1, nn1_b1, nn1_w2, nn1_b2, root1, bias1,
           nn2_w1, nn2_b1, nn2_w2, nn2_b2, root2, bias2,
           em_w1, em_b1, em_w2, em_b2, em_w3, em_b3,
           nm_w1, nm_b1, nm_w2, nm_b2):
    src = edge_index[0].astype(jnp.int32)
    dst = edge_index[1].astype(jnp.int32)

    cur = _xnorm(x, bn_node_g, bn_node_b)
    ss = _estats(e, bn_edge_g, bn_edge_b)

    layers = [
        (nn0_w1, nn0_b1, nn0_w2, nn0_b2, root0, bias0, NODE_IN),
        (nn1_w1, nn1_b1, nn1_w2, nn1_b2, root1, bias1, OUT),
        (nn2_w1, nn2_b1, nn2_w2, nn2_b2, root2, bias2, OUT),
    ]
    for w1, b1, w2, b2, root, bias, fin in layers:
        xs = _gather_rows(cur, src)
        msg = _nnconv_layer(e, xs, ss, w1, b1, w2, b2, fin)
        parts = _scatter_add(msg, dst)
        cur = _update(parts, cur, root, bias, fin)

    xs = _gather_rows(cur, src)
    xd = _gather_rows(cur, dst)
    nm = _edge_mlp(e, xs, xd, ss, em_w1, em_b1, em_w2, em_b2, em_w3, em_b3)
    parts = _scatter_add(nm, src)
    return _final(parts, nm_w1, nm_b1, nm_w2, nm_b2)

# --- scband reference (transcript-rebuilt; emitter-appended) ---
"""Pipeline reference for scband-node-nnconv-model-55825984913731 (READ-ONLY COPY).

The authoritative reference and input builder live on the scoring server;
editing this copy changes nothing except your own understanding.
"""

import jax, jax.numpy as jnp
import numpy as np

N = 10000
E = 160000
NODE_IN = 16
EDGE_IN = 19
OUT = 32


def _lin(key, fin, fout):
    k1, k2 = jax.random.split(key)
    W = jax.random.normal(k1, (fin, fout), jnp.float32) * (1.0 / np.sqrt(fin))
    b = jax.random.normal(k2, (fout,), jnp.float32) * 0.01
    return W, b


def setup_inputs(seed=0) -> dict:
    key = jax.random.key(seed)
    ks = [jax.random.fold_in(key, i) for i in range(64)]
    inp = {}
    inp['x'] = jax.random.normal(ks[0], (N, NODE_IN), jnp.float32)
    inp['edge_index'] = jax.random.randint(ks[1], (2, E), 0, N, jnp.int64)
    inp['e'] = jax.random.normal(ks[2], (E, EDGE_IN), jnp.float32)
    inp['xbatch'] = jnp.zeros((N,), jnp.int64)
    inp['bn_node_g'] = jnp.ones((NODE_IN,), jnp.float32)
    inp['bn_node_b'] = jnp.zeros((NODE_IN,), jnp.float32)
    inp['bn_edge_g'] = jnp.ones((EDGE_IN,), jnp.float32)
    inp['bn_edge_b'] = jnp.zeros((EDGE_IN,), jnp.float32)
    dims = [(NODE_IN, OUT), (OUT, OUT), (OUT, OUT)]
    kc = 10
    for i, (fin, fout) in enumerate(dims):
        W1, b1 = _lin(ks[kc], EDGE_IN, fin); kc += 1
        W2, b2 = _lin(ks[kc], fin, fin * fout); kc += 1
        root = jax.random.normal(ks[kc], (fin, fout), jnp.float32) * (1.0 / np.sqrt(fin)); kc += 1
        bias = jnp.zeros((fout,), jnp.float32)
        inp[f'nn{i}_w1'] = W1; inp[f'nn{i}_b1'] = b1
        inp[f'nn{i}_w2'] = W2; inp[f'nn{i}_b2'] = b2
        inp[f'root{i}'] = root; inp[f'bias{i}'] = bias
    inp['em_w1'], inp['em_b1'] = _lin(ks[kc], 2 * OUT + EDGE_IN, 64); kc += 1
    inp['em_w2'], inp['em_b2'] = _lin(ks[kc], 64, 16); kc += 1
    inp['em_w3'], inp['em_b3'] = _lin(ks[kc], 16, 2); kc += 1
    inp['nm_w1'], inp['nm_b1'] = _lin(ks[kc], OUT + 2, 16); kc += 1
    inp['nm_w2'], inp['nm_b2'] = _lin(ks[kc], 16, 2); kc += 1
    return inp


def _bn(x, g, b):
    m = jnp.mean(x, axis=0)
    v = jnp.var(x, axis=0)
    return (x - m) / jnp.sqrt(v + 1e-5) * g + b


def _leaky(x, s):
    return jnp.where(x >= 0, x, s * x)


def _forward(p, edge_index, xbatch):
    x = _bn(p['x'], p['bn_node_g'], p['bn_node_b'])
    e = _bn(p['e'], p['bn_edge_g'], p['bn_edge_b'])
    src = edge_index[0]
    dst = edge_index[1]
    dims = [(NODE_IN, OUT), (OUT, OUT), (OUT, OUT)]
    cur = x
    for i, (fin, fout) in enumerate(dims):
        h = _leaky(e @ p[f'nn{i}_w1'] + p[f'nn{i}_b1'], 0.1)
        h = _leaky(h @ p[f'nn{i}_w2'] + p[f'nn{i}_b2'], 0.1)
        W = h.reshape(-1, fin, fout)
        msg = jnp.einsum('ei,eio->eo', cur[src], W)
        agg = jax.ops.segment_sum(msg, dst, num_segments=N)
        cur = agg + cur @ p[f'root{i}'] + p[f'bias{i}']
    row, col = src, dst
    eh = jnp.concatenate([cur[row], cur[col], e], axis=1)
    eh = _leaky(eh @ p['em_w1'] + p['em_b1'], 0.1)
    eh = _leaky(eh @ p['em_w2'] + p['em_b2'], 0.1)
    e2 = eh @ p['em_w3'] + p['em_b3']
    nm_in = jnp.concatenate([cur[col], e2], axis=1)
    s = jax.ops.segment_sum(nm_in, row, num_segments=N)
    cnt = jax.ops.segment_sum(jnp.ones((nm_in.shape[0], 1), jnp.float32), row, num_segments=N)
    mean = s / jnp.maximum(cnt, 1.0)
    nh = _leaky(mean @ p['nm_w1'] + p['nm_b1'], 0.12)
    logits = nh @ p['nm_w2'] + p['nm_b2']
    return jax.nn.log_softmax(logits, axis=1)


def reference(x, edge_index, e, xbatch, bn_node_g, bn_node_b, bn_edge_g, bn_edge_b,
              nn0_w1, nn0_b1, nn0_w2, nn0_b2, root0, bias0,
              nn1_w1, nn1_b1, nn1_w2, nn1_b2, root1, bias1,
              nn2_w1, nn2_b1, nn2_w2, nn2_b2, root2, bias2,
              em_w1, em_b1, em_w2, em_b2, em_w3, em_b3,
              nm_w1, nm_b1, nm_w2, nm_b2):
    kw = dict(locals())
    edge_index = kw.pop('edge_index')
    xbatch = kw.pop('xbatch')
    return _forward(kw, edge_index, xbatch)

if __name__ == "__main__":
    import jax
    _d = setup_inputs()
    print(jax.jit(kernel)(*tuple(_d.values())))

</pallas_src>

<mosaic_0001>
#map = affine_map<(d0, d1) -> (0, 0)>
#map1 = affine_map<(d0, d1) -> (0)>
module attributes {stable_mosaic.version = 14 : i64} {
  func.func @gk(%arg0: i32, %arg1: i32, %arg2: memref<10000x128xf32, #tpu.memory_space<hbm>>, %arg3: memref<160000xi32, #tpu.memory_space<hbm>>, %arg4: memref<160000x128xf32, #tpu.memory_space<hbm>>, %arg5: memref<200xi32, #tpu.memory_space<vmem>>, %arg6: memref<200x128xf32, #tpu.memory_space<vmem>>, %arg7: memref<!tpu.dma_semaphore, #tpu.memory_space<semaphore_mem>>) attributes {dimension_semantics = [#tpu.dimension_semantics<core_parallel>, #tpu.dimension_semantics<subcore_parallel>], iteration_bounds = array<i64: 2, 16>, scalar_prefetch = 0 : i64, scratch_operands = 3 : i64, tpu.core_type = #tpu.core_type<sc_vector_subcore>, window_params = [{transform_indices = #map}, {transform_indices = #map1}, {transform_indices = #map}]} {
    %mul3A = arith.constant 2 : i32
    %mul3A_0 = arith.muli %arg1, %mul3A : i32
    %add3A = arith.addi %mul3A_0, %arg0 : i32
    %mul3A_1 = arith.constant 5000 : i32
    %mul3A_2 = arith.muli %add3A, %mul3A_1 : i32
    %scan3A = arith.constant 0 : i32
    %scan3A_3 = arith.constant 0 : i32
    %scan3A_4 = arith.constant 25 : i32
    %scan3A_5 = arith.addi %scan3A_3, %scan3A_4 : i32
    %scan3A_6 = arith.constant 1 : i32
    scf.for %scan3A_8 = %scan3A_3 to %scan3A_5 step %scan3A_6  : i32 {
      %mul3A_9 = arith.constant 200 : i32
      %mul3A_10 = arith.muli %scan3A_8, %mul3A_9 : i32
      %add3A_11 = arith.addi %mul3A_2, %mul3A_10 : i32
      "tpu.region"() ({
        %run_scoped3A = tpu.sem_alloc : memref<!tpu.dma_semaphore, #tpu.memory_space<semaphore_mem>>
        %dma_start3A_16 = tpu.memref_slice %arg3[%add3A_11] : memref<160000xi32, #tpu.memory_space<hbm>> -> memref<200xi32, #tpu.memory_space<hbm>>
        %dma_start3A_17 = tpu.memref_slice %arg3[%add3A_11] : memref<160000xi32, #tpu.memory_space<hbm>> -> memref<200xi32, #tpu.memory_space<hbm>>
        tpu.enqueue_dma source(%dma_start3A_17 : memref<200xi32, #tpu.memory_space<hbm>>) target(%arg5 : memref<200xi32, #tpu.memory_space<vmem>>) target_semaphore(%run_scoped3A : memref<!tpu.dma_semaphore, #tpu.memory_space<semaphore_mem>>)
        %dma_wait3A_18 = tpu.memref_slice %arg3[%add3A_11] : memref<160000xi32, #tpu.memory_space<hbm>> -> memref<200xi32, #tpu.memory_space<hbm>>
        %dma_wait3A_19 = tpu.memref_slice %arg3[%add3A_11] : memref<160000xi32, #tpu.memory_space<hbm>> -> memref<200xi32, #tpu.memory_space<hbm>>
        tpu.wait_dma2 semaphore(%run_scoped3A : memref<!tpu.dma_semaphore, #tpu.memory_space<semaphore_mem>>) src(%dma_wait3A_19 : memref<200xi32, #tpu.memory_space<hbm>>) dst(%arg5 : memref<200xi32, #tpu.memory_space<vmem>>)
        tpu.yield
      }) : () -> ()
      %dma_start3A = arith.constant 0 : i32
      %dma_start3A_12 = arith.constant 0 : i32
      %dma_start3A_13 = tpu.memref_slice %arg2[%dma_start3A, %dma_start3A_12] : memref<10000x128xf32, #tpu.memory_space<hbm>> -> memref<10000x128xf32, #tpu.memory_space<hbm>>
      tpu.enqueue_indirect_dma source(%dma_start3A_13 : memref<10000x128xf32, #tpu.memory_space<hbm>>) target(%arg6 : memref<200x128xf32, #tpu.memory_space<vmem>>) offsets(%arg5 : memref<200xi32, #tpu.memory_space<vmem>>) semaphore(%arg7 : memref<!tpu.dma_semaphore, #tpu.memory_space<semaphore_mem>>)
      %dma_wait3A = arith.constant 0 : i32
      %dma_wait3A_14 = arith.constant 0 : i32
      %dma_wait3A_15 = tpu.memref_slice %arg2[%dma_wait3A, %dma_wait3A_14] : memref<10000x128xf32, #tpu.memory_space<hbm>> -> memref<10000x128xf32, #tpu.memory_space<hbm>>
      tpu.wait_indirect_dma semaphore(%arg7 : memref<!tpu.dma_semaphore, #tpu.memory_space<semaphore_mem>>) src(%dma_wait3A_15 : memref<10000x128xf32, #tpu.memory_space<hbm>>) dst(%arg6 : memref<200x128xf32, #tpu.memory_space<vmem>>)
      "tpu.region"() ({
        %run_scoped3A = tpu.sem_alloc : memref<!tpu.dma_semaphore, #tpu.memory_space<semaphore_mem>>
        %dma_start3A_16 = arith.constant 0 : i32
        %dma_start3A_17 = tpu.memref_slice %arg4[%add3A_11, %dma_start3A_16] : memref<160000x128xf32, #tpu.memory_space<hbm>> -> memref<200x128xf32, #tpu.memory_space<hbm>>
        %dma_start3A_18 = arith.constant 0 : i32
        %dma_start3A_19 = tpu.memref_slice %arg4[%add3A_11, %dma_start3A_18] : memref<160000x128xf32, #tpu.memory_space<hbm>> -> memref<200x128xf32, #tpu.memory_space<hbm>>
        tpu.enqueue_dma source(%arg6 : memref<200x128xf32, #tpu.memory_space<vmem>>) target(%dma_start3A_19 : memref<200x128xf32, #tpu.memory_space<hbm>>) target_semaphore(%run_scoped3A : memref<!tpu.dma_semaphore, #tpu.memory_space<semaphore_mem>>)
        %dma_wait3A_20 = arith.constant 0 : i32
        %dma_wait3A_21 = tpu.memref_slice %arg4[%add3A_11, %dma_wait3A_20] : memref<160000x128xf32, #tpu.memory_space<hbm>> -> memref<200x128xf32, #tpu.memory_space<hbm>>
        %dma_wait3A_22 = arith.constant 0 : i32
        %dma_wait3A_23 = tpu.memref_slice %arg4[%add3A_11, %dma_wait3A_22] : memref<160000x128xf32, #tpu.memory_space<hbm>> -> memref<200x128xf32, #tpu.memory_space<hbm>>
        tpu.wait_dma2 semaphore(%run_scoped3A : memref<!tpu.dma_semaphore, #tpu.memory_space<semaphore_mem>>) src(%arg6 : memref<200x128xf32, #tpu.memory_space<vmem>>) dst(%dma_wait3A_23 : memref<200x128xf32, #tpu.memory_space<hbm>>)
        tpu.yield
      }) : () -> ()
    }
    %scan3A_7 = arith.constant 25 : i32
    return
  }
}

#map = affine_map<(d0, d1) -> (0, 0)>
#map1 = affine_map<(d0, d1) -> (0)>
module attributes {stable_mosaic.version = 14 : i64} {
  func.func @gk(%arg0: i32, %arg1: i32, %arg2: memref<10000x128xf32, #tpu.memory_space<hbm>>, %arg3: memref<160000xi32, #tpu.memory_space<hbm>>, %arg4: memref<160000x128xf32, #tpu.memory_space<hbm>>, %arg5: memref<200xi32, #tpu.memory_space<vmem>>, %arg6: memref<200x128xf32, #tpu.memory_space<vmem>>, %arg7: memref<!tpu.dma_semaphore, #tpu.memory_space<semaphore_mem>>) attributes {dimension_semantics = [#tpu.dimension_semantics<core_parallel>, #tpu.dimension_semantics<subcore_parallel>], iteration_bounds = array<i64: 2, 16>, scalar_prefetch = 0 : i64, scratch_operands = 3 : i64, tpu.core_type = #tpu.core_type<sc_vector_subcore>, window_params = [{transform_indices = #map}, {transform_indices = #map1}, {transform_indices = #map}]} {
    %mul3A = arith.constant 2 : i32
    %mul3A_0 = arith.muli %arg1, %mul3A : i32
    %add3A = arith.addi %mul3A_0, %arg0 : i32
    %mul3A_1 = arith.constant 5000 : i32
    %mul3A_2 = arith.muli %add3A, %mul3A_1 : i32
    %scan3A = arith.constant 0 : i32
    %scan3A_3 = arith.constant 0 : i32
    %scan3A_4 = arith.constant 25 : i32
    %scan3A_5 = arith.addi %scan3A_3, %scan3A_4 : i32
    %scan3A_6 = arith.constant 1 : i32
    scf.for %scan3A_8 = %scan3A_3 to %scan3A_5 step %scan3A_6  : i32 {
      %mul3A_9 = arith.constant 200 : i32
      %mul3A_10 = arith.muli %scan3A_8, %mul3A_9 : i32
      %add3A_11 = arith.addi %mul3A_2, %mul3A_10 : i32
      "tpu.region"() ({
        %run_scoped3A = tpu.sem_alloc : memref<!tpu.dma_semaphore, #tpu.memory_space<semaphore_mem>>
        %dma_start3A_16 = tpu.memref_slice %arg3[%add3A_11] : memref<160000xi32, #tpu.memory_space<hbm>> -> memref<200xi32, #tpu.memory_space<hbm>>
        %dma_start3A_17 = tpu.memref_slice %arg3[%add3A_11] : memref<160000xi32, #tpu.memory_space<hbm>> -> memref<200xi32, #tpu.memory_space<hbm>>
        tpu.enqueue_dma source(%dma_start3A_17 : memref<200xi32, #tpu.memory_space<hbm>>) target(%arg5 : memref<200xi32, #tpu.memory_space<vmem>>) target_semaphore(%run_scoped3A : memref<!tpu.dma_semaphore, #tpu.memory_space<semaphore_mem>>)
        %dma_wait3A_18 = tpu.memref_slice %arg3[%add3A_11] : memref<160000xi32, #tpu.memory_space<hbm>> -> memref<200xi32, #tpu.memory_space<hbm>>
        %dma_wait3A_19 = tpu.memref_slice %arg3[%add3A_11] : memref<160000xi32, #tpu.memory_space<hbm>> -> memref<200xi32, #tpu.memory_space<hbm>>
        tpu.wait_dma2 semaphore(%run_scoped3A : memref<!tpu.dma_semaphore, #tpu.memory_space<semaphore_mem>>) src(%dma_wait3A_19 : memref<200xi32, #tpu.memory_space<hbm>>) dst(%arg5 : memref<200xi32, #tpu.memory_space<vmem>>)
        tpu.yield
      }) : () -> ()
      %dma_start3A = arith.constant 0 : i32
      %dma_start3A_12 = arith.constant 0 : i32
      %dma_start3A_13 = tpu.memref_slice %arg2[%dma_start3A, %dma_start3A_12] : memref<10000x128xf32, #tpu.memory_space<hbm>> -> memref<10000x128xf32, #tpu.memory_space<hbm>>
      tpu.enqueue_indirect_dma source(%dma_start3A_13 : memref<10000x128xf32, #tpu.memory_space<hbm>>) target(%arg6 : memref<200x128xf32, #tpu.memory_space<vmem>>) offsets(%arg5 : memref<200xi32, #tpu.memory_space<vmem>>) semaphore(%arg7 : memref<!tpu.dma_semaphore, #tpu.memory_space<semaphore_mem>>)
      %dma_wait3A = arith.constant 0 : i32
      %dma_wait3A_14 = arith.constant 0 : i32
      %dma_wait3A_15 = tpu.memref_slice %arg2[%dma_wait3A, %dma_wait3A_14] : memref<10000x128xf32, #tpu.memory_space<hbm>> -> memref<10000x128xf32, #tpu.memory_space<hbm>>
      tpu.wait_indirect_dma semaphore(%arg7 : memref<!tpu.dma_semaphore, #tpu.memory_space<semaphore_mem>>) src(%dma_wait3A_15 : memref<10000x128xf32, #tpu.memory_space<hbm>>) dst(%arg6 : memref<200x128xf32, #tpu.memory_space<vmem>>)
      "tpu.region"() ({
        %run_scoped3A = tpu.sem_alloc : memref<!tpu.dma_semaphore, #tpu.memory_space<semaphore_mem>>
        %dma_start3A_16 = arith.constant 0 : i32
        %dma_start3A_17 = tpu.memref_slice %arg4[%add3A_11, %dma_start3A_16] : memref<160000x128xf32, #tpu.memory_space<hbm>> -> memref<200x128xf32, #tpu.memory_space<hbm>>
        %dma_start3A_18 = arith.constant 0 : i32
        %dma_start3A_19 = tpu.memref_slice %arg4[%add3A_11, %dma_start3A_18] : memref<160000x128xf32, #tpu.memory_space<hbm>> -> memref<200x128xf32, #tpu.memory_space<hbm>>
        tpu.enqueue_dma source(%arg6 : memref<200x128xf32, #tpu.memory_space<vmem>>) target(%dma_start3A_19 : memref<200x128xf32, #tpu.memory_space<hbm>>) target_semaphore(%run_scoped3A : memref<!tpu.dma_semaphore, #tpu.memory_space<semaphore_mem>>)
        %dma_wait3A_20 = arith.constant 0 : i32
        %dma_wait3A_21 = tpu.memref_slice %arg4[%add3A_11, %dma_wait3A_20] : memref<160000x128xf32, #tpu.memory_space<hbm>> -> memref<200x128xf32, #tpu.memory_space<hbm>>
        %dma_wait3A_22 = arith.constant 0 : i32
        %dma_wait3A_23 = tpu.memref_slice %arg4[%add3A_11, %dma_wait3A_22] : memref<160000x128xf32, #tpu.memory_space<hbm>> -> memref<200x128xf32, #tpu.memory_space<hbm>>
        tpu.wait_dma2 semaphore(%run_scoped3A : memref<!tpu.dma_semaphore, #tpu.memory_space<semaphore_mem>>) src(%arg6 : memref<200x128xf32, #tpu.memory_space<vmem>>) dst(%dma_wait3A_23 : memref<200x128xf32, #tpu.memory_space<hbm>>)
        tpu.yield
      }) : () -> ()
    }
    %scan3A_7 = arith.constant 25 : i32
    return
  }
}

#map = affine_map<(d0, d1) -> (0, 0)>
#map1 = affine_map<(d0, d1) -> (0)>
module attributes {stable_mosaic.version = 14 : i64} {
  func.func @sk(%arg0: i32, %arg1: i32, %arg2: memref<160000x128xf32, #tpu.memory_space<hbm>>, %arg3: memref<160000xi32, #tpu.memory_space<hbm>>, %arg4: memref<10240x128xf32, #tpu.memory_space<hbm>>, %arg5: memref<20480x128xf32, #tpu.memory_space<hbm>>, %arg6: memref<200xi32, #tpu.memory_space<vmem>>, %arg7: memref<200x128xf32, #tpu.memory_space<vmem>>, %arg8: memref<10240x128xf32, #tpu.memory_space<vmem_shared>>, %arg9: memref<!tpu.dma_semaphore, #tpu.memory_space<semaphore_mem>>, %arg10: memref<!tpu.dma_semaphore, #tpu.memory_space<semaphore_mem>>) attributes {dimension_semantics = [#tpu.dimension_semantics<core_parallel>, #tpu.dimension_semantics<subcore_parallel>], iteration_bounds = array<i64: 2, 16>, scalar_prefetch = 0 : i64, scratch_operands = 5 : i64, tpu.core_type = #tpu.core_type<sc_vector_subcore>, window_params = [{transform_indices = #map}, {transform_indices = #map1}, {transform_indices = #map}, {transform_indices = #map}]} {
    %mul3A = arith.constant 640 : i32
    %mul3A_0 = arith.muli %arg1, %mul3A : i32
    "tpu.region"() ({
      %run_scoped3A = tpu.sem_alloc : memref<!tpu.dma_semaphore, #tpu.memory_space<semaphore_mem>>
      %dma_start3A = arith.constant 0 : i32
      %dma_start3A_14 = tpu.memref_slice %arg8[%mul3A_0, %dma_start3A] : memref<10240x128xf32, #tpu.memory_space<vmem_shared>> -> memref<640x128xf32, #tpu.memory_space<vmem_shared>>
      %dma_start3A_15 = arith.constant 0 : i32
      %dma_start3A_16 = tpu.memref_slice %arg4[%mul3A_0, %dma_start3A_15] : memref<10240x128xf32, #tpu.memory_space<hbm>> -> memref<640x128xf32, #tpu.memory_space<hbm>>
      tpu.enqueue_dma source(%dma_start3A_16 : memref<640x128xf32, #tpu.memory_space<hbm>>) target(%dma_start3A_14 : memref<640x128xf32, #tpu.memory_space<vmem_shared>>) target_semaphore(%run_scoped3A : memref<!tpu.dma_semaphore, #tpu.memory_space<semaphore_mem>>)
      %dma_wait3A = arith.constant 0 : i32
      %dma_wait3A_17 = tpu.memref_slice %arg8[%mul3A_0, %dma_wait3A] : memref<10240x128xf32, #tpu.memory_space<vmem_shared>> -> memref<640x128xf32, #tpu.memory_space<vmem_shared>>
      %dma_wait3A_18 = arith.constant 0 : i32
      %dma_wait3A_19 = tpu.memref_slice %arg4[%mul3A_0, %dma_wait3A_18] : memref<10240x128xf32, #tpu.memory_space<hbm>> -> memref<640x128xf32, #tpu.memory_space<hbm>>
      tpu.wait_dma2 semaphore(%run_scoped3A : memref<!tpu.dma_semaphore, #tpu.memory_space<semaphore_mem>>) src(%dma_wait3A_19 : memref<640x128xf32, #tpu.memory_space<hbm>>) dst(%dma_wait3A_17 : memref<640x128xf32, #tpu.memory_space<vmem_shared>>)
      tpu.yield
    }) : () -> ()
    %barrier3A = arith.constant 0 : index
    tpu.barrier barrier_id(%barrier3A)
    %mul3A_1 = arith.constant 80000 : i32
    %mul3A_2 = arith.muli %arg0, %mul3A_1 : i32
    %mul3A_3 = arith.constant 5000 : i32
    %mul3A_4 = arith.muli %arg1, %mul3A_3 : i32
    %add3A = arith.addi %mul3A_2, %mul3A_4 : i32
    %scan3A = arith.constant 0 : i32
    %scan3A_5 = arith.constant 0 : i32
    %scan3A_6 = arith.constant 25 : i32
    %scan3A_7 = arith.addi %scan3A_5, %scan3A_6 : i32
    %scan3A_8 = arith.constant 1 : i32
    scf.for %scan3A_14 = %scan3A_5 to %scan3A_7 step %scan3A_8  : i32 {
      %mul3A_15 = arith.constant 200 : i32
      %mul3A_16 = arith.muli %scan3A_14, %mul3A_15 : i32
      %add3A_17 = arith.addi %add3A, %mul3A_16 : i32
      %dma_start3A = tpu.memref_slice %arg3[%add3A_17] : memref<160000xi32, #tpu.memory_space<hbm>> -> memref<200xi32, #tpu.memory_space<hbm>>
      %dma_start3A_18 = tpu.memref_slice %arg3[%add3A_17] : memref<160000xi32, #tpu.memory_space<hbm>> -> memref<200xi32, #tpu.memory_space<hbm>>
      tpu.enqueue_dma source(%dma_start3A_18 : memref<200xi32, #tpu.memory_space<hbm>>) target(%arg6 : memref<200xi32, #tpu.memory_space<vmem>>) target_semaphore(%arg9 : memref<!tpu.dma_semaphore, #tpu.memory_space<semaphore_mem>>)
      %dma_start3A_19 = arith.constant 0 : i32
      %dma_start3A_20 = tpu.memref_slice %arg2[%add3A_17, %dma_start3A_19] : memref<160000x128xf32, #tpu.memory_space<hbm>> -> memref<200x128xf32, #tpu.memory_space<hbm>>
      %dma_start3A_21 = arith.constant 0 : i32
      %dma_start3A_22 = tpu.memref_slice %arg2[%add3A_17, %dma_start3A_21] : memref<160000x128xf32, #tpu.memory_space<hbm>> -> memref<200x128xf32, #tpu.memory_space<hbm>>
      tpu.enqueue_dma source(%dma_start3A_22 : memref<200x128xf32, #tpu.memory_space<hbm>>) target(%arg7 : memref<200x128xf32, #tpu.memory_space<vmem>>) target_semaphore(%arg10 : memref<!tpu.dma_semaphore, #tpu.memory_space<semaphore_mem>>)
      %dma_wait3A = tpu.memref_slice %arg3[%add3A_17] : memref<160000xi32, #tpu.memory_space<hbm>> -> memref<200xi32, #tpu.memory_space<hbm>>
      %dma_wait3A_23 = tpu.memref_slice %arg3[%add3A_17] : memref<160000xi32, #tpu.memory_space<hbm>> -> memref<200xi32, #tpu.memory_space<hbm>>
      tpu.wait_dma2 semaphore(%arg9 : memref<!tpu.dma_semaphore, #tpu.memory_space<semaphore_mem>>) src(%dma_wait3A_23 : memref<200xi32, #tpu.memory_space<hbm>>) dst(%arg6 : memref<200xi32, #tpu.memory_space<vmem>>)
      %dma_wait3A_24 = arith.constant 0 : i32
      %dma_wait3A_25 = tpu.memref_slice %arg2[%add3A_17, %dma_wait3A_24] : memref<160000x128xf32, #tpu.memory_space<hbm>> -> memref<200x128xf32, #tpu.memory_space<hbm>>
      %dma_wait3A_26 = arith.constant 0 : i32
      %dma_wait3A_27 = tpu.memref_slice %arg2[%add3A_17, %dma_wait3A_26] : memref<160000x128xf32, #tpu.memory_space<hbm>> -> memref<200x128xf32, #tpu.memory_space<hbm>>
      tpu.wait_dma2 semaphore(%arg10 : memref<!tpu.dma_semaphore, #tpu.memory_space<semaphore_mem>>) src(%dma_wait3A_27 : memref<200x128xf32, #tpu.memory_space<hbm>>) dst(%arg7 : memref<200x128xf32, #tpu.memory_space<vmem>>)
      "tpu.region"() ({
        %run_scoped3A = tpu.sem_alloc : memref<!tpu.dma_semaphore, #tpu.memory_space<semaphore_mem>>
        %dma_start3A_28 = arith.constant 0 : i32
        %dma_start3A_29 = arith.constant 0 : i32
        %dma_start3A_30 = tpu.memref_slice %arg8[%dma_start3A_28, %dma_start3A_29] : memref<10240x128xf32, #tpu.memory_space<vmem_shared>> -> memref<10240x128xf32, #tpu.memory_space<vmem_shared>>
        tpu.enqueue_indirect_dma source(%arg7 : memref<200x128xf32, #tpu.memory_space<vmem>>) target(%dma_start3A_30 : memref<10240x128xf32, #tpu.memory_space<vmem_shared>>) offsets(%arg6 : memref<200xi32, #tpu.memory_space<vmem>>) semaphore(%run_scoped3A : memref<!tpu.dma_semaphore, #tpu.memory_space<semaphore_mem>>) {add = true}
        %dma_wait3A_31 = arith.constant 0 : i32
        %dma_wait3A_32 = arith.constant 0 : i32
        %dma_wait3A_33 = tpu.memref_slice %arg8[%dma_wait3A_31, %dma_wait3A_32] : memref<10240x128xf32, #tpu.memory_space<vmem_shared>> -> memref<10240x128xf32, #tpu.memory_space<vmem_shared>>
        tpu.wait_indirect_dma semaphore(%run_scoped3A : memref<!tpu.dma_semaphore, #tpu.memory_space<semaphore_mem>>) src(%arg7 : memref<200x128xf32, #tpu.memory_space<vmem>>) dst(%dma_wait3A_33 : memref<10240x128xf32, #tpu.memory_space<vmem_shared>>)
        tpu.yield
      }) : () -> ()
    }
    %scan3A_9 = arith.constant 25 : i32
    %barrier3A_10 = arith.constant 0 : index
    tpu.barrier barrier_id(%barrier3A_10)
    %mul3A_11 = arith.constant 10240 : i32
    %mul3A_12 = arith.muli %arg0, %mul3A_11 : i32
    %add3A_13 = arith.addi %mul3A_12, %mul3A_0 : i32
    "tpu.region"() ({
      %run_scoped3A = tpu.sem_alloc : memref<!tpu.dma_semaphore, #tpu.memory_space<semaphore_mem>>
      %dma_start3A = arith.constant 0 : i32
      %dma_start3A_14 = tpu.memref_slice %arg5[%add3A_13, %dma_start3A] : memref<20480x128xf32, #tpu.memory_space<hbm>> -> memref<640x128xf32, #tpu.memory_space<hbm>>
      %dma_start3A_15 = arith.constant 0 : i32
      %dma_start3A_16 = tpu.memref_slice %arg8[%mul3A_0, %dma_start3A_15] : memref<10240x128xf32, #tpu.memory_space<vmem_shared>> -> memref<640x128xf32, #tpu.memory_space<vmem_shared>>
      tpu.enqueue_dma source(%dma_start3A_16 : memref<640x128xf32, #tpu.memory_space<vmem_shared>>) target(%dma_start3A_14 : memref<640x128xf32, #tpu.memory_space<hbm>>) target_semaphore(%run_scoped3A : memref<!tpu.dma_semaphore, #tpu.memory_space<semaphore_mem>>)
      %dma_wait3A = arith.constant 0 : i32
      %dma_wait3A_17 = tpu.memref_slice %arg5[%add3A_13, %dma_wait3A] : memref<20480x128xf32, #tpu.memory_space<hbm>> -> memref<640x128xf32, #tpu.memory_space<hbm>>
      %dma_wait3A_18 = arith.constant 0 : i32
      %dma_wait3A_19 = tpu.memref_slice %arg8[%mul3A_0, %dma_wait3A_18] : memref<10240x128xf32, #tpu.memory_space<vmem_shared>> -> memref<640x128xf32, #tpu.memory_space<vmem_shared>>
      tpu.wait_dma2 semaphore(%run_scoped3A : memref<!tpu.dma_semaphore, #tpu.memory_space<semaphore_mem>>) src(%dma_wait3A_19 : memref<640x128xf32, #tpu.memory_space<vmem_shared>>) dst(%dma_wait3A_17 : memref<640x128xf32, #tpu.memory_space<hbm>>)
      tpu.yield
    }) : () -> ()
    return
  }
}

#map = affine_map<(d0, d1) -> (0, 0)>
#map1 = affine_map<(d0, d1) -> (0)>
module attributes {stable_mosaic.version = 14 : i64} {
  func.func @sk(%arg0: i32, %arg1: i32, %arg2: memref<160000x128xf32, #tpu.memory_space<hbm>>, %arg3: memref<160000xi32, #tpu.memory_space<hbm>>, %arg4: memref<10240x128xf32, #tpu.memory_space<hbm>>, %arg5: memref<20480x128xf32, #tpu.memory_space<hbm>>, %arg6: memref<200xi32, #tpu.memory_space<vmem>>, %arg7: memref<200x128xf32, #tpu.memory_space<vmem>>, %arg8: memref<10240x128xf32, #tpu.memory_space<vmem_shared>>, %arg9: memref<!tpu.dma_semaphore, #tpu.memory_space<semaphore_mem>>, %arg10: memref<!tpu.dma_semaphore, #tpu.memory_space<semaphore_mem>>) attributes {dimension_semantics = [#tpu.dimension_semantics<core_parallel>, #tpu.dimension_semantics<subcore_parallel>], iteration_bounds = array<i64: 2, 16>, scalar_prefetch = 0 : i64, scratch_operands = 5 : i64, tpu.core_type = #tpu.core_type<sc_vector_subcore>, window_params = [{transform_indices = #map}, {transform_indices = #map1}, {transform_indices = #map}, {transform_indices = #map}]} {
    %mul3A = arith.constant 640 : i32
    %mul3A_0 = arith.muli %arg1, %mul3A : i32
    "tpu.region"() ({
      %run_scoped3A = tpu.sem_alloc : memref<!tpu.dma_semaphore, #tpu.memory_space<semaphore_mem>>
      %dma_start3A = arith.constant 0 : i32
      %dma_start3A_14 = tpu.memref_slice %arg8[%mul3A_0, %dma_start3A] : memref<10240x128xf32, #tpu.memory_space<vmem_shared>> -> memref<640x128xf32, #tpu.memory_space<vmem_shared>>
      %dma_start3A_15 = arith.constant 0 : i32
      %dma_start3A_16 = tpu.memref_slice %arg4[%mul3A_0, %dma_start3A_15] : memref<10240x128xf32, #tpu.memory_space<hbm>> -> memref<640x128xf32, #tpu.memory_space<hbm>>
      tpu.enqueue_dma source(%dma_start3A_16 : memref<640x128xf32, #tpu.memory_space<hbm>>) target(%dma_start3A_14 : memref<640x128xf32, #tpu.memory_space<vmem_shared>>) target_semaphore(%run_scoped3A : memref<!tpu.dma_semaphore, #tpu.memory_space<semaphore_mem>>)
      %dma_wait3A = arith.constant 0 : i32
      %dma_wait3A_17 = tpu.memref_slice %arg8[%mul3A_0, %dma_wait3A] : memref<10240x128xf32, #tpu.memory_space<vmem_shared>> -> memref<640x128xf32, #tpu.memory_space<vmem_shared>>
      %dma_wait3A_18 = arith.constant 0 : i32
      %dma_wait3A_19 = tpu.memref_slice %arg4[%mul3A_0, %dma_wait3A_18] : memref<10240x128xf32, #tpu.memory_space<hbm>> -> memref<640x128xf32, #tpu.memory_space<hbm>>
      tpu.wait_dma2 semaphore(%run_scoped3A : memref<!tpu.dma_semaphore, #tpu.memory_space<semaphore_mem>>) src(%dma_wait3A_19 : memref<640x128xf32, #tpu.memory_space<hbm>>) dst(%dma_wait3A_17 : memref<640x128xf32, #tpu.memory_space<vmem_shared>>)
      tpu.yield
    }) : () -> ()
    %barrier3A = arith.constant 0 : index
    tpu.barrier barrier_id(%barrier3A)
    %mul3A_1 = arith.constant 80000 : i32
    %mul3A_2 = arith.muli %arg0, %mul3A_1 : i32
    %mul3A_3 = arith.constant 5000 : i32
    %mul3A_4 = arith.muli %arg1, %mul3A_3 : i32
    %add3A = arith.addi %mul3A_2, %mul3A_4 : i32
    %scan3A = arith.constant 0 : i32
    %scan3A_5 = arith.constant 0 : i32
    %scan3A_6 = arith.constant 25 : i32
    %scan3A_7 = arith.addi %scan3A_5, %scan3A_6 : i32
    %scan3A_8 = arith.constant 1 : i32
    scf.for %scan3A_14 = %scan3A_5 to %scan3A_7 step %scan3A_8  : i32 {
      %mul3A_15 = arith.constant 200 : i32
      %mul3A_16 = arith.muli %scan3A_14, %mul3A_15 : i32
      %add3A_17 = arith.addi %add3A, %mul3A_16 : i32
      %dma_start3A = tpu.memref_slice %arg3[%add3A_17] : memref<160000xi32, #tpu.memory_space<hbm>> -> memref<200xi32, #tpu.memory_space<hbm>>
      %dma_start3A_18 = tpu.memref_slice %arg3[%add3A_17] : memref<160000xi32, #tpu.memory_space<hbm>> -> memref<200xi32, #tpu.memory_space<hbm>>
      tpu.enqueue_dma source(%dma_start3A_18 : memref<200xi32, #tpu.memory_space<hbm>>) target(%arg6 : memref<200xi32, #tpu.memory_space<vmem>>) target_semaphore(%arg9 : memref<!tpu.dma_semaphore, #tpu.memory_space<semaphore_mem>>)
      %dma_start3A_19 = arith.constant 0 : i32
      %dma_start3A_20 = tpu.memref_slice %arg2[%add3A_17, %dma_start3A_19] : memref<160000x128xf32, #tpu.memory_space<hbm>> -> memref<200x128xf32, #tpu.memory_space<hbm>>
      %dma_start3A_21 = arith.constant 0 : i32
      %dma_start3A_22 = tpu.memref_slice %arg2[%add3A_17, %dma_start3A_21] : memref<160000x128xf32, #tpu.memory_space<hbm>> -> memref<200x128xf32, #tpu.memory_space<hbm>>
      tpu.enqueue_dma source(%dma_start3A_22 : memref<200x128xf32, #tpu.memory_space<hbm>>) target(%arg7 : memref<200x128xf32, #tpu.memory_space<vmem>>) target_semaphore(%arg10 : memref<!tpu.dma_semaphore, #tpu.memory_space<semaphore_mem>>)
      %dma_wait3A = tpu.memref_slice %arg3[%add3A_17] : memref<160000xi32, #tpu.memory_space<hbm>> -> memref<200xi32, #tpu.memory_space<hbm>>
      %dma_wait3A_23 = tpu.memref_slice %arg3[%add3A_17] : memref<160000xi32, #tpu.memory_space<hbm>> -> memref<200xi32, #tpu.memory_space<hbm>>
      tpu.wait_dma2 semaphore(%arg9 : memref<!tpu.dma_semaphore, #tpu.memory_space<semaphore_mem>>) src(%dma_wait3A_23 : memref<200xi32, #tpu.memory_space<hbm>>) dst(%arg6 : memref<200xi32, #tpu.memory_space<vmem>>)
      %dma_wait3A_24 = arith.constant 0 : i32
      %dma_wait3A_25 = tpu.memref_slice %arg2[%add3A_17, %dma_wait3A_24] : memref<160000x128xf32, #tpu.memory_space<hbm>> -> memref<200x128xf32, #tpu.memory_space<hbm>>
      %dma_wait3A_26 = arith.constant 0 : i32
      %dma_wait3A_27 = tpu.memref_slice %arg2[%add3A_17, %dma_wait3A_26] : memref<160000x128xf32, #tpu.memory_space<hbm>> -> memref<200x128xf32, #tpu.memory_space<hbm>>
      tpu.wait_dma2 semaphore(%arg10 : memref<!tpu.dma_semaphore, #tpu.memory_space<semaphore_mem>>) src(%dma_wait3A_27 : memref<200x128xf32, #tpu.memory_space<hbm>>) dst(%arg7 : memref<200x128xf32, #tpu.memory_space<vmem>>)
      "tpu.region"() ({
        %run_scoped3A = tpu.sem_alloc : memref<!tpu.dma_semaphore, #tpu.memory_space<semaphore_mem>>
        %dma_start3A_28 = arith.constant 0 : i32
        %dma_start3A_29 = arith.constant 0 : i32
        %dma_start3A_30 = tpu.memref_slice %arg8[%dma_start3A_28, %dma_start3A_29] : memref<10240x128xf32, #tpu.memory_space<vmem_shared>> -> memref<10240x128xf32, #tpu.memory_space<vmem_shared>>
        tpu.enqueue_indirect_dma source(%arg7 : memref<200x128xf32, #tpu.memory_space<vmem>>) target(%dma_start3A_30 : memref<10240x128xf32, #tpu.memory_space<vmem_shared>>) offsets(%arg6 : memref<200xi32, #tpu.memory_space<vmem>>) semaphore(%run_scoped3A : memref<!tpu.dma_semaphore, #tpu.memory_space<semaphore_mem>>) {add = true}
        %dma_wait3A_31 = arith.constant 0 : i32
        %dma_wait3A_32 = arith.constant 0 : i32
        %dma_wait3A_33 = tpu.memref_slice %arg8[%dma_wait3A_31, %dma_wait3A_32] : memref<10240x128xf32, #tpu.memory_space<vmem_shared>> -> memref<10240x128xf32, #tpu.memory_space<vmem_shared>>
        tpu.wait_indirect_dma semaphore(%run_scoped3A : memref<!tpu.dma_semaphore, #tpu.memory_space<semaphore_mem>>) src(%arg7 : memref<200x128xf32, #tpu.memory_space<vmem>>) dst(%dma_wait3A_33 : memref<10240x128xf32, #tpu.memory_space<vmem_shared>>)
        tpu.yield
      }) : () -> ()
    }
    %scan3A_9 = arith.constant 25 : i32
    %barrier3A_10 = arith.constant 0 : index
    tpu.barrier barrier_id(%barrier3A_10)
    %mul3A_11 = arith.constant 10240 : i32
    %mul3A_12 = arith.muli %arg0, %mul3A_11 : i32
    %add3A_13 = arith.addi %mul3A_12, %mul3A_0 : i32
    "tpu.region"() ({
      %run_scoped3A = tpu.sem_alloc : memref<!tpu.dma_semaphore, #tpu.memory_space<semaphore_mem>>
      %dma_start3A = arith.constant 0 : i32
      %dma_start3A_14 = tpu.memref_slice %arg5[%add3A_13, %dma_start3A] : memref<20480x128xf32, #tpu.memory_space<hbm>> -> memref<640x128xf32, #tpu.memory_space<hbm>>
      %dma_start3A_15 = arith.constant 0 : i32
      %dma_start3A_16 = tpu.memref_slice %arg8[%mul3A_0, %dma_start3A_15] : memref<10240x128xf32, #tpu.memory_space<vmem_shared>> -> memref<640x128xf32, #tpu.memory_space<vmem_shared>>
      tpu.enqueue_dma source(%dma_start3A_16 : memref<640x128xf32, #tpu.memory_space<vmem_shared>>) target(%dma_start3A_14 : memref<640x128xf32, #tpu.memory_space<hbm>>) target_semaphore(%run_scoped3A : memref<!tpu.dma_semaphore, #tpu.memory_space<semaphore_mem>>)
      %dma_wait3A = arith.constant 0 : i32
      %dma_wait3A_17 = tpu.memref_slice %arg5[%add3A_13, %dma_wait3A] : memref<20480x128xf32, #tpu.memory_space<hbm>> -> memref<640x128xf32, #tpu.memory_space<hbm>>
      %dma_wait3A_18 = arith.constant 0 : i32
      %dma_wait3A_19 = tpu.memref_slice %arg8[%mul3A_0, %dma_wait3A_18] : memref<10240x128xf32, #tpu.memory_space<vmem_shared>> -> memref<640x128xf32, #tpu.memory_space<vmem_shared>>
      tpu.wait_dma2 semaphore(%run_scoped3A : memref<!tpu.dma_semaphore, #tpu.memory_space<semaphore_mem>>) src(%dma_wait3A_19 : memref<640x128xf32, #tpu.memory_space<vmem_shared>>) dst(%dma_wait3A_17 : memref<640x128xf32, #tpu.memory_space<hbm>>)
      tpu.yield
    }) : () -> ()
    return
  }
}

#map = affine_map<(d0, d1) -> (0, 0)>
#map1 = affine_map<(d0, d1) -> (0)>
module attributes {stable_mosaic.version = 14 : i64} {
  func.func @gk(%arg0: i32, %arg1: i32, %arg2: memref<10000x128xf32, #tpu.memory_space<hbm>>, %arg3: memref<160000xi32, #tpu.memory_space<hbm>>, %arg4: memref<160000x128xf32, #tpu.memory_space<hbm>>, %arg5: memref<200xi32, #tpu.memory_space<vmem>>, %arg6: memref<200x128xf32, #tpu.memory_space<vmem>>, %arg7: memref<!tpu.dma_semaphore, #tpu.memory_space<semaphore_mem>>) attributes {dimension_semantics = [#tpu.dimension_semantics<core_parallel>, #tpu.dimension_semantics<subcore_parallel>], iteration_bounds = array<i64: 2, 16>, scalar_prefetch = 0 : i64, scratch_operands = 3 : i64, tpu.core_type = #tpu.core_type<sc_vector_subcore>, window_params = [{transform_indices = #map}, {transform_indices = #map1}, {transform_indices = #map}]} {
    %mul3A = arith.constant 2 : i32
    %mul3A_0 = arith.muli %arg1, %mul3A : i32
    %add3A = arith.addi %mul3A_0, %arg0 : i32
    %mul3A_1 = arith.constant 5000 : i32
    %mul3A_2 = arith.muli %add3A, %mul3A_1 : i32
    %scan3A = arith.constant 0 : i32
    %scan3A_3 = arith.constant 0 : i32
    %scan3A_4 = arith.constant 25 : i32
    %scan3A_5 = arith.addi %scan3A_3, %scan3A_4 : i32
    %scan3A_6 = arith.constant 1 : i32
    scf.for %scan3A_8 = %scan3A_3 to %scan3A_5 step %scan3A_6  : i32 {
      %mul3A_9 = arith.constant 200 : i32
      %mul3A_10 = arith.muli %scan3A_8, %mul3A_9 : i32
      %add3A_11 = arith.addi %mul3A_2, %mul3A_10 : i32
      "tpu.region"() ({
        %run_scoped3A = tpu.sem_alloc : memref<!tpu.dma_semaphore, #tpu.memory_space<semaphore_mem>>
        %dma_start3A_16 = tpu.memref_slice %arg3[%add3A_11] : memref<160000xi32, #tpu.memory_space<hbm>> -> memref<200xi32, #tpu.memory_space<hbm>>
        %dma_start3A_17 = tpu.memref_slice %arg3[%add3A_11] : memref<160000xi32, #tpu.memory_space<hbm>> -> memref<200xi32, #tpu.memory_space<hbm>>
        tpu.enqueue_dma source(%dma_start3A_17 : memref<200xi32, #tpu.memory_space<hbm>>) target(%arg5 : memref<200xi32, #tpu.memory_space<vmem>>) target_semaphore(%run_scoped3A : memref<!tpu.dma_semaphore, #tpu.memory_space<semaphore_mem>>)
        %dma_wait3A_18 = tpu.memref_slice %arg3[%add3A_11] : memref<160000xi32, #tpu.memory_space<hbm>> -> memref<200xi32, #tpu.memory_space<hbm>>
        %dma_wait3A_19 = tpu.memref_slice %arg3[%add3A_11] : memref<160000xi32, #tpu.memory_space<hbm>> -> memref<200xi32, #tpu.memory_space<hbm>>
        tpu.wait_dma2 semaphore(%run_scoped3A : memref<!tpu.dma_semaphore, #tpu.memory_space<semaphore_mem>>) src(%dma_wait3A_19 : memref<200xi32, #tpu.memory_space<hbm>>) dst(%arg5 : memref<200xi32, #tpu.memory_space<vmem>>)
        tpu.yield
      }) : () -> ()
      %dma_start3A = arith.constant 0 : i32
      %dma_start3A_12 = arith.constant 0 : i32
      %dma_start3A_13 = tpu.memref_slice %arg2[%dma_start3A, %dma_start3A_12] : memref<10000x128xf32, #tpu.memory_space<hbm>> -> memref<10000x128xf32, #tpu.memory_space<hbm>>
      tpu.enqueue_indirect_dma source(%dma_start3A_13 : memref<10000x128xf32, #tpu.memory_space<hbm>>) target(%arg6 : memref<200x128xf32, #tpu.memory_space<vmem>>) offsets(%arg5 : memref<200xi32, #tpu.memory_space<vmem>>) semaphore(%arg7 : memref<!tpu.dma_semaphore, #tpu.memory_space<semaphore_mem>>)
      %dma_wait3A = arith.constant 0 : i32
      %dma_wait3A_14 = arith.constant 0 : i32
      %dma_wait3A_15 = tpu.memref_slice %arg2[%dma_wait3A, %dma_wait3A_14] : memref<10000x128xf32, #tpu.memory_space<hbm>> -> memref<10000x128xf32, #tpu.memory_space<hbm>>
      tpu.wait_indirect_dma semaphore(%arg7 : memref<!tpu.dma_semaphore, #tpu.memory_space<semaphore_mem>>) src(%dma_wait3A_15 : memref<10000x128xf32, #tpu.memory_space<hbm>>) dst(%arg6 : memref<200x128xf32, #tpu.memory_space<vmem>>)
      "tpu.region"() ({
        %run_scoped3A = tpu.sem_alloc : memref<!tpu.dma_semaphore, #tpu.memory_space<semaphore_mem>>
        %dma_start3A_16 = arith.constant 0 : i32
        %dma_start3A_17 = tpu.memref_slice %arg4[%add3A_11, %dma_start3A_16] : memref<160000x128xf32, #tpu.memory_space<hbm>> -> memref<200x128xf32, #tpu.memory_space<hbm>>
        %dma_start3A_18 = arith.constant 0 : i32
        %dma_start3A_19 = tpu.memref_slice %arg4[%add3A_11, %dma_start3A_18] : memref<160000x128xf32, #tpu.memory_space<hbm>> -> memref<200x128xf32, #tpu.memory_space<hbm>>
        tpu.enqueue_dma source(%arg6 : memref<200x128xf32, #tpu.memory_space<vmem>>) target(%dma_start3A_19 : memref<200x128xf32, #tpu.memory_space<hbm>>) target_semaphore(%run_scoped3A : memref<!tpu.dma_semaphore, #tpu.memory_space<semaphore_mem>>)
        %dma_wait3A_20 = arith.constant 0 : i32
        %dma_wait3A_21 = tpu.memref_slice %arg4[%add3A_11, %dma_wait3A_20] : memref<160000x128xf32, #tpu.memory_space<hbm>> -> memref<200x128xf32, #tpu.memory_space<hbm>>
        %dma_wait3A_22 = arith.constant 0 : i32
        %dma_wait3A_23 = tpu.memref_slice %arg4[%add3A_11, %dma_wait3A_22] : memref<160000x128xf32, #tpu.memory_space<hbm>> -> memref<200x128xf32, #tpu.memory_space<hbm>>
        tpu.wait_dma2 semaphore(%run_scoped3A : memref<!tpu.dma_semaphore, #tpu.memory_space<semaphore_mem>>) src(%arg6 : memref<200x128xf32, #tpu.memory_space<vmem>>) dst(%dma_wait3A_23 : memref<200x128xf32, #tpu.memory_space<hbm>>)
        tpu.yield
      }) : () -> ()
    }
    %scan3A_7 = arith.constant 25 : i32
    return
  }
}

#map = affine_map<(d0, d1) -> (0, 0)>
#map1 = affine_map<(d0, d1) -> (0)>
module attributes {stable_mosaic.version = 14 : i64} {
  func.func @sk(%arg0: i32, %arg1: i32, %arg2: memref<160000x128xf32, #tpu.memory_space<hbm>>, %arg3: memref<160000xi32, #tpu.memory_space<hbm>>, %arg4: memref<10240x128xf32, #tpu.memory_space<hbm>>, %arg5: memref<20480x128xf32, #tpu.memory_space<hbm>>, %arg6: memref<200xi32, #tpu.memory_space<vmem>>, %arg7: memref<200x128xf32, #tpu.memory_space<vmem>>, %arg8: memref<10240x128xf32, #tpu.memory_space<vmem_shared>>, %arg9: memref<!tpu.dma_semaphore, #tpu.memory_space<semaphore_mem>>, %arg10: memref<!tpu.dma_semaphore, #tpu.memory_space<semaphore_mem>>) attributes {dimension_semantics = [#tpu.dimension_semantics<core_parallel>, #tpu.dimension_semantics<subcore_parallel>], iteration_bounds = array<i64: 2, 16>, scalar_prefetch = 0 : i64, scratch_operands = 5 : i64, tpu.core_type = #tpu.core_type<sc_vector_subcore>, window_params = [{transform_indices = #map}, {transform_indices = #map1}, {transform_indices = #map}, {transform_indices = #map}]} {
    %mul3A = arith.constant 640 : i32
    %mul3A_0 = arith.muli %arg1, %mul3A : i32
    "tpu.region"() ({
      %run_scoped3A = tpu.sem_alloc : memref<!tpu.dma_semaphore, #tpu.memory_space<semaphore_mem>>
      %dma_start3A = arith.constant 0 : i32
      %dma_start3A_14 = tpu.memref_slice %arg8[%mul3A_0, %dma_start3A] : memref<10240x128xf32, #tpu.memory_space<vmem_shared>> -> memref<640x128xf32, #tpu.memory_space<vmem_shared>>
      %dma_start3A_15 = arith.constant 0 : i32
      %dma_start3A_16 = tpu.memref_slice %arg4[%mul3A_0, %dma_start3A_15] : memref<10240x128xf32, #tpu.memory_space<hbm>> -> memref<640x128xf32, #tpu.memory_space<hbm>>
      tpu.enqueue_dma source(%dma_start3A_16 : memref<640x128xf32, #tpu.memory_space<hbm>>) target(%dma_start3A_14 : memref<640x128xf32, #tpu.memory_space<vmem_shared>>) target_semaphore(%run_scoped3A : memref<!tpu.dma_semaphore, #tpu.memory_space<semaphore_mem>>)
      %dma_wait3A = arith.constant 0 : i32
      %dma_wait3A_17 = tpu.memref_slice %arg8[%mul3A_0, %dma_wait3A] : memref<10240x128xf32, #tpu.memory_space<vmem_shared>> -> memref<640x128xf32, #tpu.memory_space<vmem_shared>>
      %dma_wait3A_18 = arith.constant 0 : i32
      %dma_wait3A_19 = tpu.memref_slice %arg4[%mul3A_0, %dma_wait3A_18] : memref<10240x128xf32, #tpu.memory_space<hbm>> -> memref<640x128xf32, #tpu.memory_space<hbm>>
      tpu.wait_dma2 semaphore(%run_scoped3A : memref<!tpu.dma_semaphore, #tpu.memory_space<semaphore_mem>>) src(%dma_wait3A_19 : memref<640x128xf32, #tpu.memory_space<hbm>>) dst(%dma_wait3A_17 : memref<640x128xf32, #tpu.memory_space<vmem_shared>>)
      tpu.yield
    }) : () -> ()
    %barrier3A = arith.constant 0 : index
    tpu.barrier barrier_id(%barrier3A)
    %mul3A_1 = arith.constant 80000 : i32
    %mul3A_2 = arith.muli %arg0, %mul3A_1 : i32
    %mul3A_3 = arith.constant 5000 : i32
    %mul3A_4 = arith.muli %arg1, %mul3A_3 : i32
    %add3A = arith.addi %mul3A_2, %mul3A_4 : i32
    %scan3A = arith.constant 0 : i32
    %scan3A_5 = arith.constant 0 : i32
    %scan3A_6 = arith.constant 25 : i32
    %scan3A_7 = arith.addi %scan3A_5, %scan3A_6 : i32
    %scan3A_8 = arith.constant 1 : i32
    scf.for %scan3A_14 = %scan3A_5 to %scan3A_7 step %scan3A_8  : i32 {
      %mul3A_15 = arith.constant 200 : i32
      %mul3A_16 = arith.muli %scan3A_14, %mul3A_15 : i32
      %add3A_17 = arith.addi %add3A, %mul3A_16 : i32
      %dma_start3A = tpu.memref_slice %arg3[%add3A_17] : memref<160000xi32, #tpu.memory_space<hbm>> -> memref<200xi32, #tpu.memory_space<hbm>>
      %dma_start3A_18 = tpu.memref_slice %arg3[%add3A_17] : memref<160000xi32, #tpu.memory_space<hbm>> -> memref<200xi32, #tpu.memory_space<hbm>>
      tpu.enqueue_dma source(%dma_start3A_18 : memref<200xi32, #tpu.memory_space<hbm>>) target(%arg6 : memref<200xi32, #tpu.memory_space<vmem>>) target_semaphore(%arg9 : memref<!tpu.dma_semaphore, #tpu.memory_space<semaphore_mem>>)
      %dma_start3A_19 = arith.constant 0 : i32
      %dma_start3A_20 = tpu.memref_slice %arg2[%add3A_17, %dma_start3A_19] : memref<160000x128xf32, #tpu.memory_space<hbm>> -> memref<200x128xf32, #tpu.memory_space<hbm>>
      %dma_start3A_21 = arith.constant 0 : i32
      %dma_start3A_22 = tpu.memref_slice %arg2[%add3A_17, %dma_start3A_21] : memref<160000x128xf32, #tpu.memory_space<hbm>> -> memref<200x128xf32, #tpu.memory_space<hbm>>
      tpu.enqueue_dma source(%dma_start3A_22 : memref<200x128xf32, #tpu.memory_space<hbm>>) target(%arg7 : memref<200x128xf32, #tpu.memory_space<vmem>>) target_semaphore(%arg10 : memref<!tpu.dma_semaphore, #tpu.memory_space<semaphore_mem>>)
      %dma_wait3A = tpu.memref_slice %arg3[%add3A_17] : memref<160000xi32, #tpu.memory_space<hbm>> -> memref<200xi32, #tpu.memory_space<hbm>>
      %dma_wait3A_23 = tpu.memref_slice %arg3[%add3A_17] : memref<160000xi32, #tpu.memory_space<hbm>> -> memref<200xi32, #tpu.memory_space<hbm>>
      tpu.wait_dma2 semaphore(%arg9 : memref<!tpu.dma_semaphore, #tpu.memory_space<semaphore_mem>>) src(%dma_wait3A_23 : memref<200xi32, #tpu.memory_space<hbm>>) dst(%arg6 : memref<200xi32, #tpu.memory_space<vmem>>)
      %dma_wait3A_24 = arith.constant 0 : i32
      %dma_wait3A_25 = tpu.memref_slice %arg2[%add3A_17, %dma_wait3A_24] : memref<160000x128xf32, #tpu.memory_space<hbm>> -> memref<200x128xf32, #tpu.memory_space<hbm>>
      %dma_wait3A_26 = arith.constant 0 : i32
      %dma_wait3A_27 = tpu.memref_slice %arg2[%add3A_17, %dma_wait3A_26] : memref<160000x128xf32, #tpu.memory_space<hbm>> -> memref<200x128xf32, #tpu.memory_space<hbm>>
      tpu.wait_dma2 semaphore(%arg10 : memref<!tpu.dma_semaphore, #tpu.memory_space<semaphore_mem>>) src(%dma_wait3A_27 : memref<200x128xf32, #tpu.memory_space<hbm>>) dst(%arg7 : memref<200x128xf32, #tpu.memory_space<vmem>>)
      "tpu.region"() ({
        %run_scoped3A = tpu.sem_alloc : memref<!tpu.dma_semaphore, #tpu.memory_space<semaphore_mem>>
        %dma_start3A_28 = arith.constant 0 : i32
        %dma_start3A_29 = arith.constant 0 : i32
        %dma_start3A_30 = tpu.memref_slice %arg8[%dma_start3A_28, %dma_start3A_29] : memref<10240x128xf32, #tpu.memory_space<vmem_shared>> -> memref<10240x128xf32, #tpu.memory_space<vmem_shared>>
        tpu.enqueue_indirect_dma source(%arg7 : memref<200x128xf32, #tpu.memory_space<vmem>>) target(%dma_start3A_30 : memref<10240x128xf32, #tpu.memory_space<vmem_shared>>) offsets(%arg6 : memref<200xi32, #tpu.memory_space<vmem>>) semaphore(%run_scoped3A : memref<!tpu.dma_semaphore, #tpu.memory_space<semaphore_mem>>) {add = true}
        %dma_wait3A_31 = arith.constant 0 : i32
        %dma_wait3A_32 = arith.constant 0 : i32
        %dma_wait3A_33 = tpu.memref_slice %arg8[%dma_wait3A_31, %dma_wait3A_32] : memref<10240x128xf32, #tpu.memory_space<vmem_shared>> -> memref<10240x128xf32, #tpu.memory_space<vmem_shared>>
        tpu.wait_indirect_dma semaphore(%run_scoped3A : memref<!tpu.dma_semaphore, #tpu.memory_space<semaphore_mem>>) src(%arg7 : memref<200x128xf32, #tpu.memory_space<vmem>>) dst(%dma_wait3A_33 : memref<10240x128xf32, #tpu.memory_space<vmem_shared>>)
        tpu.yield
      }) : () -> ()
    }
    %scan3A_9 = arith.constant 25 : i32
    %barrier3A_10 = arith.constant 0 : index
    tpu.barrier barrier_id(%barrier3A_10)
    %mul3A_11 = arith.constant 10240 : i32
    %mul3A_12 = arith.muli %arg0, %mul3A_11 : i32
    %add3A_13 = arith.addi %mul3A_12, %mul3A_0 : i32
    "tpu.region"() ({
      %run_scoped3A = tpu.sem_alloc : memref<!tpu.dma_semaphore, #tpu.memory_space<semaphore_mem>>
      %dma_start3A = arith.constant 0 : i32
      %dma_start3A_14 = tpu.memref_slice %arg5[%add3A_13, %dma_start3A] : memref<20480x128xf32, #tpu.memory_space<hbm>> -> memref<640x128xf32, #tpu.memory_space<hbm>>
      %dma_start3A_15 = arith.constant 0 : i32
      %dma_start3A_16 = tpu.memref_slice %arg8[%mul3A_0, %dma_start3A_15] : memref<10240x128xf32, #tpu.memory_space<vmem_shared>> -> memref<640x128xf32, #tpu.memory_space<vmem_shared>>
      tpu.enqueue_dma source(%dma_start3A_16 : memref<640x128xf32, #tpu.memory_space<vmem_shared>>) target(%dma_start3A_14 : memref<640x128xf32, #tpu.memory_space<hbm>>) target_semaphore(%run_scoped3A : memref<!tpu.dma_semaphore, #tpu.memory_space<semaphore_mem>>)
      %dma_wait3A = arith.constant 0 : i32
      %dma_wait3A_17 = tpu.memref_slice %arg5[%add3A_13, %dma_wait3A] : memref<20480x128xf32, #tpu.memory_space<hbm>> -> memref<640x128xf32, #tpu.memory_space<hbm>>
      %dma_wait3A_18 = arith.constant 0 : i32
      %dma_wait3A_19 = tpu.memref_slice %arg8[%mul3A_0, %dma_wait3A_18] : memref<10240x128xf32, #tpu.memory_space<vmem_shared>> -> memref<640x128xf32, #tpu.memory_space<vmem_shared>>
      tpu.wait_dma2 semaphore(%run_scoped3A : memref<!tpu.dma_semaphore, #tpu.memory_space<semaphore_mem>>) src(%dma_wait3A_19 : memref<640x128xf32, #tpu.memory_space<vmem_shared>>) dst(%dma_wait3A_17 : memref<640x128xf32, #tpu.memory_space<hbm>>)
      tpu.yield
    }) : () -> ()
    return
  }
}

#map = affine_map<(d0, d1) -> (0, 0)>
#map1 = affine_map<(d0, d1) -> (0)>
module attributes {stable_mosaic.version = 14 : i64} {
  func.func @gk(%arg0: i32, %arg1: i32, %arg2: memref<10000x128xf32, #tpu.memory_space<hbm>>, %arg3: memref<160000xi32, #tpu.memory_space<hbm>>, %arg4: memref<160000x128xf32, #tpu.memory_space<hbm>>, %arg5: memref<200xi32, #tpu.memory_space<vmem>>, %arg6: memref<200x128xf32, #tpu.memory_space<vmem>>, %arg7: memref<!tpu.dma_semaphore, #tpu.memory_space<semaphore_mem>>) attributes {dimension_semantics = [#tpu.dimension_semantics<core_parallel>, #tpu.dimension_semantics<subcore_parallel>], iteration_bounds = array<i64: 2, 16>, scalar_prefetch = 0 : i64, scratch_operands = 3 : i64, tpu.core_type = #tpu.core_type<sc_vector_subcore>, window_params = [{transform_indices = #map}, {transform_indices = #map1}, {transform_indices = #map}]} {
    %mul3A = arith.constant 2 : i32
    %mul3A_0 = arith.muli %arg1, %mul3A : i32
    %add3A = arith.addi %mul3A_0, %arg0 : i32
    %mul3A_1 = arith.constant 5000 : i32
    %mul3A_2 = arith.muli %add3A, %mul3A_1 : i32
    %scan3A = arith.constant 0 : i32
    %scan3A_3 = arith.constant 0 : i32
    %scan3A_4 = arith.constant 25 : i32
    %scan3A_5 = arith.addi %scan3A_3, %scan3A_4 : i32
    %scan3A_6 = arith.constant 1 : i32
    scf.for %scan3A_8 = %scan3A_3 to %scan3A_5 step %scan3A_6  : i32 {
      %mul3A_9 = arith.constant 200 : i32
      %mul3A_10 = arith.muli %scan3A_8, %mul3A_9 : i32
      %add3A_11 = arith.addi %mul3A_2, %mul3A_10 : i32
      "tpu.region"() ({
        %run_scoped3A = tpu.sem_alloc : memref<!tpu.dma_semaphore, #tpu.memory_space<semaphore_mem>>
        %dma_start3A_16 = tpu.memref_slice %arg3[%add3A_11] : memref<160000xi32, #tpu.memory_space<hbm>> -> memref<200xi32, #tpu.memory_space<hbm>>
        %dma_start3A_17 = tpu.memref_slice %arg3[%add3A_11] : memref<160000xi32, #tpu.memory_space<hbm>> -> memref<200xi32, #tpu.memory_space<hbm>>
        tpu.enqueue_dma source(%dma_start3A_17 : memref<200xi32, #tpu.memory_space<hbm>>) target(%arg5 : memref<200xi32, #tpu.memory_space<vmem>>) target_semaphore(%run_scoped3A : memref<!tpu.dma_semaphore, #tpu.memory_space<semaphore_mem>>)
        %dma_wait3A_18 = tpu.memref_slice %arg3[%add3A_11] : memref<160000xi32, #tpu.memory_space<hbm>> -> memref<200xi32, #tpu.memory_space<hbm>>
        %dma_wait3A_19 = tpu.memref_slice %arg3[%add3A_11] : memref<160000xi32, #tpu.memory_space<hbm>> -> memref<200xi32, #tpu.memory_space<hbm>>
        tpu.wait_dma2 semaphore(%run_scoped3A : memref<!tpu.dma_semaphore, #tpu.memory_space<semaphore_mem>>) src(%dma_wait3A_19 : memref<200xi32, #tpu.memory_space<hbm>>) dst(%arg5 : memref<200xi32, #tpu.memory_space<vmem>>)
        tpu.yield
      }) : () -> ()
      %dma_start3A = arith.constant 0 : i32
      %dma_start3A_12 = arith.constant 0 : i32
      %dma_start3A_13 = tpu.memref_slice %arg2[%dma_start3A, %dma_start3A_12] : memref<10000x128xf32, #tpu.memory_space<hbm>> -> memref<10000x128xf32, #tpu.memory_space<hbm>>
      tpu.enqueue_indirect_dma source(%dma_start3A_13 : memref<10000x128xf32, #tpu.memory_space<hbm>>) target(%arg6 : memref<200x128xf32, #tpu.memory_space<vmem>>) offsets(%arg5 : memref<200xi32, #tpu.memory_space<vmem>>) semaphore(%arg7 : memref<!tpu.dma_semaphore, #tpu.memory_space<semaphore_mem>>)
      %dma_wait3A = arith.constant 0 : i32
      %dma_wait3A_14 = arith.constant 0 : i32
      %dma_wait3A_15 = tpu.memref_slice %arg2[%dma_wait3A, %dma_wait3A_14] : memref<10000x128xf32, #tpu.memory_space<hbm>> -> memref<10000x128xf32, #tpu.memory_space<hbm>>
      tpu.wait_indirect_dma semaphore(%arg7 : memref<!tpu.dma_semaphore, #tpu.memory_space<semaphore_mem>>) src(%dma_wait3A_15 : memref<10000x128xf32, #tpu.memory_space<hbm>>) dst(%arg6 : memref<200x128xf32, #tpu.memory_space<vmem>>)
      "tpu.region"() ({
        %run_scoped3A = tpu.sem_alloc : memref<!tpu.dma_semaphore, #tpu.memory_space<semaphore_mem>>
        %dma_start3A_16 = arith.constant 0 : i32
        %dma_start3A_17 = tpu.memref_slice %arg4[%add3A_11, %dma_start3A_16] : memref<160000x128xf32, #tpu.memory_space<hbm>> -> memref<200x128xf32, #tpu.memory_space<hbm>>
        %dma_start3A_18 = arith.constant 0 : i32
        %dma_start3A_19 = tpu.memref_slice %arg4[%add3A_11, %dma_start3A_18] : memref<160000x128xf32, #tpu.memory_space<hbm>> -> memref<200x128xf32, #tpu.memory_space<hbm>>
        tpu.enqueue_dma source(%arg6 : memref<200x128xf32, #tpu.memory_space<vmem>>) target(%dma_start3A_19 : memref<200x128xf32, #tpu.memory_space<hbm>>) target_semaphore(%run_scoped3A : memref<!tpu.dma_semaphore, #tpu.memory_space<semaphore_mem>>)
        %dma_wait3A_20 = arith.constant 0 : i32
        %dma_wait3A_21 = tpu.memref_slice %arg4[%add3A_11, %dma_wait3A_20] : memref<160000x128xf32, #tpu.memory_space<hbm>> -> memref<200x128xf32, #tpu.memory_space<hbm>>
        %dma_wait3A_22 = arith.constant 0 : i32
        %dma_wait3A_23 = tpu.memref_slice %arg4[%add3A_11, %dma_wait3A_22] : memref<160000x128xf32, #tpu.memory_space<hbm>> -> memref<200x128xf32, #tpu.memory_space<hbm>>
        tpu.wait_dma2 semaphore(%run_scoped3A : memref<!tpu.dma_semaphore, #tpu.memory_space<semaphore_mem>>) src(%arg6 : memref<200x128xf32, #tpu.memory_space<vmem>>) dst(%dma_wait3A_23 : memref<200x128xf32, #tpu.memory_space<hbm>>)
        tpu.yield
      }) : () -> ()
    }
    %scan3A_7 = arith.constant 25 : i32
    return
  }
}

#map = affine_map<(d0, d1) -> (0, 0)>
#map1 = affine_map<(d0, d1) -> (0)>
module attributes {stable_mosaic.version = 14 : i64} {
  func.func @gk(%arg0: i32, %arg1: i32, %arg2: memref<10000x128xf32, #tpu.memory_space<hbm>>, %arg3: memref<160000xi32, #tpu.memory_space<hbm>>, %arg4: memref<160000x128xf32, #tpu.memory_space<hbm>>, %arg5: memref<200xi32, #tpu.memory_space<vmem>>, %arg6: memref<200x128xf32, #tpu.memory_space<vmem>>, %arg7: memref<!tpu.dma_semaphore, #tpu.memory_space<semaphore_mem>>) attributes {dimension_semantics = [#tpu.dimension_semantics<core_parallel>, #tpu.dimension_semantics<subcore_parallel>], iteration_bounds = array<i64: 2, 16>, scalar_prefetch = 0 : i64, scratch_operands = 3 : i64, tpu.core_type = #tpu.core_type<sc_vector_subcore>, window_params = [{transform_indices = #map}, {transform_indices = #map1}, {transform_indices = #map}]} {
    %mul3A = arith.constant 2 : i32
    %mul3A_0 = arith.muli %arg1, %mul3A : i32
    %add3A = arith.addi %mul3A_0, %arg0 : i32
    %mul3A_1 = arith.constant 5000 : i32
    %mul3A_2 = arith.muli %add3A, %mul3A_1 : i32
    %scan3A = arith.constant 0 : i32
    %scan3A_3 = arith.constant 0 : i32
    %scan3A_4 = arith.constant 25 : i32
    %scan3A_5 = arith.addi %scan3A_3, %scan3A_4 : i32
    %scan3A_6 = arith.constant 1 : i32
    scf.for %scan3A_8 = %scan3A_3 to %scan3A_5 step %scan3A_6  : i32 {
      %mul3A_9 = arith.constant 200 : i32
      %mul3A_10 = arith.muli %scan3A_8, %mul3A_9 : i32
      %add3A_11 = arith.addi %mul3A_2, %mul3A_10 : i32
      "tpu.region"() ({
        %run_scoped3A = tpu.sem_alloc : memref<!tpu.dma_semaphore, #tpu.memory_space<semaphore_mem>>
        %dma_start3A_16 = tpu.memref_slice %arg3[%add3A_11] : memref<160000xi32, #tpu.memory_space<hbm>> -> memref<200xi32, #tpu.memory_space<hbm>>
        %dma_start3A_17 = tpu.memref_slice %arg3[%add3A_11] : memref<160000xi32, #tpu.memory_space<hbm>> -> memref<200xi32, #tpu.memory_space<hbm>>
        tpu.enqueue_dma source(%dma_start3A_17 : memref<200xi32, #tpu.memory_space<hbm>>) target(%arg5 : memref<200xi32, #tpu.memory_space<vmem>>) target_semaphore(%run_scoped3A : memref<!tpu.dma_semaphore, #tpu.memory_space<semaphore_mem>>)
        %dma_wait3A_18 = tpu.memref_slice %arg3[%add3A_11] : memref<160000xi32, #tpu.memory_space<hbm>> -> memref<200xi32, #tpu.memory_space<hbm>>
        %dma_wait3A_19 = tpu.memref_slice %arg3[%add3A_11] : memref<160000xi32, #tpu.memory_space<hbm>> -> memref<200xi32, #tpu.memory_space<hbm>>
        tpu.wait_dma2 semaphore(%run_scoped3A : memref<!tpu.dma_semaphore, #tpu.memory_space<semaphore_mem>>) src(%dma_wait3A_19 : memref<200xi32, #tpu.memory_space<hbm>>) dst(%arg5 : memref<200xi32, #tpu.memory_space<vmem>>)
        tpu.yield
      }) : () -> ()
      %dma_start3A = arith.constant 0 : i32
      %dma_start3A_12 = arith.constant 0 : i32
      %dma_start3A_13 = tpu.memref_slice %arg2[%dma_start3A, %dma_start3A_12] : memref<10000x128xf32, #tpu.memory_space<hbm>> -> memref<10000x128xf32, #tpu.memory_space<hbm>>
      tpu.enqueue_indirect_dma source(%dma_start3A_13 : memref<10000x128xf32, #tpu.memory_space<hbm>>) target(%arg6 : memref<200x128xf32, #tpu.memory_space<vmem>>) offsets(%arg5 : memref<200xi32, #tpu.memory_space<vmem>>) semaphore(%arg7 : memref<!tpu.dma_semaphore, #tpu.memory_space<semaphore_mem>>)
      %dma_wait3A = arith.constant 0 : i32
      %dma_wait3A_14 = arith.constant 0 : i32
      %dma_wait3A_15 = tpu.memref_slice %arg2[%dma_wait3A, %dma_wait3A_14] : memref<10000x128xf32, #tpu.memory_space<hbm>> -> memref<10000x128xf32, #tpu.memory_space<hbm>>
      tpu.wait_indirect_dma semaphore(%arg7 : memref<!tpu.dma_semaphore, #tpu.memory_space<semaphore_mem>>) src(%dma_wait3A_15 : memref<10000x128xf32, #tpu.memory_space<hbm>>) dst(%arg6 : memref<200x128xf32, #tpu.memory_space<vmem>>)
      "tpu.region"() ({
        %run_scoped3A = tpu.sem_alloc : memref<!tpu.dma_semaphore, #tpu.memory_space<semaphore_mem>>
        %dma_start3A_16 = arith.constant 0 : i32
        %dma_start3A_17 = tpu.memref_slice %arg4[%add3A_11, %dma_start3A_16] : memref<160000x128xf32, #tpu.memory_space<hbm>> -> memref<200x128xf32, #tpu.memory_space<hbm>>
        %dma_start3A_18 = arith.constant 0 : i32
        %dma_start3A_19 = tpu.memref_slice %arg4[%add3A_11, %dma_start3A_18] : memref<160000x128xf32, #tpu.memory_space<hbm>> -> memref<200x128xf32, #tpu.memory_space<hbm>>
        tpu.enqueue_dma source(%arg6 : memref<200x128xf32, #tpu.memory_space<vmem>>) target(%dma_start3A_19 : memref<200x128xf32, #tpu.memory_space<hbm>>) target_semaphore(%run_scoped3A : memref<!tpu.dma_semaphore, #tpu.memory_space<semaphore_mem>>)
        %dma_wait3A_20 = arith.constant 0 : i32
        %dma_wait3A_21 = tpu.memref_slice %arg4[%add3A_11, %dma_wait3A_20] : memref<160000x128xf32, #tpu.memory_space<hbm>> -> memref<200x128xf32, #tpu.memory_space<hbm>>
        %dma_wait3A_22 = arith.constant 0 : i32
        %dma_wait3A_23 = tpu.memref_slice %arg4[%add3A_11, %dma_wait3A_22] : memref<160000x128xf32, #tpu.memory_space<hbm>> -> memref<200x128xf32, #tpu.memory_space<hbm>>
        tpu.wait_dma2 semaphore(%run_scoped3A : memref<!tpu.dma_semaphore, #tpu.memory_space<semaphore_mem>>) src(%arg6 : memref<200x128xf32, #tpu.memory_space<vmem>>) dst(%dma_wait3A_23 : memref<200x128xf32, #tpu.memory_space<hbm>>)
        tpu.yield
      }) : () -> ()
    }
    %scan3A_7 = arith.constant 25 : i32
    return
  }
}

#map = affine_map<(d0, d1) -> (0, 0)>
#map1 = affine_map<(d0, d1) -> (0)>
module attributes {stable_mosaic.version = 14 : i64} {
  func.func @sk(%arg0: i32, %arg1: i32, %arg2: memref<160000x128xf32, #tpu.memory_space<hbm>>, %arg3: memref<160000xi32, #tpu.memory_space<hbm>>, %arg4: memref<10240x128xf32, #tpu.memory_space<hbm>>, %arg5: memref<20480x128xf32, #tpu.memory_space<hbm>>, %arg6: memref<200xi32, #tpu.memory_space<vmem>>, %arg7: memref<200x128xf32, #tpu.memory_space<vmem>>, %arg8: memref<10240x128xf32, #tpu.memory_space<vmem_shared>>, %arg9: memref<!tpu.dma_semaphore, #tpu.memory_space<semaphore_mem>>, %arg10: memref<!tpu.dma_semaphore, #tpu.memory_space<semaphore_mem>>) attributes {dimension_semantics = [#tpu.dimension_semantics<core_parallel>, #tpu.dimension_semantics<subcore_parallel>], iteration_bounds = array<i64: 2, 16>, scalar_prefetch = 0 : i64, scratch_operands = 5 : i64, tpu.core_type = #tpu.core_type<sc_vector_subcore>, window_params = [{transform_indices = #map}, {transform_indices = #map1}, {transform_indices = #map}, {transform_indices = #map}]} {
    %mul3A = arith.constant 640 : i32
    %mul3A_0 = arith.muli %arg1, %mul3A : i32
    "tpu.region"() ({
      %run_scoped3A = tpu.sem_alloc : memref<!tpu.dma_semaphore, #tpu.memory_space<semaphore_mem>>
      %dma_start3A = arith.constant 0 : i32
      %dma_start3A_14 = tpu.memref_slice %arg8[%mul3A_0, %dma_start3A] : memref<10240x128xf32, #tpu.memory_space<vmem_shared>> -> memref<640x128xf32, #tpu.memory_space<vmem_shared>>
      %dma_start3A_15 = arith.constant 0 : i32
      %dma_start3A_16 = tpu.memref_slice %arg4[%mul3A_0, %dma_start3A_15] : memref<10240x128xf32, #tpu.memory_space<hbm>> -> memref<640x128xf32, #tpu.memory_space<hbm>>
      tpu.enqueue_dma source(%dma_start3A_16 : memref<640x128xf32, #tpu.memory_space<hbm>>) target(%dma_start3A_14 : memref<640x128xf32, #tpu.memory_space<vmem_shared>>) target_semaphore(%run_scoped3A : memref<!tpu.dma_semaphore, #tpu.memory_space<semaphore_mem>>)
      %dma_wait3A = arith.constant 0 : i32
      %dma_wait3A_17 = tpu.memref_slice %arg8[%mul3A_0, %dma_wait3A] : memref<10240x128xf32, #tpu.memory_space<vmem_shared>> -> memref<640x128xf32, #tpu.memory_space<vmem_shared>>
      %dma_wait3A_18 = arith.constant 0 : i32
      %dma_wait3A_19 = tpu.memref_slice %arg4[%mul3A_0, %dma_wait3A_18] : memref<10240x128xf32, #tpu.memory_space<hbm>> -> memref<640x128xf32, #tpu.memory_space<hbm>>
      tpu.wait_dma2 semaphore(%run_scoped3A : memref<!tpu.dma_semaphore, #tpu.memory_space<semaphore_mem>>) src(%dma_wait3A_19 : memref<640x128xf32, #tpu.memory_space<hbm>>) dst(%dma_wait3A_17 : memref<640x128xf32, #tpu.memory_space<vmem_shared>>)
      tpu.yield
    }) : () -> ()
    %barrier3A = arith.constant 0 : index
    tpu.barrier barrier_id(%barrier3A)
    %mul3A_1 = arith.constant 80000 : i32
    %mul3A_2 = arith.muli %arg0, %mul3A_1 : i32
    %mul3A_3 = arith.constant 5000 : i32
    %mul3A_4 = arith.muli %arg1, %mul3A_3 : i32
    %add3A = arith.addi %mul3A_2, %mul3A_4 : i32
    %scan3A = arith.constant 0 : i32
    %scan3A_5 = arith.constant 0 : i32
    %scan3A_6 = arith.constant 25 : i32
    %scan3A_7 = arith.addi %scan3A_5, %scan3A_6 : i32
    %scan3A_8 = arith.constant 1 : i32
    scf.for %scan3A_14 = %scan3A_5 to %scan3A_7 step %scan3A_8  : i32 {
      %mul3A_15 = arith.constant 200 : i32
      %mul3A_16 = arith.muli %scan3A_14, %mul3A_15 : i32
      %add3A_17 = arith.addi %add3A, %mul3A_16 : i32
      %dma_start3A = tpu.memref_slice %arg3[%add3A_17] : memref<160000xi32, #tpu.memory_space<hbm>> -> memref<200xi32, #tpu.memory_space<hbm>>
      %dma_start3A_18 = tpu.memref_slice %arg3[%add3A_17] : memref<160000xi32, #tpu.memory_space<hbm>> -> memref<200xi32, #tpu.memory_space<hbm>>
      tpu.enqueue_dma source(%dma_start3A_18 : memref<200xi32, #tpu.memory_space<hbm>>) target(%arg6 : memref<200xi32, #tpu.memory_space<vmem>>) target_semaphore(%arg9 : memref<!tpu.dma_semaphore, #tpu.memory_space<semaphore_mem>>)
      %dma_start3A_19 = arith.constant 0 : i32
      %dma_start3A_20 = tpu.memref_slice %arg2[%add3A_17, %dma_start3A_19] : memref<160000x128xf32, #tpu.memory_space<hbm>> -> memref<200x128xf32, #tpu.memory_space<hbm>>
      %dma_start3A_21 = arith.constant 0 : i32
      %dma_start3A_22 = tpu.memref_slice %arg2[%add3A_17, %dma_start3A_21] : memref<160000x128xf32, #tpu.memory_space<hbm>> -> memref<200x128xf32, #tpu.memory_space<hbm>>
      tpu.enqueue_dma source(%dma_start3A_22 : memref<200x128xf32, #tpu.memory_space<hbm>>) target(%arg7 : memref<200x128xf32, #tpu.memory_space<vmem>>) target_semaphore(%arg10 : memref<!tpu.dma_semaphore, #tpu.memory_space<semaphore_mem>>)
      %dma_wait3A = tpu.memref_slice %arg3[%add3A_17] : memref<160000xi32, #tpu.memory_space<hbm>> -> memref<200xi32, #tpu.memory_space<hbm>>
      %dma_wait3A_23 = tpu.memref_slice %arg3[%add3A_17] : memref<160000xi32, #tpu.memory_space<hbm>> -> memref<200xi32, #tpu.memory_space<hbm>>
      tpu.wait_dma2 semaphore(%arg9 : memref<!tpu.dma_semaphore, #tpu.memory_space<semaphore_mem>>) src(%dma_wait3A_23 : memref<200xi32, #tpu.memory_space<hbm>>) dst(%arg6 : memref<200xi32, #tpu.memory_space<vmem>>)
      %dma_wait3A_24 = arith.constant 0 : i32
      %dma_wait3A_25 = tpu.memref_slice %arg2[%add3A_17, %dma_wait3A_24] : memref<160000x128xf32, #tpu.memory_space<hbm>> -> memref<200x128xf32, #tpu.memory_space<hbm>>
      %dma_wait3A_26 = arith.constant 0 : i32
      %dma_wait3A_27 = tpu.memref_slice %arg2[%add3A_17, %dma_wait3A_26] : memref<160000x128xf32, #tpu.memory_space<hbm>> -> memref<200x128xf32, #tpu.memory_space<hbm>>
      tpu.wait_dma2 semaphore(%arg10 : memref<!tpu.dma_semaphore, #tpu.memory_space<semaphore_mem>>) src(%dma_wait3A_27 : memref<200x128xf32, #tpu.memory_space<hbm>>) dst(%arg7 : memref<200x128xf32, #tpu.memory_space<vmem>>)
      "tpu.region"() ({
        %run_scoped3A = tpu.sem_alloc : memref<!tpu.dma_semaphore, #tpu.memory_space<semaphore_mem>>
        %dma_start3A_28 = arith.constant 0 : i32
        %dma_start3A_29 = arith.constant 0 : i32
        %dma_start3A_30 = tpu.memref_slice %arg8[%dma_start3A_28, %dma_start3A_29] : memref<10240x128xf32, #tpu.memory_space<vmem_shared>> -> memref<10240x128xf32, #tpu.memory_space<vmem_shared>>
        tpu.enqueue_indirect_dma source(%arg7 : memref<200x128xf32, #tpu.memory_space<vmem>>) target(%dma_start3A_30 : memref<10240x128xf32, #tpu.memory_space<vmem_shared>>) offsets(%arg6 : memref<200xi32, #tpu.memory_space<vmem>>) semaphore(%run_scoped3A : memref<!tpu.dma_semaphore, #tpu.memory_space<semaphore_mem>>) {add = true}
        %dma_wait3A_31 = arith.constant 0 : i32
        %dma_wait3A_32 = arith.constant 0 : i32
        %dma_wait3A_33 = tpu.memref_slice %arg8[%dma_wait3A_31, %dma_wait3A_32] : memref<10240x128xf32, #tpu.memory_space<vmem_shared>> -> memref<10240x128xf32, #tpu.memory_space<vmem_shared>>
        tpu.wait_indirect_dma semaphore(%run_scoped3A : memref<!tpu.dma_semaphore, #tpu.memory_space<semaphore_mem>>) src(%arg7 : memref<200x128xf32, #tpu.memory_space<vmem>>) dst(%dma_wait3A_33 : memref<10240x128xf32, #tpu.memory_space<vmem_shared>>)
        tpu.yield
      }) : () -> ()
    }
    %scan3A_9 = arith.constant 25 : i32
    %barrier3A_10 = arith.constant 0 : index
    tpu.barrier barrier_id(%barrier3A_10)
    %mul3A_11 = arith.constant 10240 : i32
    %mul3A_12 = arith.muli %arg0, %mul3A_11 : i32
    %add3A_13 = arith.addi %mul3A_12, %mul3A_0 : i32
    "tpu.region"() ({
      %run_scoped3A = tpu.sem_alloc : memref<!tpu.dma_semaphore, #tpu.memory_space<semaphore_mem>>
      %dma_start3A = arith.constant 0 : i32
      %dma_start3A_14 = tpu.memref_slice %arg5[%add3A_13, %dma_start3A] : memref<20480x128xf32, #tpu.memory_space<hbm>> -> memref<640x128xf32, #tpu.memory_space<hbm>>
      %dma_start3A_15 = arith.constant 0 : i32
      %dma_start3A_16 = tpu.memref_slice %arg8[%mul3A_0, %dma_start3A_15] : memref<10240x128xf32, #tpu.memory_space<vmem_shared>> -> memref<640x128xf32, #tpu.memory_space<vmem_shared>>
      tpu.enqueue_dma source(%dma_start3A_16 : memref<640x128xf32, #tpu.memory_space<vmem_shared>>) target(%dma_start3A_14 : memref<640x128xf32, #tpu.memory_space<hbm>>) target_semaphore(%run_scoped3A : memref<!tpu.dma_semaphore, #tpu.memory_space<semaphore_mem>>)
      %dma_wait3A = arith.constant 0 : i32
      %dma_wait3A_17 = tpu.memref_slice %arg5[%add3A_13, %dma_wait3A] : memref<20480x128xf32, #tpu.memory_space<hbm>> -> memref<640x128xf32, #tpu.memory_space<hbm>>
      %dma_wait3A_18 = arith.constant 0 : i32
      %dma_wait3A_19 = tpu.memref_slice %arg8[%mul3A_0, %dma_wait3A_18] : memref<10240x128xf32, #tpu.memory_space<vmem_shared>> -> memref<640x128xf32, #tpu.memory_space<vmem_shared>>
      tpu.wait_dma2 semaphore(%run_scoped3A : memref<!tpu.dma_semaphore, #tpu.memory_space<semaphore_mem>>) src(%dma_wait3A_19 : memref<640x128xf32, #tpu.memory_space<vmem_shared>>) dst(%dma_wait3A_17 : memref<640x128xf32, #tpu.memory_space<hbm>>)
      tpu.yield
    }) : () -> ()
    return
  }
}

module attributes {stable_mosaic.version = 14 : i64} {
  func.func @_xnorm_body(%arg0: memref<10000x16xf32, #tpu.memory_space<vmem>>, %arg1: memref<1x16xf32, #tpu.memory_space<vmem>>, %arg2: memref<1x16xf32, #tpu.memory_space<vmem>>, %arg3: memref<10000x128xf32, #tpu.memory_space<vmem>>) attributes {dimension_semantics = [], scalar_prefetch = 0 : i64, scratch_operands = 0 : i64, tpu.core_type = #tpu.core_type<tc>} {
    %get3A = arith.constant 0 : index
    %get3A_0 = arith.constant 0 : index
    %get3A_1 = vector.load %arg0[%get3A, %get3A_0] : memref<10000x16xf32, #tpu.memory_space<vmem>>, vector<10000x16xf32>
    %reduce_sum3A = arith.constant dense<0.000000e+00> : vector<16xf32>
    %reduce_sum3A_2 = vector.multi_reduction <add>, %get3A_1, %reduce_sum3A [0] : vector<10000x16xf32> to vector<16xf32>
    %broadcast_in_dim3A = vector.shape_cast %reduce_sum3A_2 : vector<16xf32> to vector<1x16xf32>
    %div3A = arith.constant 1.000000e+04 : f32
    %div3A_3 = vector.broadcast %div3A : f32 to vector<1x16xf32>
    %div3A_4 = arith.divf %broadcast_in_dim3A, %div3A_3 : vector<1x16xf32>
    %sub3A = vector.broadcast %div3A_4 : vector<1x16xf32> to vector<10000x16xf32>
    %sub3A_5 = arith.subf %get3A_1, %sub3A : vector<10000x16xf32>
    %integer_pow3A = arith.mulf %sub3A_5, %sub3A_5 : vector<10000x16xf32>
    %reduce_sum3A_6 = arith.constant dense<0.000000e+00> : vector<16xf32>
    %reduce_sum3A_7 = vector.multi_reduction <add>, %integer_pow3A, %reduce_sum3A_6 [0] : vector<10000x16xf32> to vector<16xf32>
    %broadcast_in_dim3A_8 = vector.shape_cast %reduce_sum3A_7 : vector<16xf32> to vector<1x16xf32>
    %div3A_9 = arith.constant 1.000000e+04 : f32
    %div3A_10 = vector.broadcast %div3A_9 : f32 to vector<1x16xf32>
    %div3A_11 = arith.divf %broadcast_in_dim3A_8, %div3A_10 : vector<1x16xf32>
    %sub3A_12 = vector.broadcast %div3A_4 : vector<1x16xf32> to vector<10000x16xf32>
    %sub3A_13 = arith.subf %get3A_1, %sub3A_12 : vector<10000x16xf32>
    %add3A = arith.constant 9.99999974E-6 : f32
    %add3A_14 = vector.broadcast %add3A : f32 to vector<1x16xf32>
    %add3A_15 = arith.addf %div3A_11, %add3A_14 : vector<1x16xf32>
    %rsqrt3A = math.rsqrt %add3A_15 : vector<1x16xf32>
    %mul3A = vector.broadcast %rsqrt3A : vector<1x16xf32> to vector<10000x16xf32>
    %mul3A_16 = arith.mulf %sub3A_13, %mul3A : vector<10000x16xf32>
    %get3A_17 = arith.constant 0 : index
    %get3A_18 = arith.constant 0 : index
    %get3A_19 = vector.load %arg1[%get3A_17, %get3A_18] : memref<1x16xf32, #tpu.memory_space<vmem>>, vector<1x16xf32>
    %mul3A_20 = vector.broadcast %get3A_19 : vector<1x16xf32> to vector<10000x16xf32>
    %mul3A_21 = arith.mulf %mul3A_16, %mul3A_20 : vector<10000x16xf32>
    %get3A_22 = arith.constant 0 : index
    %get3A_23 = arith.constant 0 : index
    %get3A_24 = vector.load %arg2[%get3A_22, %get3A_23] : memref<1x16xf32, #tpu.memory_space<vmem>>, vector<1x16xf32>
    %add3A_25 = vector.broadcast %get3A_24 : vector<1x16xf32> to vector<10000x16xf32>
    %add3A_26 = arith.addf %mul3A_21, %add3A_25 : vector<10000x16xf32>
    %broadcast_in_dim3A_27 = arith.constant 0.000000e+00 : f32
    %broadcast_in_dim3A_28 = vector.broadcast %broadcast_in_dim3A_27 : f32 to vector<10000x112xf32>
    %concatenate3A = tpu.concatenate %add3A_26, %broadcast_in_dim3A_28 in 1 : vector<10000x16xf32>, vector<10000x112xf32> -> vector<10000x128xf32>
    %swap3A = arith.constant 0 : index
    %swap3A_29 = arith.constant 0 : index
    %swap3A_30 = vector.load %arg3[%swap3A, %swap3A_29] : memref<10000x128xf32, #tpu.memory_space<vmem>>, vector<10000x128xf32>
    tpu.vector_store %arg3[%swap3A, %swap3A_29], %concatenate3A {strides = array<i32>} : memref<10000x128xf32, #tpu.memory_space<vmem>>, vector<10000x128xf32>,
    return
  }
}

module attributes {stable_mosaic.version = 14 : i64} {
  func.func @_estats_body(%arg0: i32, %arg1: memref<8000x19xf32, #tpu.memory_space<vmem>>, %arg2: memref<1x19xf32, #tpu.memory_space<vmem>>, %arg3: memref<1x19xf32, #tpu.memory_space<vmem>>, %arg4: memref<2x19xf32, #tpu.memory_space<vmem>>, %arg5: memref<2x19xf32, #tpu.memory_space<vmem>>) attributes {dimension_semantics = [#tpu.dimension_semantics<arbitrary>], iteration_bounds = array<i64: 20>, scalar_prefetch = 0 : i64, scratch_operands = 1 : i64, tpu.core_type = #tpu.core_type<tc>, window_params = [{transform_indices = @transform_0, window_bounds = array<i64: 8000, 19>}, {pipeline_mode = #tpu.pipeline_mode<synchronous>, transform_indices = @transform_1, window_bounds = array<i64: 1, 19>}, {pipeline_mode = #tpu.pipeline_mode<synchronous>, transform_indices = @transform_2, window_bounds = array<i64: 1, 19>}, {pipeline_mode = #tpu.pipeline_mode<synchronous>, transform_indices = @transform_3, window_bounds = array<i64: 2, 19>}]} {
    %get3A = arith.constant 0 : index
    %get3A_0 = arith.constant 0 : index
    %get3A_1 = vector.load %arg1[%get3A, %get3A_0] : memref<8000x19xf32, #tpu.memory_space<vmem>>, vector<8000x19xf32>
    %reduce_sum3A = arith.constant dense<0.000000e+00> : vector<19xf32>
    %reduce_sum3A_2 = vector.multi_reduction <add>, %get3A_1, %reduce_sum3A [0] : vector<8000x19xf32> to vector<19xf32>
    %broadcast_in_dim3A = vector.shape_cast %reduce_sum3A_2 : vector<19xf32> to vector<1x19xf32>
    %mul3A = arith.mulf %get3A_1, %get3A_1 : vector<8000x19xf32>
    %reduce_sum3A_3 = arith.constant dense<0.000000e+00> : vector<19xf32>
    %reduce_sum3A_4 = vector.multi_reduction <add>, %mul3A, %reduce_sum3A_3 [0] : vector<8000x19xf32> to vector<19xf32>
    %broadcast_in_dim3A_5 = vector.shape_cast %reduce_sum3A_4 : vector<19xf32> to vector<1x19xf32>
    %concatenate3A = tpu.concatenate %broadcast_in_dim3A, %broadcast_in_dim3A_5 in 0 : vector<1x19xf32>, vector<1x19xf32> -> vector<2x19xf32>
    %eq3A = arith.constant 0 : i32
    %eq3A_6 = arith.cmpi eq, %arg0, %eq3A : i32
    %convert_element_type3A = arith.extui %eq3A_6 : i1 to i32
    %cond3A = arith.constant 0 : i32
    %cond3A_7 = arith.cmpi ne, %convert_element_type3A, %cond3A : i32
    scf.if %cond3A_7 {
      %swap3A = arith.constant 0 : index
      %swap3A_17 = arith.constant 0 : index
      %swap3A_18 = vector.load %arg5[%swap3A, %swap3A_17] : memref<2x19xf32, #tpu.memory_space<vmem>>, vector<2x19xf32>
      tpu.vector_store %arg5[%swap3A, %swap3A_17], %concatenate3A {strides = array<i32>} : memref<2x19xf32, #tpu.memory_space<vmem>>, vector<2x19xf32>,
    } else {
    }
    %ne3A = arith.constant 0 : i32
    %ne3A_8 = arith.cmpi ne, %arg0, %ne3A : i32
    %convert_element_type3A_9 = arith.extui %ne3A_8 : i1 to i32
    %cond3A_10 = arith.constant 0 : i32
    %cond3A_11 = arith.cmpi ne, %convert_element_type3A_9, %cond3A_10 : i32
    scf.if %cond3A_11 {
      %get3A_17 = arith.constant 0 : index
      %get3A_18 = arith.constant 0 : index
      %get3A_19 = vector.load %arg5[%get3A_17, %get3A_18] : memref<2x19xf32, #tpu.memory_space<vmem>>, vector<2x19xf32>
      %add3A = arith.addf %get3A_19, %concatenate3A : vector<2x19xf32>
      %swap3A = arith.constant 0 : index
      %swap3A_20 = arith.constant 0 : index
      %swap3A_21 = vector.load %arg5[%swap3A, %swap3A_20] : memref<2x19xf32, #tpu.memory_space<vmem>>, vector<2x19xf32>
      tpu.vector_store %arg5[%swap3A, %swap3A_20], %add3A {strides = array<i32>} : memref<2x19xf32, #tpu.memory_space<vmem>>, vector<2x19xf32>,
    } else {
    }
    %eq3A_12 = arith.constant 19 : i32
    %eq3A_13 = arith.cmpi eq, %arg0, %eq3A_12 : i32
    %convert_element_type3A_14 = arith.extui %eq3A_13 : i1 to i32
    %cond3A_15 = arith.constant 0 : i32
    %cond3A_16 = arith.cmpi ne, %convert_element_type3A_14, %cond3A_15 : i32
    scf.if %cond3A_16 {
      %get3A_17 = arith.constant 0 : index
      %get3A_18 = arith.constant 0 : index
      %get3A_19 = vector.load %arg5[%get3A_17, %get3A_18] : memref<2x19xf32, #tpu.memory_space<vmem>>, vector<1x19xf32>
      %mul3A_20 = arith.constant 6.250000e-06 : f32
      %mul3A_21 = vector.broadcast %mul3A_20 : f32 to vector<1x19xf32>
      %mul3A_22 = arith.mulf %get3A_19, %mul3A_21 : vector<1x19xf32>
      %get3A_23 = arith.constant 1 : index
      %get3A_24 = arith.constant 0 : index
      %get3A_25 = vector.load %arg5[%get3A_23, %get3A_24] : memref<2x19xf32, #tpu.memory_space<vmem>>, vector<1x19xf32>
      %mul3A_26 = arith.constant 6.250000e-06 : f32
      %mul3A_27 = vector.broadcast %mul3A_26 : f32 to vector<1x19xf32>
      %mul3A_28 = arith.mulf %get3A_25, %mul3A_27 : vector<1x19xf32>
      %mul3A_29 = arith.mulf %mul3A_22, %mul3A_22 : vector<1x19xf32>
      %sub3A = arith.subf %mul3A_28, %mul3A_29 : vector<1x19xf32>
      %add3A = arith.constant 9.99999974E-6 : f32
      %add3A_30 = vector.broadcast %add3A : f32 to vector<1x19xf32>
      %add3A_31 = arith.addf %sub3A, %add3A_30 : vector<1x19xf32>
      %rsqrt3A = math.rsqrt %add3A_31 : vector<1x19xf32>
      %get3A_32 = arith.constant 0 : index
      %get3A_33 = arith.constant 0 : index
      %get3A_34 = vector.load %arg2[%get3A_32, %get3A_33] : memref<1x19xf32, #tpu.memory_space<vmem>>, vector<1x19xf32>
      %mul3A_35 = arith.mulf %rsqrt3A, %get3A_34 : vector<1x19xf32>
      %get3A_36 = arith.constant 0 : index
      %get3A_37 = arith.constant 0 : index
      %get3A_38 = vector.load %arg3[%get3A_36, %get3A_37] : memref<1x19xf32, #tpu.memory_space<vmem>>, vector<1x19xf32>
      %mul3A_39 = arith.mulf %mul3A_22, %mul3A_35 : vector<1x19xf32>
      %sub3A_40 = arith.subf %get3A_38, %mul3A_39 : vector<1x19xf32>
      %concatenate3A_41 = tpu.concatenate %mul3A_35, %sub3A_40 in 0 : vector<1x19xf32>, vector<1x19xf32> -> vector<2x19xf32>
      %swap3A = arith.constant 0 : index
      %swap3A_42 = arith.constant 0 : index
      %swap3A_43 = vector.load %arg4[%swap3A, %swap3A_42] : memref<2x19xf32, #tpu.memory_space<vmem>>, vector<2x19xf32>
      tpu.vector_store %arg4[%swap3A, %swap3A_42], %concatenate3A_41 {strides = array<i32>} : memref<2x19xf32, #tpu.memory_space<vmem>>, vector<2x19xf32>,
    } else {
    }
    return
  }
  func.func @transform_0(%arg0: i32) -> (i32, i32) {
    %c0_i32 = arith.constant 0 : i32
    %c0_i32_0 = arith.constant 0 : i32
    return %arg0, %c0_i32 : i32, i32
  }
  func.func @transform_1(%arg0: i32) -> (i32, i32) {
    %c0_i32 = arith.constant 0 : i32
    %c0_i32_0 = arith.constant 0 : i32
    %c0_i32_1 = arith.constant 0 : i32
    return %c0_i32, %c0_i32_0 : i32, i32
  }
  func.func @transform_2(%arg0: i32) -> (i32, i32) {
    %c0_i32 = arith.constant 0 : i32
    %c0_i32_0 = arith.constant 0 : i32
    %c0_i32_1 = arith.constant 0 : i32
    return %c0_i32, %c0_i32_0 : i32, i32
  }
  func.func @transform_3(%arg0: i32) -> (i32, i32) {
    %c0_i32 = arith.constant 0 : i32
    %c0_i32_0 = arith.constant 0 : i32
    %c0_i32_1 = arith.constant 0 : i32
    return %c0_i32, %c0_i32_0 : i32, i32
  }
}

module attributes {stable_mosaic.version = 14 : i64} {
  func.func @_nnconv_body(%arg0: i32, %arg1: memref<800x19xf32, #tpu.memory_space<vmem>>, %arg2: memref<800x128xf32, #tpu.memory_space<vmem>>, %arg3: memref<2x19xf32, #tpu.memory_space<vmem>>, %arg4: memref<19x16xf32, #tpu.memory_space<vmem>>, %arg5: memref<1x16xf32, #tpu.memory_space<vmem>>, %arg6: memref<16x512xbf16, #tpu.memory_space<vmem>>, %arg7: memref<1x512xf32, #tpu.memory_space<vmem>>, %arg8: memref<512x32xf32, #tpu.memory_space<vmem>>, %arg9: memref<800x128xf32, #tpu.memory_space<vmem>>) attributes {dimension_semantics = [#tpu.dimension_semantics<arbitrary>], iteration_bounds = array<i64: 200>, scalar_prefetch = 0 : i64, scratch_operands = 0 : i64, tpu.core_type = #tpu.core_type<tc>, window_params = [{transform_indices = @transform_0, window_bounds = array<i64: 800, 19>}, {transform_indices = @transform_1, window_bounds = array<i64: 800, 128>}, {pipeline_mode = #tpu.pipeline_mode<synchronous>, transform_indices = @transform_2, window_bounds = array<i64: 2, 19>}, {pipeline_mode = #tpu.pipeline_mode<synchronous>, transform_indices = @transform_3, window_bounds = array<i64: 19, 16>}, {pipeline_mode = #tpu.pipeline_mode<synchronous>, transform_indices = @transform_4, window_bounds = array<i64: 1, 16>}, {pipeline_mode = #tpu.pipeline_mode<synchronous>, transform_indices = @transform_5, window_bounds = array<i64: 16, 512>}, {pipeline_mode = #tpu.pipeline_mode<synchronous>, transform_indices = @transform_6, window_bounds = array<i64: 1, 512>}, {pipeline_mode = #tpu.pipeline_mode<synchronous>, transform_indices = @transform_7, window_bounds = array<i64: 512, 32>}, {transform_indices = @transform_8, window_bounds = array<i64: 800, 128>}]} {
    %get3A = arith.constant 0 : index
    %get3A_0 = arith.constant 0 : index
    %get3A_1 = vector.load %arg1[%get3A, %get3A_0] : memref<800x19xf32, #tpu.memory_space<vmem>>, vector<800x19xf32>
    %get3A_2 = arith.constant 0 : index
    %get3A_3 = arith.constant 0 : index
    %get3A_4 = vector.load %arg3[%get3A_2, %get3A_3] : memref<2x19xf32, #tpu.memory_space<vmem>>, vector<1x19xf32>
    %mul3A = vector.broadcast %get3A_4 : vector<1x19xf32> to vector<800x19xf32>
    %mul3A_5 = arith.mulf %get3A_1, %mul3A : vector<800x19xf32>
    %get3A_6 = arith.constant 1 : index
    %get3A_7 = arith.constant 0 : index
    %get3A_8 = vector.load %arg3[%get3A_6, %get3A_7] : memref<2x19xf32, #tpu.memory_space<vmem>>, vector<1x19xf32>
    %add3A = vector.broadcast %get3A_8 : vector<1x19xf32> to vector<800x19xf32>
    %add3A_9 = arith.addf %mul3A_5, %add3A : vector<800x19xf32>
    %get3A_10 = arith.constant 0 : index
    %get3A_11 = arith.constant 0 : index
    %get3A_12 = vector.load %arg4[%get3A_10, %get3A_11] : memref<19x16xf32, #tpu.memory_space<vmem>>, vector<19x16xf32>
    %dot_general3A = arith.constant dense<0.000000e+00> : vector<800x16xf32>
    %dot_general3A_13 = tpu.matmul %add3A_9, %get3A_12, %dot_general3A {dimension_numbers = #tpu.dot_dimension_numbers<[1], [0], [0], [1], [0, 0, 1, 1], [], []>, precision = #tpu.contract_precision<fp32>, transpose_lhs_hint = false} : vector<800x19xf32>, vector<19x16xf32>, vector<800x16xf32> -> vector<800x16xf32>
    %get3A_14 = arith.constant 0 : index
    %get3A_15 = arith.constant 0 : index
    %get3A_16 = vector.load %arg5[%get3A_14, %get3A_15] : memref<1x16xf32, #tpu.memory_space<vmem>>, vector<1x16xf32>
    %add3A_17 = vector.broadcast %get3A_16 : vector<1x16xf32> to vector<800x16xf32>
    %add3A_18 = arith.addf %dot_general3A_13, %add3A_17 : vector<800x16xf32>
    %ge3A = arith.constant 0.000000e+00 : f32
    %ge3A_19 = vector.broadcast %ge3A : f32 to vector<800x16xf32>
    %ge3A_20 = arith.cmpf oge, %add3A_18, %ge3A_19 : vector<800x16xf32>
    %mul3A_21 = arith.constant 1.000000e-01 : f32
    %mul3A_22 = vector.broadcast %mul3A_21 : f32 to vector<800x16xf32>
    %mul3A_23 = arith.mulf %mul3A_22, %add3A_18 : vector<800x16xf32>
    %select_n3A = arith.select %ge3A_20, %add3A_18, %mul3A_23 : vector<800x16xi1>, vector<800x16xf32>
    %convert_element_type3A = arith.truncf %select_n3A : vector<800x16xf32> to vector<800x16xbf16>
    %get3A_24 = arith.constant 0 : index
    %get3A_25 = arith.constant 0 : index
    %get3A_26 = vector.load %arg6[%get3A_24, %get3A_25] : memref<16x512xbf16, #tpu.memory_space<vmem>>, vector<16x512xbf16>
    %dot_general3A_27 = arith.constant dense<0.000000e+00> : vector<800x512xf32>
    %dot_general3A_28 = tpu.matmul %convert_element_type3A, %get3A_26, %dot_general3A_27 {dimension_numbers = #tpu.dot_dimension_numbers<[1], [0], [0], [1], [0, 0, 1, 1], [], []>, transpose_lhs_hint = false} : vector<800x16xbf16>, vector<16x512xbf16>, vector<800x512xf32> -> vector<800x512xf32>
    %get3A_29 = arith.constant 0 : index
    %get3A_30 = arith.constant 0 : index
    %get3A_31 = vector.load %arg7[%get3A_29, %get3A_30] : memref<1x512xf32, #tpu.memory_space<vmem>>, vector<1x512xf32>
    %add3A_32 = vector.broadcast %get3A_31 : vector<1x512xf32> to vector<800x512xf32>
    %add3A_33 = arith.addf %dot_general3A_28, %add3A_32 : vector<800x512xf32>
    %ge3A_34 = arith.constant 0.000000e+00 : f32
    %ge3A_35 = vector.broadcast %ge3A_34 : f32 to vector<800x512xf32>
    %ge3A_36 = arith.cmpf oge, %add3A_33, %ge3A_35 : vector<800x512xf32>
    %mul3A_37 = arith.constant 1.000000e-01 : f32
    %mul3A_38 = vector.broadcast %mul3A_37 : f32 to vector<800x512xf32>
    %mul3A_39 = arith.mulf %mul3A_38, %add3A_33 : vector<800x512xf32>
    %select_n3A_40 = arith.select %ge3A_36, %add3A_33, %mul3A_39 : vector<800x512xi1>, vector<800x512xf32>
    %get3A_41 = arith.constant 0 : index
    %get3A_42 = arith.constant 0 : index
    %get3A_43 = vector.load %arg2[%get3A_41, %get3A_42] : memref<800x128xf32, #tpu.memory_space<vmem>>, vector<800x16xf32>
    %tile3A = tpu.concatenate %get3A_43, %get3A_43, %get3A_43, %get3A_43, %get3A_43, %get3A_43, %get3A_43, %get3A_43, %get3A_43, %get3A_43, %get3A_43, %get3A_43, %get3A_43, %get3A_43, %get3A_43, %get3A_43, %get3A_43, %get3A_43, %get3A_43, %get3A_43, %get3A_43, %get3A_43, %get3A_43, %get3A_43, %get3A_43, %get3A_43, %get3A_43, %get3A_43, %get3A_43, %get3A_43, %get3A_43, %get3A_43 in 1 : vector<800x16xf32>, vector<800x16xf32>, vector<800x16xf32>, vector<800x16xf32>, vector<800x16xf32>, vector<800x16xf32>, vector<800x16xf32>, vector<800x16xf32>, vector<800x16xf32>, vector<800x16xf32>, vector<800x16xf32>, vector<800x16xf32>, vector<800x16xf32>, vector<800x16xf32>, vector<800x16xf32>, vector<800x16xf32>, vector<800x16xf32>, vector<800x16xf32>, vector<800x16xf32>, vector<800x16xf32>, vector<800x16xf32>, vector<800x16xf32>, vector<800x16xf32>, vector<800x16xf32>, vector<800x16xf32>, vector<800x16xf32>, vector<800x16xf32>, vector<800x16xf32>, vector<800x16xf32>, vector<800x16xf32>, vector<800x16xf32>, vector<800x16xf32> -> vector<800x512xf32>
    %mul3A_44 = arith.mulf %tile3A, %select_n3A_40 : vector<800x512xf32>
    %get3A_45 = arith.constant 0 : index
    %get3A_46 = arith.constant 0 : index
    %get3A_47 = vector.load %arg8[%get3A_45, %get3A_46] : memref<512x32xf32, #tpu.memory_space<vmem>>, vector<512x32xf32>
    %dot_general3A_48 = arith.constant dense<0.000000e+00> : vector<800x32xf32>
    %dot_general3A_49 = tpu.matmul %mul3A_44, %get3A_47, %dot_general3A_48 {dimension_numbers = #tpu.dot_dimension_numbers<[1], [0], [0], [1], [0, 0, 1, 1], [], []>, precision = #tpu.contract_precision<fp32>, transpose_lhs_hint = false} : vector<800x512xf32>, vector<512x32xf32>, vector<800x32xf32> -> vector<800x32xf32>
    %broadcast_in_dim3A = arith.constant 0.000000e+00 : f32
    %broadcast_in_dim3A_50 = vector.broadcast %broadcast_in_dim3A : f32 to vector<800x96xf32>
    %concatenate3A = tpu.concatenate %dot_general3A_49, %broadcast_in_dim3A_50 in 1 : vector<800x32xf32>, vector<800x96xf32> -> vector<800x128xf32>
    %swap3A = arith.constant 0 : index
    %swap3A_51 = arith.constant 0 : index
    %swap3A_52 = vector.load %arg9[%swap3A, %swap3A_51] : memref<800x128xf32, #tpu.memory_space<vmem>>, vector<800x128xf32>
    tpu.vector_store %arg9[%swap3A, %swap3A_51], %concatenate3A {strides = array<i32>} : memref<800x128xf32, #tpu.memory_space<vmem>>, vector<800x128xf32>,
    return
  }
  func.func @transform_0(%arg0: i32) -> (i32, i32) {
    %c0_i32 = arith.constant 0 : i32
    %c0_i32_0 = arith.constant 0 : i32
    return %arg0, %c0_i32 : i32, i32
  }
  func.func @transform_1(%arg0: i32) -> (i32, i32) {
    %c0_i32 = arith.constant 0 : i32
    %c0_i32_0 = arith.constant 0 : i32
    return %arg0, %c0_i32 : i32, i32
  }
  func.func @transform_2(%arg0: i32) -> (i32, i32) {
    %c0_i32 = arith.constant 0 : i32
    %c0_i32_0 = arith.constant 0 : i32
    %c0_i32_1 = arith.constant 0 : i32
    return %c0_i32, %c0_i32_0 : i32, i32
  }
  func.func @transform_3(%arg0: i32) -> (i32, i32) {
    %c0_i32 = arith.constant 0 : i32
    %c0_i32_0 = arith.constant 0 : i32
    %c0_i32_1 = arith.constant 0 : i32
    return %c0_i32, %c0_i32_0 : i32, i32
  }
  func.func @transform_4(%arg0: i32) -> (i32, i32) {
    %c0_i32 = arith.constant 0 : i32
    %c0_i32_0 = arith.constant 0 : i32
    %c0_i32_1 = arith.constant 0 : i32
    return %c0_i32, %c0_i32_0 : i32, i32
  }
  func.func @transform_5(%arg0: i32) -> (i32, i32) {
    %c0_i32 = arith.constant 0 : i32
    %c0_i32_0 = arith.constant 0 : i32
    %c0_i32_1 = arith.constant 0 : i32
    return %c0_i32, %c0_i32_0 : i32, i32
  }
  func.func @transform_6(%arg0: i32) -> (i32, i32) {
    %c0_i32 = arith.constant 0 : i32
    %c0_i32_0 = arith.constant 0 : i32
    %c0_i32_1 = arith.constant 0 : i32
    return %c0_i32, %c0_i32_0 : i32, i32
  }
  func.func @transform_7(%arg0: i32) -> (i32, i32) {
    %c0_i32 = arith.constant 0 : i32
    %c0_i32_0 = arith.constant 0 : i32
    %c0_i32_1 = arith.constant 0 : i32
    return %c0_i32, %c0_i32_0 : i32, i32
  }
  func.func @transform_8(%arg0: i32) -> (i32, i32) {
    %c0_i32 = arith.constant 0 : i32
    %c0_i32_0 = arith.constant 0 : i32
    return %arg0, %c0_i32 : i32, i32
  }
}

module attributes {stable_mosaic.version = 14 : i64} {
  func.func @_update_body(%arg0: memref<2x10240x128xf32, #tpu.memory_space<vmem>>, %arg1: memref<10000x128xf32, #tpu.memory_space<vmem>>, %arg2: memref<16x32xf32, #tpu.memory_space<vmem>>, %arg3: memref<1x32xf32, #tpu.memory_space<vmem>>, %arg4: memref<10000x128xf32, #tpu.memory_space<vmem>>) attributes {dimension_semantics = [], scalar_prefetch = 0 : i64, scratch_operands = 0 : i64, tpu.core_type = #tpu.core_type<tc>} {
    %get3A = arith.constant 0 : index
    %get3A_0 = arith.constant 0 : index
    %get3A_1 = arith.constant 0 : index
    %get3A_2 = vector.load %arg0[%get3A, %get3A_0, %get3A_1] : memref<2x10240x128xf32, #tpu.memory_space<vmem>>, vector<1x10000x32xf32>
    %get3A_3 = vector.shape_cast %get3A_2 : vector<1x10000x32xf32> to vector<10000x32xf32>
    %get3A_4 = arith.constant 1 : index
    %get3A_5 = arith.constant 0 : index
    %get3A_6 = arith.constant 0 : index
    %get3A_7 = vector.load %arg0[%get3A_4, %get3A_5, %get3A_6] : memref<2x10240x128xf32, #tpu.memory_space<vmem>>, vector<1x10000x32xf32>
    %get3A_8 = vector.shape_cast %get3A_7 : vector<1x10000x32xf32> to vector<10000x32xf32>
    %add3A = arith.addf %get3A_3, %get3A_8 : vector<10000x32xf32>
    %get3A_9 = arith.constant 0 : index
    %get3A_10 = arith.constant 0 : index
    %get3A_11 = vector.load %arg1[%get3A_9, %get3A_10] : memref<10000x128xf32, #tpu.memory_space<vmem>>, vector<10000x16xf32>
    %get3A_12 = arith.constant 0 : index
    %get3A_13 = arith.constant 0 : index
    %get3A_14 = vector.load %arg2[%get3A_12, %get3A_13] : memref<16x32xf32, #tpu.memory_space<vmem>>, vector<16x32xf32>
    %dot_general3A = arith.constant dense<0.000000e+00> : vector<10000x32xf32>
    %dot_general3A_15 = tpu.matmul %get3A_11, %get3A_14, %dot_general3A {dimension_numbers = #tpu.dot_dimension_numbers<[1], [0], [0], [1], [0, 0, 1, 1], [], []>, precision = #tpu.contract_precision<fp32>, transpose_lhs_hint = false} : vector<10000x16xf32>, vector<16x32xf32>, vector<10000x32xf32> -> vector<10000x32xf32>
    %add3A_16 = arith.addf %add3A, %dot_general3A_15 : vector<10000x32xf32>
    %get3A_17 = arith.constant 0 : index
    %get3A_18 = arith.constant 0 : index
    %get3A_19 = vector.load %arg3[%get3A_17, %get3A_18] : memref<1x32xf32, #tpu.memory_space<vmem>>, vector<1x32xf32>
    %add3A_20 = vector.broadcast %get3A_19 : vector<1x32xf32> to vector<10000x32xf32>
    %add3A_21 = arith.addf %add3A_16, %add3A_20 : vector<10000x32xf32>
    %broadcast_in_dim3A = arith.constant 0.000000e+00 : f32
    %broadcast_in_dim3A_22 = vector.broadcast %broadcast_in_dim3A : f32 to vector<10000x96xf32>
    %concatenate3A = tpu.concatenate %add3A_21, %broadcast_in_dim3A_22 in 1 : vector<10000x32xf32>, vector<10000x96xf32> -> vector<10000x128xf32>
    %swap3A = arith.constant 0 : index
    %swap3A_23 = arith.constant 0 : index
    %swap3A_24 = vector.load %arg4[%swap3A, %swap3A_23] : memref<10000x128xf32, #tpu.memory_space<vmem>>, vector<10000x128xf32>
    tpu.vector_store %arg4[%swap3A, %swap3A_23], %concatenate3A {strides = array<i32>} : memref<10000x128xf32, #tpu.memory_space<vmem>>, vector<10000x128xf32>,
    return
  }
}

module attributes {stable_mosaic.version = 14 : i64} {
  func.func @_nnconv_body(%arg0: i32, %arg1: memref<800x19xf32, #tpu.memory_space<vmem>>, %arg2: memref<800x128xf32, #tpu.memory_space<vmem>>, %arg3: memref<2x19xf32, #tpu.memory_space<vmem>>, %arg4: memref<19x32xf32, #tpu.memory_space<vmem>>, %arg5: memref<1x32xf32, #tpu.memory_space<vmem>>, %arg6: memref<32x1024xbf16, #tpu.memory_space<vmem>>, %arg7: memref<1x1024xf32, #tpu.memory_space<vmem>>, %arg8: memref<1024x32xf32, #tpu.memory_space<vmem>>, %arg9: memref<800x128xf32, #tpu.memory_space<vmem>>) attributes {dimension_semantics = [#tpu.dimension_semantics<arbitrary>], iteration_bounds = array<i64: 200>, scalar_prefetch = 0 : i64, scratch_operands = 0 : i64, tpu.core_type = #tpu.core_type<tc>, window_params = [{transform_indices = @transform_0, window_bounds = array<i64: 800, 19>}, {transform_indices = @transform_1, window_bounds = array<i64: 800, 128>}, {pipeline_mode = #tpu.pipeline_mode<synchronous>, transform_indices = @transform_2, window_bounds = array<i64: 2, 19>}, {pipeline_mode = #tpu.pipeline_mode<synchronous>, transform_indices = @transform_3, window_bounds = array<i64: 19, 32>}, {pipeline_mode = #tpu.pipeline_mode<synchronous>, transform_indices = @transform_4, window_bounds = array<i64: 1, 32>}, {pipeline_mode = #tpu.pipeline_mode<synchronous>, transform_indices = @transform_5, window_bounds = array<i64: 32, 1024>}, {pipeline_mode = #tpu.pipeline_mode<synchronous>, transform_indices = @transform_6, window_bounds = array<i64: 1, 1024>}, {pipeline_mode = #tpu.pipeline_mode<synchronous>, transform_indices = @transform_7, window_bounds = array<i64: 1024, 32>}, {transform_indices = @transform_8, window_bounds = array<i64: 800, 128>}]} {
    %get3A = arith.constant 0 : index
    %get3A_0 = arith.constant 0 : index
    %get3A_1 = vector.load %arg1[%get3A, %get3A_0] : memref<800x19xf32, #tpu.memory_space<vmem>>, vector<800x19xf32>
    %get3A_2 = arith.constant 0 : index
    %get3A_3 = arith.constant 0 : index
    %get3A_4 = vector.load %arg3[%get3A_2, %get3A_3] : memref<2x19xf32, #tpu.memory_space<vmem>>, vector<1x19xf32>
    %mul3A = vector.broadcast %get3A_4 : vector<1x19xf32> to vector<800x19xf32>
    %mul3A_5 = arith.mulf %get3A_1, %mul3A : vector<800x19xf32>
    %get3A_6 = arith.constant 1 : index
    %get3A_7 = arith.constant 0 : index
    %get3A_8 = vector.load %arg3[%get3A_6, %get3A_7] : memref<2x19xf32, #tpu.memory_space<vmem>>, vector<1x19xf32>
    %add3A = vector.broadcast %get3A_8 : vector<1x19xf32> to vector<800x19xf32>
    %add3A_9 = arith.addf %mul3A_5, %add3A : vector<800x19xf32>
    %get3A_10 = arith.constant 0 : index
    %get3A_11 = arith.constant 0 : index
    %get3A_12 = vector.load %arg4[%get3A_10, %get3A_11] : memref<19x32xf32, #tpu.memory_space<vmem>>, vector<19x32xf32>
    %dot_general3A = arith.constant dense<0.000000e+00> : vector<800x32xf32>
    %dot_general3A_13 = tpu.matmul %add3A_9, %get3A_12, %dot_general3A {dimension_numbers = #tpu.dot_dimension_numbers<[1], [0], [0], [1], [0, 0, 1, 1], [], []>, precision = #tpu.contract_precision<fp32>, transpose_lhs_hint = false} : vector<800x19xf32>, vector<19x32xf32>, vector<800x32xf32> -> vector<800x32xf32>
    %get3A_14 = arith.constant 0 : index
    %get3A_15 = arith.constant 0 : index
    %get3A_16 = vector.load %arg5[%get3A_14, %get3A_15] : memref<1x32xf32, #tpu.memory_space<vmem>>, vector<1x32xf32>
    %add3A_17 = vector.broadcast %get3A_16 : vector<1x32xf32> to vector<800x32xf32>
    %add3A_18 = arith.addf %dot_general3A_13, %add3A_17 : vector<800x32xf32>
    %ge3A = arith.constant 0.000000e+00 : f32
    %ge3A_19 = vector.broadcast %ge3A : f32 to vector<800x32xf32>
    %ge3A_20 = arith.cmpf oge, %add3A_18, %ge3A_19 : vector<800x32xf32>
    %mul3A_21 = arith.constant 1.000000e-01 : f32
    %mul3A_22 = vector.broadcast %mul3A_21 : f32 to vector<800x32xf32>
    %mul3A_23 = arith.mulf %mul3A_22, %add3A_18 : vector<800x32xf32>
    %select_n3A = arith.select %ge3A_20, %add3A_18, %mul3A_23 : vector<800x32xi1>, vector<800x32xf32>
    %convert_element_type3A = arith.truncf %select_n3A : vector<800x32xf32> to vector<800x32xbf16>
    %get3A_24 = arith.constant 0 : index
    %get3A_25 = arith.constant 0 : index
    %get3A_26 = vector.load %arg6[%get3A_24, %get3A_25] : memref<32x1024xbf16, #tpu.memory_space<vmem>>, vector<32x1024xbf16>
    %dot_general3A_27 = arith.constant dense<0.000000e+00> : vector<800x1024xf32>
    %dot_general3A_28 = tpu.matmul %convert_element_type3A, %get3A_26, %dot_general3A_27 {dimension_numbers = #tpu.dot_dimension_numbers<[1], [0], [0], [1], [0, 0, 1, 1], [], []>, transpose_lhs_hint = false} : vector<800x32xbf16>, vector<32x1024xbf16>, vector<800x1024xf32> -> vector<800x1024xf32>
    %get3A_29 = arith.constant 0 : index
    %get3A_30 = arith.constant 0 : index
    %get3A_31 = vector.load %arg7[%get3A_29, %get3A_30] : memref<1x1024xf32, #tpu.memory_space<vmem>>, vector<1x1024xf32>
    %add3A_32 = vector.broadcast %get3A_31 : vector<1x1024xf32> to vector<800x1024xf32>
    %add3A_33 = arith.addf %dot_general3A_28, %add3A_32 : vector<800x1024xf32>
    %ge3A_34 = arith.constant 0.000000e+00 : f32
    %ge3A_35 = vector.broadcast %ge3A_34 : f32 to vector<800x1024xf32>
    %ge3A_36 = arith.cmpf oge, %add3A_33, %ge3A_35 : vector<800x1024xf32>
    %mul3A_37 = arith.constant 1.000000e-01 : f32
    %mul3A_38 = vector.broadcast %mul3A_37 : f32 to vector<800x1024xf32>
    %mul3A_39 = arith.mulf %mul3A_38, %add3A_33 : vector<800x1024xf32>
    %select_n3A_40 = arith.select %ge3A_36, %add3A_33, %mul3A_39 : vector<800x1024xi1>, vector<800x1024xf32>
    %get3A_41 = arith.constant 0 : index
    %get3A_42 = arith.constant 0 : index
    %get3A_43 = vector.load %arg2[%get3A_41, %get3A_42] : memref<800x128xf32, #tpu.memory_space<vmem>>, vector<800x32xf32>
    %convert_element_type3A_44 = arith.truncf %get3A_43 : vector<800x32xf32> to vector<800x32xbf16>
    %convert_element_type3A_45 = arith.extf %convert_element_type3A_44 : vector<800x32xbf16> to vector<800x32xf32>
    %convert_element_type3A_46 = arith.truncf %select_n3A_40 : vector<800x1024xf32> to vector<800x1024xbf16>
    %convert_element_type3A_47 = arith.extf %convert_element_type3A_46 : vector<800x1024xbf16> to vector<800x1024xf32>
    %tile3A = tpu.concatenate %convert_element_type3A_45, %convert_element_type3A_45, %convert_element_type3A_45, %convert_element_type3A_45, %convert_element_type3A_45, %convert_element_type3A_45, %convert_element_type3A_45, %convert_element_type3A_45, %convert_element_type3A_45, %convert_element_type3A_45, %convert_element_type3A_45, %convert_element_type3A_45, %convert_element_type3A_45, %convert_element_type3A_45, %convert_element_type3A_45, %convert_element_type3A_45, %convert_element_type3A_45, %convert_element_type3A_45, %convert_element_type3A_45, %convert_element_type3A_45, %convert_element_type3A_45, %convert_element_type3A_45, %convert_element_type3A_45, %convert_element_type3A_45, %convert_element_type3A_45, %convert_element_type3A_45, %convert_element_type3A_45, %convert_element_type3A_45, %convert_element_type3A_45, %convert_element_type3A_45, %convert_element_type3A_45, %convert_element_type3A_45 in 1 : vector<800x32xf32>, vector<800x32xf32>, vector<800x32xf32>, vector<800x32xf32>, vector<800x32xf32>, vector<800x32xf32>, vector<800x32xf32>, vector<800x32xf32>, vector<800x32xf32>, vector<800x32xf32>, vector<800x32xf32>, vector<800x32xf32>, vector<800x32xf32>, vector<800x32xf32>, vector<800x32xf32>, vector<800x32xf32>, vector<800x32xf32>, vector<800x32xf32>, vector<800x32xf32>, vector<800x32xf32>, vector<800x32xf32>, vector<800x32xf32>, vector<800x32xf32>, vector<800x32xf32>, vector<800x32xf32>, vector<800x32xf32>, vector<800x32xf32>, vector<800x32xf32>, vector<800x32xf32>, vector<800x32xf32>, vector<800x32xf32>, vector<800x32xf32> -> vector<800x1024xf32>
    %mul3A_48 = arith.mulf %tile3A, %convert_element_type3A_47 : vector<800x1024xf32>
    %get3A_49 = arith.constant 0 : index
    %get3A_50 = arith.constant 0 : index
    %get3A_51 = vector.load %arg8[%get3A_49, %get3A_50] : memref<1024x32xf32, #tpu.memory_space<vmem>>, vector<1024x32xf32>
    %dot_general3A_52 = arith.constant dense<0.000000e+00> : vector<800x32xf32>
    %dot_general3A_53 = tpu.matmul %mul3A_48, %get3A_51, %dot_general3A_52 {dimension_numbers = #tpu.dot_dimension_numbers<[1], [0], [0], [1], [0, 0, 1, 1], [], []>, precision = #tpu.contract_precision<fp32>, transpose_lhs_hint = false} : vector<800x1024xf32>, vector<1024x32xf32>, vector<800x32xf32> -> vector<800x32xf32>
    %broadcast_in_dim3A = arith.constant 0.000000e+00 : f32
    %broadcast_in_dim3A_54 = vector.broadcast %broadcast_in_dim3A : f32 to vector<800x96xf32>
    %concatenate3A = tpu.concatenate %dot_general3A_53, %broadcast_in_dim3A_54 in 1 : vector<800x32xf32>, vector<800x96xf32> -> vector<800x128xf32>
    %swap3A = arith.constant 0 : index
    %swap3A_55 = arith.constant 0 : index
    %swap3A_56 = vector.load %arg9[%swap3A, %swap3A_55] : memref<800x128xf32, #tpu.memory_space<vmem>>, vector<800x128xf32>
    tpu.vector_store %arg9[%swap3A, %swap3A_55], %concatenate3A {strides = array<i32>} : memref<800x128xf32, #tpu.memory_space<vmem>>, vector<800x128xf32>,
    return
  }
  func.func @transform_0(%arg0: i32) -> (i32, i32) {
    %c0_i32 = arith.constant 0 : i32
    %c0_i32_0 = arith.constant 0 : i32
    return %arg0, %c0_i32 : i32, i32
  }
  func.func @transform_1(%arg0: i32) -> (i32, i32) {
    %c0_i32 = arith.constant 0 : i32
    %c0_i32_0 = arith.constant 0 : i32
    return %arg0, %c0_i32 : i32, i32
  }
  func.func @transform_2(%arg0: i32) -> (i32, i32) {
    %c0_i32 = arith.constant 0 : i32
    %c0_i32_0 = arith.constant 0 : i32
    %c0_i32_1 = arith.constant 0 : i32
    return %c0_i32, %c0_i32_0 : i32, i32
  }
  func.func @transform_3(%arg0: i32) -> (i32, i32) {
    %c0_i32 = arith.constant 0 : i32
    %c0_i32_0 = arith.constant 0 : i32
    %c0_i32_1 = arith.constant 0 : i32
    return %c0_i32, %c0_i32_0 : i32, i32
  }
  func.func @transform_4(%arg0: i32) -> (i32, i32) {
    %c0_i32 = arith.constant 0 : i32
    %c0_i32_0 = arith.constant 0 : i32
    %c0_i32_1 = arith.constant 0 : i32
    return %c0_i32, %c0_i32_0 : i32, i32
  }
  func.func @transform_5(%arg0: i32) -> (i32, i32) {
    %c0_i32 = arith.constant 0 : i32
    %c0_i32_0 = arith.constant 0 : i32
    %c0_i32_1 = arith.constant 0 : i32
    return %c0_i32, %c0_i32_0 : i32, i32
  }
  func.func @transform_6(%arg0: i32) -> (i32, i32) {
    %c0_i32 = arith.constant 0 : i32
    %c0_i32_0 = arith.constant 0 : i32
    %c0_i32_1 = arith.constant 0 : i32
    return %c0_i32, %c0_i32_0 : i32, i32
  }
  func.func @transform_7(%arg0: i32) -> (i32, i32) {
    %c0_i32 = arith.constant 0 : i32
    %c0_i32_0 = arith.constant 0 : i32
    %c0_i32_1 = arith.constant 0 : i32
    return %c0_i32, %c0_i32_0 : i32, i32
  }
  func.func @transform_8(%arg0: i32) -> (i32, i32) {
    %c0_i32 = arith.constant 0 : i32
    %c0_i32_0 = arith.constant 0 : i32
    return %arg0, %c0_i32 : i32, i32
  }
}

module attributes {stable_mosaic.version = 14 : i64} {
  func.func @_update_body(%arg0: memref<2x10240x128xf32, #tpu.memory_space<vmem>>, %arg1: memref<10000x128xf32, #tpu.memory_space<vmem>>, %arg2: memref<32x32xf32, #tpu.memory_space<vmem>>, %arg3: memref<1x32xf32, #tpu.memory_space<vmem>>, %arg4: memref<10000x128xf32, #tpu.memory_space<vmem>>) attributes {dimension_semantics = [], scalar_prefetch = 0 : i64, scratch_operands = 0 : i64, tpu.core_type = #tpu.core_type<tc>} {
    %get3A = arith.constant 0 : index
    %get3A_0 = arith.constant 0 : index
    %get3A_1 = arith.constant 0 : index
    %get3A_2 = vector.load %arg0[%get3A, %get3A_0, %get3A_1] : memref<2x10240x128xf32, #tpu.memory_space<vmem>>, vector<1x10000x32xf32>
    %get3A_3 = vector.shape_cast %get3A_2 : vector<1x10000x32xf32> to vector<10000x32xf32>
    %get3A_4 = arith.constant 1 : index
    %get3A_5 = arith.constant 0 : index
    %get3A_6 = arith.constant 0 : index
    %get3A_7 = vector.load %arg0[%get3A_4, %get3A_5, %get3A_6] : memref<2x10240x128xf32, #tpu.memory_space<vmem>>, vector<1x10000x32xf32>
    %get3A_8 = vector.shape_cast %get3A_7 : vector<1x10000x32xf32> to vector<10000x32xf32>
    %add3A = arith.addf %get3A_3, %get3A_8 : vector<10000x32xf32>
    %get3A_9 = arith.constant 0 : index
    %get3A_10 = arith.constant 0 : index
    %get3A_11 = vector.load %arg1[%get3A_9, %get3A_10] : memref<10000x128xf32, #tpu.memory_space<vmem>>, vector<10000x32xf32>
    %get3A_12 = arith.constant 0 : index
    %get3A_13 = arith.constant 0 : index
    %get3A_14 = vector.load %arg2[%get3A_12, %get3A_13] : memref<32x32xf32, #tpu.memory_space<vmem>>, vector<32x32xf32>
    %convert_element_type3A = arith.truncf %get3A_11 : vector<10000x32xf32> to vector<10000x32xbf16>
    %convert_element_type3A_15 = arith.truncf %get3A_14 : vector<32x32xf32> to vector<32x32xbf16>
    %dot_general3A = arith.constant dense<0.000000e+00> : vector<10000x32xf32>
    %dot_general3A_16 = tpu.matmul %convert_element_type3A, %convert_element_type3A_15, %dot_general3A {dimension_numbers = #tpu.dot_dimension_numbers<[1], [0], [0], [1], [0, 0, 1, 1], [], []>, transpose_lhs_hint = false} : vector<10000x32xbf16>, vector<32x32xbf16>, vector<10000x32xf32> -> vector<10000x32xf32>
    %add3A_17 = arith.addf %add3A, %dot_general3A_16 : vector<10000x32xf32>
    %get3A_18 = arith.constant 0 : index
    %get3A_19 = arith.constant 0 : index
    %get3A_20 = vector.load %arg3[%get3A_18, %get3A_19] : memref<1x32xf32, #tpu.memory_space<vmem>>, vector<1x32xf32>
    %add3A_21 = vector.broadcast %get3A_20 : vector<1x32xf32> to vector<10000x32xf32>
    %add3A_22 = arith.addf %add3A_17, %add3A_21 : vector<10000x32xf32>
    %broadcast_in_dim3A = arith.constant 0.000000e+00 : f32
    %broadcast_in_dim3A_23 = vector.broadcast %broadcast_in_dim3A : f32 to vector<10000x96xf32>
    %concatenate3A = tpu.concatenate %add3A_22, %broadcast_in_dim3A_23 in 1 : vector<10000x32xf32>, vector<10000x96xf32> -> vector<10000x128xf32>
    %swap3A = arith.constant 0 : index
    %swap3A_24 = arith.constant 0 : index
    %swap3A_25 = vector.load %arg4[%swap3A, %swap3A_24] : memref<10000x128xf32, #tpu.memory_space<vmem>>, vector<10000x128xf32>
    tpu.vector_store %arg4[%swap3A, %swap3A_24], %concatenate3A {strides = array<i32>} : memref<10000x128xf32, #tpu.memory_space<vmem>>, vector<10000x128xf32>,
    return
  }
}

module attributes {stable_mosaic.version = 14 : i64} {
  func.func @_edge_mlp_body(%arg0: i32, %arg1: memref<1600x19xf32, #tpu.memory_space<vmem>>, %arg2: memref<1600x128xf32, #tpu.memory_space<vmem>>, %arg3: memref<1600x128xf32, #tpu.memory_space<vmem>>, %arg4: memref<2x19xf32, #tpu.memory_space<vmem>>, %arg5: memref<32x64xf32, #tpu.memory_space<vmem>>, %arg6: memref<32x64xf32, #tpu.memory_space<vmem>>, %arg7: memref<19x64xf32, #tpu.memory_space<vmem>>, %arg8: memref<1x64xf32, #tpu.memory_space<vmem>>, %arg9: memref<64x16xf32, #tpu.memory_space<vmem>>, %arg10: memref<1x16xf32, #tpu.memory_space<vmem>>, %arg11: memref<16x16xf32, #tpu.memory_space<vmem>>, %arg12: memref<1x16xf32, #tpu.memory_space<vmem>>, %arg13: memref<1600x128xf32, #tpu.memory_space<vmem>>) attributes {dimension_semantics = [#tpu.dimension_semantics<arbitrary>], iteration_bounds = array<i64: 100>, scalar_prefetch = 0 : i64, scratch_operands = 0 : i64, tpu.core_type = #tpu.core_type<tc>, window_params = [{transform_indices = @transform_0, window_bounds = array<i64: 1600, 19>}, {transform_indices = @transform_1, window_bounds = array<i64: 1600, 128>}, {transform_indices = @transform_2, window_bounds = array<i64: 1600, 128>}, {pipeline_mode = #tpu.pipeline_mode<synchronous>, transform_indices = @transform_3, window_bounds = array<i64: 2, 19>}, {pipeline_mode = #tpu.pipeline_mode<synchronous>, transform_indices = @transform_4, window_bounds = array<i64: 32, 64>}, {pipeline_mode = #tpu.pipeline_mode<synchronous>, transform_indices = @transform_5, window_bounds = array<i64: 32, 64>}, {pipeline_mode = #tpu.pipeline_mode<synchronous>, transform_indices = @transform_6, window_bounds = array<i64: 19, 64>}, {pipeline_mode = #tpu.pipeline_mode<synchronous>, transform_indices = @transform_7, window_bounds = array<i64: 1, 64>}, {pipeline_mode = #tpu.pipeline_mode<synchronous>, transform_indices = @transform_8, window_bounds = array<i64: 64, 16>}, {pipeline_mode = #tpu.pipeline_mode<synchronous>, transform_indices = @transform_9, window_bounds = array<i64: 1, 16>}, {pipeline_mode = #tpu.pipeline_mode<synchronous>, transform_indices = @transform_10, window_bounds = array<i64: 16, 16>}, {pipeline_mode = #tpu.pipeline_mode<synchronous>, transform_indices = @transform_11, window_bounds = array<i64: 1, 16>}, {transform_indices = @transform_12, window_bounds = array<i64: 1600, 128>}]} {
    %get3A = arith.constant 0 : index
    %get3A_0 = arith.constant 0 : index
    %get3A_1 = vector.load %arg1[%get3A, %get3A_0] : memref<1600x19xf32, #tpu.memory_space<vmem>>, vector<1600x19xf32>
    %get3A_2 = arith.constant 0 : index
    %get3A_3 = arith.constant 0 : index
    %get3A_4 = vector.load %arg4[%get3A_2, %get3A_3] : memref<2x19xf32, #tpu.memory_space<vmem>>, vector<1x19xf32>
    %mul3A = vector.broadcast %get3A_4 : vector<1x19xf32> to vector<1600x19xf32>
    %mul3A_5 = arith.mulf %get3A_1, %mul3A : vector<1600x19xf32>
    %get3A_6 = arith.constant 1 : index
    %get3A_7 = arith.constant 0 : index
    %get3A_8 = vector.load %arg4[%get3A_6, %get3A_7] : memref<2x19xf32, #tpu.memory_space<vmem>>, vector<1x19xf32>
    %add3A = vector.broadcast %get3A_8 : vector<1x19xf32> to vector<1600x19xf32>
    %add3A_9 = arith.addf %mul3A_5, %add3A : vector<1600x19xf32>
    %get3A_10 = arith.constant 0 : index
    %get3A_11 = arith.constant 0 : index
    %get3A_12 = vector.load %arg3[%get3A_10, %get3A_11] : memref<1600x128xf32, #tpu.memory_space<vmem>>, vector<1600x32xf32>
    %get3A_13 = arith.constant 0 : index
    %get3A_14 = arith.constant 0 : index
    %get3A_15 = vector.load %arg2[%get3A_13, %get3A_14] : memref<1600x128xf32, #tpu.memory_space<vmem>>, vector<1600x32xf32>
    %get3A_16 = arith.constant 0 : index
    %get3A_17 = arith.constant 0 : index
    %get3A_18 = vector.load %arg5[%get3A_16, %get3A_17] : memref<32x64xf32, #tpu.memory_space<vmem>>, vector<32x64xf32>
    %convert_element_type3A = arith.truncf %get3A_15 : vector<1600x32xf32> to vector<1600x32xbf16>
    %convert_element_type3A_19 = arith.truncf %get3A_18 : vector<32x64xf32> to vector<32x64xbf16>
    %dot_general3A = arith.constant dense<0.000000e+00> : vector<1600x64xf32>
    %dot_general3A_20 = tpu.matmul %convert_element_type3A, %convert_element_type3A_19, %dot_general3A {dimension_numbers = #tpu.dot_dimension_numbers<[1], [0], [0], [1], [0, 0, 1, 1], [], []>, transpose_lhs_hint = false} : vector<1600x32xbf16>, vector<32x64xbf16>, vector<1600x64xf32> -> vector<1600x64xf32>
    %get3A_21 = arith.constant 0 : index
    %get3A_22 = arith.constant 0 : index
    %get3A_23 = vector.load %arg6[%get3A_21, %get3A_22] : memref<32x64xf32, #tpu.memory_space<vmem>>, vector<32x64xf32>
    %convert_element_type3A_24 = arith.truncf %get3A_12 : vector<1600x32xf32> to vector<1600x32xbf16>
    %convert_element_type3A_25 = arith.truncf %get3A_23 : vector<32x64xf32> to vector<32x64xbf16>
    %dot_general3A_26 = arith.constant dense<0.000000e+00> : vector<1600x64xf32>
    %dot_general3A_27 = tpu.matmul %convert_element_type3A_24, %convert_element_type3A_25, %dot_general3A_26 {dimension_numbers = #tpu.dot_dimension_numbers<[1], [0], [0], [1], [0, 0, 1, 1], [], []>, transpose_lhs_hint = false} : vector<1600x32xbf16>, vector<32x64xbf16>, vector<1600x64xf32> -> vector<1600x64xf32>
    %add3A_28 = arith.addf %dot_general3A_20, %dot_general3A_27 : vector<1600x64xf32>
    %get3A_29 = arith.constant 0 : index
    %get3A_30 = arith.constant 0 : index
    %get3A_31 = vector.load %arg7[%get3A_29, %get3A_30] : memref<19x64xf32, #tpu.memory_space<vmem>>, vector<19x64xf32>
    %convert_element_type3A_32 = arith.truncf %add3A_9 : vector<1600x19xf32> to vector<1600x19xbf16>
    %convert_element_type3A_33 = arith.truncf %get3A_31 : vector<19x64xf32> to vector<19x64xbf16>
    %dot_general3A_34 = arith.constant dense<0.000000e+00> : vector<1600x64xf32>
    %dot_general3A_35 = tpu.matmul %convert_element_type3A_32, %convert_element_type3A_33, %dot_general3A_34 {dimension_numbers = #tpu.dot_dimension_numbers<[1], [0], [0], [1], [0, 0, 1, 1], [], []>, transpose_lhs_hint = false} : vector<1600x19xbf16>, vector<19x64xbf16>, vector<1600x64xf32> -> vector<1600x64xf32>
    %add3A_36 = arith.addf %add3A_28, %dot_general3A_35 : vector<1600x64xf32>
    %get3A_37 = arith.constant 0 : index
    %get3A_38 = arith.constant 0 : index
    %get3A_39 = vector.load %arg8[%get3A_37, %get3A_38] : memref<1x64xf32, #tpu.memory_space<vmem>>, vector<1x64xf32>
    %add3A_40 = vector.broadcast %get3A_39 : vector<1x64xf32> to vector<1600x64xf32>
    %add3A_41 = arith.addf %add3A_36, %add3A_40 : vector<1600x64xf32>
    %ge3A = arith.constant 0.000000e+00 : f32
    %ge3A_42 = vector.broadcast %ge3A : f32 to vector<1600x64xf32>
    %ge3A_43 = arith.cmpf oge, %add3A_41, %ge3A_42 : vector<1600x64xf32>
    %mul3A_44 = arith.constant 1.000000e-01 : f32
    %mul3A_45 = vector.broadcast %mul3A_44 : f32 to vector<1600x64xf32>
    %mul3A_46 = arith.mulf %mul3A_45, %add3A_41 : vector<1600x64xf32>
    %select_n3A = arith.select %ge3A_43, %add3A_41, %mul3A_46 : vector<1600x64xi1>, vector<1600x64xf32>
    %get3A_47 = arith.constant 0 : index
    %get3A_48 = arith.constant 0 : index
    %get3A_49 = vector.load %arg9[%get3A_47, %get3A_48] : memref<64x16xf32, #tpu.memory_space<vmem>>, vector<64x16xf32>
    %convert_element_type3A_50 = arith.truncf %select_n3A : vector<1600x64xf32> to vector<1600x64xbf16>
    %convert_element_type3A_51 = arith.truncf %get3A_49 : vector<64x16xf32> to vector<64x16xbf16>
    %dot_general3A_52 = arith.constant dense<0.000000e+00> : vector<1600x16xf32>
    %dot_general3A_53 = tpu.matmul %convert_element_type3A_50, %convert_element_type3A_51, %dot_general3A_52 {dimension_numbers = #tpu.dot_dimension_numbers<[1], [0], [0], [1], [0, 0, 1, 1], [], []>, transpose_lhs_hint = false} : vector<1600x64xbf16>, vector<64x16xbf16>, vector<1600x16xf32> -> vector<1600x16xf32>
    %get3A_54 = arith.constant 0 : index
    %get3A_55 = arith.constant 0 : index
    %get3A_56 = vector.load %arg10[%get3A_54, %get3A_55] : memref<1x16xf32, #tpu.memory_space<vmem>>, vector<1x16xf32>
    %add3A_57 = vector.broadcast %get3A_56 : vector<1x16xf32> to vector<1600x16xf32>
    %add3A_58 = arith.addf %dot_general3A_53, %add3A_57 : vector<1600x16xf32>
    %ge3A_59 = arith.constant 0.000000e+00 : f32
    %ge3A_60 = vector.broadcast %ge3A_59 : f32 to vector<1600x16xf32>
    %ge3A_61 = arith.cmpf oge, %add3A_58, %ge3A_60 : vector<1600x16xf32>
    %mul3A_62 = arith.constant 1.000000e-01 : f32
    %mul3A_63 = vector.broadcast %mul3A_62 : f32 to vector<1600x16xf32>
    %mul3A_64 = arith.mulf %mul3A_63, %add3A_58 : vector<1600x16xf32>
    %select_n3A_65 = arith.select %ge3A_61, %add3A_58, %mul3A_64 : vector<1600x16xi1>, vector<1600x16xf32>
    %get3A_66 = arith.constant 0 : index
    %get3A_67 = arith.constant 0 : index
    %get3A_68 = vector.load %arg11[%get3A_66, %get3A_67] : memref<16x16xf32, #tpu.memory_space<vmem>>, vector<16x16xf32>
    %convert_element_type3A_69 = arith.truncf %select_n3A_65 : vector<1600x16xf32> to vector<1600x16xbf16>
    %convert_element_type3A_70 = arith.truncf %get3A_68 : vector<16x16xf32> to vector<16x16xbf16>
    %dot_general3A_71 = arith.constant dense<0.000000e+00> : vector<1600x16xf32>
    %dot_general3A_72 = tpu.matmul %convert_element_type3A_69, %convert_element_type3A_70, %dot_general3A_71 {dimension_numbers = #tpu.dot_dimension_numbers<[1], [0], [0], [1], [0, 0, 1, 1], [], []>, transpose_lhs_hint = false} : vector<1600x16xbf16>, vector<16x16xbf16>, vector<1600x16xf32> -> vector<1600x16xf32>
    %get3A_73 = arith.constant 0 : index
    %get3A_74 = arith.constant 0 : index
    %get3A_75 = vector.load %arg12[%get3A_73, %get3A_74] : memref<1x16xf32, #tpu.memory_space<vmem>>, vector<1x16xf32>
    %add3A_76 = vector.broadcast %get3A_75 : vector<1x16xf32> to vector<1600x16xf32>
    %add3A_77 = arith.addf %dot_general3A_72, %add3A_76 : vector<1600x16xf32>
    %broadcast_in_dim3A = arith.constant 0.000000e+00 : f32
    %broadcast_in_dim3A_78 = vector.broadcast %broadcast_in_dim3A : f32 to vector<1600x80xf32>
    %concatenate3A = tpu.concatenate %get3A_12, %add3A_77, %broadcast_in_dim3A_78 in 1 : vector<1600x32xf32>, vector<1600x16xf32>, vector<1600x80xf32> -> vector<1600x128xf32>
    %swap3A = arith.constant 0 : index
    %swap3A_79 = arith.constant 0 : index
    %swap3A_80 = vector.load %arg13[%swap3A, %swap3A_79] : memref<1600x128xf32, #tpu.memory_space<vmem>>, vector<1600x128xf32>
    tpu.vector_store %arg13[%swap3A, %swap3A_79], %concatenate3A {strides = array<i32>} : memref<1600x128xf32, #tpu.memory_space<vmem>>, vector<1600x128xf32>,
    return
  }
  func.func @transform_0(%arg0: i32) -> (i32, i32) {
    %c0_i32 = arith.constant 0 : i32
    %c0_i32_0 = arith.constant 0 : i32
    return %arg0, %c0_i32 : i32, i32
  }
  func.func @transform_1(%arg0: i32) -> (i32, i32) {
    %c0_i32 = arith.constant 0 : i32
    %c0_i32_0 = arith.constant 0 : i32
    return %arg0, %c0_i32 : i32, i32
  }
  func.func @transform_2(%arg0: i32) -> (i32, i32) {
    %c0_i32 = arith.constant 0 : i32
    %c0_i32_0 = arith.constant 0 : i32
    return %arg0, %c0_i32 : i32, i32
  }
  func.func @transform_3(%arg0: i32) -> (i32, i32) {
    %c0_i32 = arith.constant 0 : i32
    %c0_i32_0 = arith.constant 0 : i32
    %c0_i32_1 = arith.constant 0 : i32
    return %c0_i32, %c0_i32_0 : i32, i32
  }
  func.func @transform_4(%arg0: i32) -> (i32, i32) {
    %c0_i32 = arith.constant 0 : i32
    %c0_i32_0 = arith.constant 0 : i32
    %c0_i32_1 = arith.constant 0 : i32
    return %c0_i32, %c0_i32_0 : i32, i32
  }
  func.func @transform_5(%arg0: i32) -> (i32, i32) {
    %c0_i32 = arith.constant 0 : i32
    %c0_i32_0 = arith.constant 0 : i32
    %c0_i32_1 = arith.constant 0 : i32
    return %c0_i32, %c0_i32_0 : i32, i32
  }
  func.func @transform_6(%arg0: i32) -> (i32, i32) {
    %c0_i32 = arith.constant 0 : i32
    %c0_i32_0 = arith.constant 0 : i32
    %c0_i32_1 = arith.constant 0 : i32
    return %c0_i32, %c0_i32_0 : i32, i32
  }
  func.func @transform_7(%arg0: i32) -> (i32, i32) {
    %c0_i32 = arith.constant 0 : i32
    %c0_i32_0 = arith.constant 0 : i32
    %c0_i32_1 = arith.constant 0 : i32
    return %c0_i32, %c0_i32_0 : i32, i32
  }
  func.func @transform_8(%arg0: i32) -> (i32, i32) {
    %c0_i32 = arith.constant 0 : i32
    %c0_i32_0 = arith.constant 0 : i32
    %c0_i32_1 = arith.constant 0 : i32
    return %c0_i32, %c0_i32_0 : i32, i32
  }
  func.func @transform_9(%arg0: i32) -> (i32, i32) {
    %c0_i32 = arith.constant 0 : i32
    %c0_i32_0 = arith.constant 0 : i32
    %c0_i32_1 = arith.constant 0 : i32
    return %c0_i32, %c0_i32_0 : i32, i32
  }
  func.func @transform_10(%arg0: i32) -> (i32, i32) {
    %c0_i32 = arith.constant 0 : i32
    %c0_i32_0 = arith.constant 0 : i32
    %c0_i32_1 = arith.constant 0 : i32
    return %c0_i32, %c0_i32_0 : i32, i32
  }
  func.func @transform_11(%arg0: i32) -> (i32, i32) {
    %c0_i32 = arith.constant 0 : i32
    %c0_i32_0 = arith.constant 0 : i32
    %c0_i32_1 = arith.constant 0 : i32
    return %c0_i32, %c0_i32_0 : i32, i32
  }
  func.func @transform_12(%arg0: i32) -> (i32, i32) {
    %c0_i32 = arith.constant 0 : i32
    %c0_i32_0 = arith.constant 0 : i32
    return %arg0, %c0_i32 : i32, i32
  }
}

module attributes {stable_mosaic.version = 14 : i64} {
  func.func @_final_body(%arg0: memref<2x10240x128xf32, #tpu.memory_space<vmem>>, %arg1: memref<128x1xf32, #tpu.memory_space<vmem>>, %arg2: memref<128x16xf32, #tpu.memory_space<vmem>>, %arg3: memref<1x16xf32, #tpu.memory_space<vmem>>, %arg4: memref<16x2xf32, #tpu.memory_space<vmem>>, %arg5: memref<1x2xf32, #tpu.memory_space<vmem>>, %arg6: memref<10000x2xf32, #tpu.memory_space<vmem>>) attributes {dimension_semantics = [], scalar_prefetch = 0 : i64, scratch_operands = 0 : i64, tpu.core_type = #tpu.core_type<tc>} {
    %get3A = arith.constant 0 : index
    %get3A_0 = arith.constant 0 : index
    %get3A_1 = arith.constant 0 : index
    %get3A_2 = vector.load %arg0[%get3A, %get3A_0, %get3A_1] : memref<2x10240x128xf32, #tpu.memory_space<vmem>>, vector<1x10000x128xf32>
    %get3A_3 = vector.shape_cast %get3A_2 : vector<1x10000x128xf32> to vector<10000x128xf32>
    %get3A_4 = arith.constant 1 : index
    %get3A_5 = arith.constant 0 : index
    %get3A_6 = arith.constant 0 : index
    %get3A_7 = vector.load %arg0[%get3A_4, %get3A_5, %get3A_6] : memref<2x10240x128xf32, #tpu.memory_space<vmem>>, vector<1x10000x128xf32>
    %get3A_8 = vector.shape_cast %get3A_7 : vector<1x10000x128xf32> to vector<10000x128xf32>
    %add3A = arith.addf %get3A_3, %get3A_8 : vector<10000x128xf32>
    %get3A_9 = arith.constant 0 : index
    %get3A_10 = arith.constant 0 : index
    %get3A_11 = vector.load %arg1[%get3A_9, %get3A_10] : memref<128x1xf32, #tpu.memory_space<vmem>>, vector<128x1xf32>
    %dot_general3A = arith.constant dense<0.000000e+00> : vector<10000x1xf32>
    %dot_general3A_12 = tpu.matmul %add3A, %get3A_11, %dot_general3A {dimension_numbers = #tpu.dot_dimension_numbers<[1], [0], [0], [1], [0, 0, 1, 1], [], []>, precision = #tpu.contract_precision<fp32>, transpose_lhs_hint = false} : vector<10000x128xf32>, vector<128x1xf32>, vector<10000x1xf32> -> vector<10000x1xf32>
    %max3A = arith.constant 1.000000e+00 : f32
    %max3A_13 = vector.broadcast %max3A : f32 to vector<10000x1xf32>
    %max3A_14 = arith.maximumf %dot_general3A_12, %max3A_13 : vector<10000x1xf32>
    %div3A = vector.broadcast %max3A_14 : vector<10000x1xf32> to vector<10000x128xf32>
    %div3A_15 = arith.divf %add3A, %div3A : vector<10000x128xf32>
    %get3A_16 = arith.constant 0 : index
    %get3A_17 = arith.constant 0 : index
    %get3A_18 = vector.load %arg2[%get3A_16, %get3A_17] : memref<128x16xf32, #tpu.memory_space<vmem>>, vector<128x16xf32>
    %convert_element_type3A = arith.truncf %div3A_15 : vector<10000x128xf32> to vector<10000x128xbf16>
    %convert_element_type3A_19 = arith.truncf %get3A_18 : vector<128x16xf32> to vector<128x16xbf16>
    %dot_general3A_20 = arith.constant dense<0.000000e+00> : vector<10000x16xf32>
    %dot_general3A_21 = tpu.matmul %convert_element_type3A, %convert_element_type3A_19, %dot_general3A_20 {dimension_numbers = #tpu.dot_dimension_numbers<[1], [0], [0], [1], [0, 0, 1, 1], [], []>, transpose_lhs_hint = false} : vector<10000x128xbf16>, vector<128x16xbf16>, vector<10000x16xf32> -> vector<10000x16xf32>
    %get3A_22 = arith.constant 0 : index
    %get3A_23 = arith.constant 0 : index
    %get3A_24 = vector.load %arg3[%get3A_22, %get3A_23] : memref<1x16xf32, #tpu.memory_space<vmem>>, vector<1x16xf32>
    %add3A_25 = vector.broadcast %get3A_24 : vector<1x16xf32> to vector<10000x16xf32>
    %add3A_26 = arith.addf %dot_general3A_21, %add3A_25 : vector<10000x16xf32>
    %ge3A = arith.constant 0.000000e+00 : f32
    %ge3A_27 = vector.broadcast %ge3A : f32 to vector<10000x16xf32>
    %ge3A_28 = arith.cmpf oge, %add3A_26, %ge3A_27 : vector<10000x16xf32>
    %mul3A = arith.constant 1.200000e-01 : f32
    %mul3A_29 = vector.broadcast %mul3A : f32 to vector<10000x16xf32>
    %mul3A_30 = arith.mulf %mul3A_29, %add3A_26 : vector<10000x16xf32>
    %select_n3A = arith.select %ge3A_28, %add3A_26, %mul3A_30 : vector<10000x16xi1>, vector<10000x16xf32>
    %get3A_31 = arith.constant 0 : index
    %get3A_32 = arith.constant 0 : index
    %get3A_33 = vector.load %arg4[%get3A_31, %get3A_32] : memref<16x2xf32, #tpu.memory_space<vmem>>, vector<16x2xf32>
    %convert_element_type3A_34 = arith.truncf %select_n3A : vector<10000x16xf32> to vector<10000x16xbf16>
    %convert_element_type3A_35 = arith.truncf %get3A_33 : vector<16x2xf32> to vector<16x2xbf16>
    %dot_general3A_36 = arith.constant dense<0.000000e+00> : vector<10000x2xf32>
    %dot_general3A_37 = tpu.matmul %convert_element_type3A_34, %convert_element_type3A_35, %dot_general3A_36 {dimension_numbers = #tpu.dot_dimension_numbers<[1], [0], [0], [1], [0, 0, 1, 1], [], []>, transpose_lhs_hint = false} : vector<10000x16xbf16>, vector<16x2xbf16>, vector<10000x2xf32> -> vector<10000x2xf32>
    %get3A_38 = arith.constant 0 : index
    %get3A_39 = arith.constant 0 : index
    %get3A_40 = vector.load %arg5[%get3A_38, %get3A_39] : memref<1x2xf32, #tpu.memory_space<vmem>>, vector<1x2xf32>
    %add3A_41 = vector.broadcast %get3A_40 : vector<1x2xf32> to vector<10000x2xf32>
    %add3A_42 = arith.addf %dot_general3A_37, %add3A_41 : vector<10000x2xf32>
    %reduce_max3A = arith.constant dense<0xFF800000> : vector<10000xf32>
    %reduce_max3A_43 = vector.multi_reduction <maximumf>, %add3A_42, %reduce_max3A [1] : vector<10000x2xf32> to vector<10000xf32>
    %broadcast_in_dim3A = vector.shape_cast %reduce_max3A_43 : vector<10000xf32> to vector<10000x1xf32>
    %sub3A = vector.broadcast %broadcast_in_dim3A : vector<10000x1xf32> to vector<10000x2xf32>
    %sub3A_44 = arith.subf %add3A_42, %sub3A : vector<10000x2xf32>
    %exp3A = math.exp %sub3A_44 : vector<10000x2xf32>
    %reduce_sum3A = arith.constant dense<0.000000e+00> : vector<10000xf32>
    %reduce_sum3A_45 = vector.multi_reduction <add>, %exp3A, %reduce_sum3A [1] : vector<10000x2xf32> to vector<10000xf32>
    %broadcast_in_dim3A_46 = vector.shape_cast %reduce_sum3A_45 : vector<10000xf32> to vector<10000x1xf32>
    %log3A = math.log %broadcast_in_dim3A_46 : vector<10000x1xf32>
    %sub3A_47 = vector.broadcast %log3A : vector<10000x1xf32> to vector<10000x2xf32>
    %sub3A_48 = arith.subf %sub3A_44, %sub3A_47 : vector<10000x2xf32>
    %swap3A = arith.constant 0 : index
    %swap3A_49 = arith.constant 0 : index
    %swap3A_50 = vector.load %arg6[%swap3A, %swap3A_49] : memref<10000x2xf32, #tpu.memory_space<vmem>>, vector<10000x2xf32>
    tpu.vector_store %arg6[%swap3A, %swap3A_49], %sub3A_48 {strides = array<i32>} : memref<10000x2xf32, #tpu.memory_space<vmem>>, vector<10000x2xf32>,
    return
  }
}

</mosaic_0001>

<sc_bundles>
// kernel: kernel.21.cloned.1.call-start
scs
__scs_entry_jumppad:
0x0: {  	(pc) =	sbr.rel $0x88, $3  }
0x1: {  	(tag) =	ssettag $0x0;
	lr =	simm.s32 $0x1  }
0x2: {  	[smem:$0x3F7E] =	sst lr;
	_ =	strace $0xD0000000  }
0x3: {  	_ = 	snop  }
0x4: {  	_ = 	snop  }
0x5: {  	_ = 	snop  }
0x6: {  	_ = 	snop  }
0x7: {  	_ = 	snop  }
__scs_overlays_trampoline_lowered:
0x8: {  	[smem:$0x3F8D] =	sst s0  }
0x9: {  	[smem:$0x3F8E] =	sst s1  }
0xa: {  	[smem:$0x3F8F] =	sst s2  }
0xb: {  	[smem:$0x3F90] =	sst s3  }
0xc: {  	[smem:$0x3F91] =	sst s4  }
0xd: {  	[smem:$0x3F92] =	sst s5  }
0xe: {  	[smem:$0x3F93] =	sst s6  }
0xf: {  	[smem:$0x3F94] =	sst s7  }
0x10: {  	[smem:$0x3F95] =	sst s8  }
0x11: {  	[smem:$0x3F96] =	sst s9;
	s0 =	simm.s32 @!p0 $0x0  }
0x12: {  	s1 =	sld [smem:$0x3F7C];
	s0 =	simm.s32 @p0 $0x1  }
0x13: {  	[smem:$0x3F97] =	sst s0;
	s0 =	simm.s32 @!p1 $0x0  }
0x14: {  	s2 =	sld [smem:$0x3F7B];
	s0 =	simm.s32 @p1 $0x1  }
0x15: {  	[smem:$0x3F98] =	sst s0;
	s0 =	simm.s32 @!p2 $0x0  }
0x16: {  	s3 =	sld [smem:$0x3FDB];
	s0 =	simm.s32 @p2 $0x1  }
0x17: {  	s4 =	simm.s32 $0x1BF5;
	[smem:$0x3F9A] =	sst s0  }
0x18: {  	s0 =	sld [smem:$0x3F7D];
	_ =	swait.ge [sflag:s4], $0x0  }
0x19: {  	s7 =	sld [smem:$0x3F7E]  }
0x1a: {  	s8 =	sadd.s32 $0xFFFFE003, lr  }
0x1b: {  	s9 =	sadd.s32 $0xFFFFFEF7, lr;
	s5 =	simm.s32 $0xFFFFFFFF;
	p2 =	slt.u32 s8, $0xFFFFF086  }
0x1c: {  	p1 =	slt.u32 s9, $0xF7A;
	s5 =	simm.s32 @!p2 $0x0  }
0x1d: {  	s5 =	simm.s32 @p1 $0x1;
	p0 =	seq.s32 s7, s2  }
0x1e: {  	s7 =	smul.u32 @!p0 $0xF7A, s2;
	p2 =	seq.s32 @!p0 s5, $0x0  }
0x1f: {  	s9 =	smul.u32 $0xF7A, s1;
	s8 =	simm.s32 @!p0 $0x1BF5;
	p2 =	por !p2, p0  }
0x20: {  	[sflag:s8] =	ssyncset.s32 @!p0 $0xFFFFF086;
	s6 =	sadd.s32 @!p0 s3, s7;
	s7 =	simm.s32 @!p0 $0x108  }
0x21: {  	s3 =	sadd.s32 s3, s9;
	s6 =	sadd.s32 @!p0 $0x88, s6;
	s7 =	simm.s32 @p2 $0x1082  }
0x22: {  	[simem:s7], [sflag:s8] =	dma.local @!p0 [hbm:s6], $0xF7A  }
0x23: {  	s9 =	sor.u32 $0xD0000000, s2;
	s6 =	simm.s32 $0x108;
	_ =	swait.ge @!p0 [sflag:s8], $0x0  }
0x24: {  	s3 =	sadd.s32 $0x88, s3;
	s6 =	simm.s32 @!p1 $0x1082;
	[sflag:s4] =	ssyncset.s32 $0xFFFFF086  }
0x25: {  	[simem:s6], [sflag:s4] =	dma.local [hbm:s3], $0xF7A  }
0x26: {  	[smem:$0x3F7E] =	sst s1;
	(tag) =	ssettag s2;
	_ =	strace s9  }
0x27: {  	s1 =	sld [smem:$0x3F8E]  }
0x28: {  	s2 =	sld [smem:$0x3F8F]  }
0x29: {  	s4 =	sld [smem:$0x3F91]  }
0x2a: {  	p0 =	seq.s32 s5, $0x0;
	s5 =	sld [smem:$0x3F92]  }
0x2b: {  	s6 =	sld [smem:$0x3F93]  }
0x2c: {  	s7 =	sld [smem:$0x3F94]  }
0x2d: {  	s3 =	simm.s32 $0x108;
	s8 =	sld [smem:$0x3F95]  }
0x2e: {  	s3 =	simm.s32 @!p0 $0x1082;
	s9 =	sld [smem:$0x3F96]  }
0x2f: {  	lr =	sadd.s32 s0, s3;
	s0 =	sld [smem:$0x3F8D]  }
0x30: {  	s3 =	sld [smem:$0x3F90]  }
0x31: {  	[smem:$0x3F99] =	sst s10  }
0x32: {  	s10 =	sld [smem:$0x3F97];
	_ =	sdelay $0x3  }
0x33: {  	p0 =	seq.s32 s10, $0x1;
	s10 =	sld [smem:$0x3F99];
	_ =	sdelay $0x3  }
0x34: {  	[smem:$0x3F99] =	sst s10  }
0x35: {  	s10 =	sld [smem:$0x3F98];
	_ =	sdelay $0x3  }
0x36: {  	p1 =	seq.s32 s10, $0x1;
	s10 =	sld [smem:$0x3F99];
	_ =	sdelay $0x3  }
0x37: {  	[smem:$0x3F99] =	sst s10  }
0x38: {  	s10 =	sld [smem:$0x3F9A]  }
0x39: {  	_ = 	snop;
	(pc) =	sbr.ind lr, $3  }
0x3a: {  	_ = 	snop  }
0x3b: {  	_ = 	snop  }
0x3c: {  	p2 =	seq.s32 s10, $0x1;
	s10 =	sld [smem:$0x3F99]  }
0x3d: {  	_ =	shalt  }
0x3e: {  	_ =	shalt  }
0x3f: {  	_ =	shalt  }
0x40: {  	_ =	shalt  }
0x41: {  	_ =	shalt  }
0x42: {  	_ =	shalt  }
0x43: {  	_ =	shalt  }
0x44: {  	_ =	shalt  }
0x45: {  	_ =	shalt  }
0x46: {  	_ =	shalt  }
0x47: {  	_ =	shalt  }
0x48: {  	_ =	shalt  }
0x49: {  	_ =	shalt  }
0x4a: {  	_ =	shalt  }
0x4b: {  	_ =	shalt  }
0x4c: {  	_ =	shalt  }
0x4d: {  	_ =	shalt  }
0x4e: {  	_ =	shalt  }
0x4f: {  	_ =	shalt  }
0x50: {  	_ =	shalt  }
0x51: {  	_ =	shalt  }
0x52: {  	_ =	shalt  }
0x53: {  	_ =	shalt  }
0x54: {  	_ =	shalt  }
0x55: {  	_ =	shalt  }
0x56: {  	_ =	shalt  }
0x57: {  	_ =	shalt  }
0x58: {  	_ =	shalt  }
0x59: {  	_ =	shalt  }
0x5a: {  	_ =	shalt  }
0x5b: {  	_ =	shalt  }
0x5c: {  	_ =	shalt  }
0x5d: {  	_ =	shalt  }
0x5e: {  	_ =	shalt  }
0x5f: {  	_ =	shalt  }
0x60: {  	_ =	shalt  }
0x61: {  	_ =	shalt  }
0x62: {  	_ =	shalt  }
0x63: {  	_ =	shalt  }
0x64: {  	_ =	shalt  }
0x65: {  	_ =	shalt  }
0x66: {  	_ =	shalt  }
0x67: {  	_ =	shalt  }
0x68: {  	_ =	shalt  }
0x69: {  	_ =	shalt  }
0x6a: {  	_ =	shalt  }
0x6b: {  	_ =	shalt  }
0x6c: {  	_ =	shalt  }
0x6d: {  	_ =	shalt  }
0x6e: {  	_ =	shalt  }
0x6f: {  	_ =	shalt  }
0x70: {  	_ =	shalt  }
0x71: {  	_ =	shalt  }
0x72: {  	_ =	shalt  }
0x73: {  	_ =	shalt  }
0x74: {  	_ =	shalt  }
0x75: {  	_ =	shalt  }
0x76: {  	_ =	shalt  }
0x77: {  	_ =	shalt  }
0x78: {  	_ =	shalt  }
0x79: {  	_ =	shalt  }
0x7a: {  	_ =	shalt  }
0x7b: {  	_ =	shalt  }
0x7c: {  	_ =	shalt  }
0x7d: {  	_ =	shalt  }
0x7e: {  	_ =	shalt  }
0x7f: {  	_ =	shalt  }
0x80: {  	_ =	shalt  }
0x81: {  	_ =	shalt  }
0x82: {  	_ =	shalt  }
0x83: {  	_ =	shalt  }
0x84: {  	_ =	shalt  }
0x85: {  	_ =	shalt  }
0x86: {  	_ =	shalt  }
0x87: {  	_ =	shalt  }
.Lfunc_end0:
.L_simem_size_0:
called_computation_lowered:
.L_overlay_start_0:
0x88: {  	s2 =	sld [smem:$0x3FD9]  }
0x89: {  	s3 =	sld [smem:$0x3FFE];
	_ =	sdelay $0x1  }
0x8a: {  	s1 =	srdreg.scid  }
0x8b: {  	s0 =	sand.u32 $0x1, s1  }
0x8c: {  	s16 =	sshll.u32 s0, $0xA;
	s2 =	sadd.s32 s3, s2  }
0x8d: {  	s2 =	sadd.s32 s2, s16  }
0x8e: {  	[smem:$0x3FA5] =	sst s2  }
0x8f: {  	_ = 	snop  }
0x90: {  	(tm) =	ssettm $0x1  }
0x91: {  	s17 =	sld [smem:$0x3FFB];
	_ =	sdelay $0x3  }
0x92: {  	_ =	strace s17  }
0x93: {  	s2 =	sld [smem:$0x3FFC];
	_ =	sdelay $0x3  }
0x94: {  	_ =	strace s2  }
0x95: {  	s2 =	sld [smem:$0x3FFD];
	_ =	sdelay $0x3  }
0x96: {  	_ =	strace s2  }
0x97: {  	_ =	strace $0x8FFFFFFF  }
0x98: {  	s18 =	sld [smem:$0x3FDB];
	_ =	sdelay $0x1  }
0x99: {  	s19 =	simm.s32 $_scs_section_size  }
0x9a: {  	s4 =	simm.s32 $_size__tile_overlayer_lowered;
	s5 =	simm.s32 $_tile_overlayer_lowered  }
0x9b: {  	s22 =	simm.s32 $0x1BFF;
	s21 =	sshll.u32 s5, $0x1;
	s2 =	sadd.s32 s19, s18  }
0x9c: {  	s6 =	simm.s32 $0x0;
	s20 =	sshll.u32 s4, $0x1;
	s4 =	sadd.s32 s21, s2  }
0x9d: {  	[timem:s6], [sflag:s22] =	dma.local [hbm:s4], s20  }
0x9e: {  	_ =	swait.ge [sflag:s22], s20  }
0x9f: {  	s3 =	ssub.s32 $0x0, s20;
	[sflag:s22] =	ssyncset.done $0x0  }
0xa0: {  	[sflag:s22] =	ssyncadd.s32 s3;
	_ =	sdelay $0x1  }
0xa1: {  	s23 =	simm.s32 $0x1B8B  }
0xa2: {  	_ =	swait.ge [sflag:s23], $0x1  }
0xa3: {  	[sflag:s23] =	ssyncset.done $0x0  }
0xa4: {  	s25 =	simm.s32 $0x1B8E;
	s24 =	sld [smem:$0x3FFE];
	[sflag:s23] =	ssyncadd.s32 $0xFFFFFFFF  }
0xa5: {  	s26 =	simm.s32 $execute0_lowered;
	[smem:$0x3FD2] =	sst s25  }
0xa6: {  	s4 =	sshll.u32 s26, $0x1;
	_ =	strace $0x80000046;
	[dreg:$0x1] =	wrdreg $0xFFFFFFFF  }
0xa7: {  	s28 =	simm.s32 $_size_execute0_lowered;
	s2 =	sadd.s32 s2, s4;
	[dreg:$0x0] =	wrdreg $0x0  }
0xa8: {  	s4 =	sshll.u32 s28, $0x1;
	[dreg:$0x2] =	wrdreg s2  }
0xa9: {  	[dreg:$0x3] =	wrdreg s4  }
0xaa: {  	[dreg:$0x4] =	wrdreg $0xC0  }
0xab: {  	_ =	task [dreg:s6], $0x5FFFF  }
0xac: {  	[dreg:$0x1] =	wrdreg $0xFFFFFFFF  }
0xad: {  	[dreg:$0x0] =	wrdreg $0x60  }
0xae: {  	[dreg:$0x2] =	wrdreg s24  }
0xaf: {  	[dreg:$0x3] =	wrdreg $0x9  }
0xb0: {  	_ =	task.clear_ibuf [dreg:s6], $0x4FFFF;
	_ =	strace $0x90000046  }
0xb1: {  	s29 =	simm.s32 $0x9;
	_ =	strace $0x80000048  }
0xb2: {  	_ =	swait.ge [sflag:s29], $0x1  }
0xb3: {  	[sflag:s29] =	ssyncadd.s32 $0xFFFFFFFF  }
0xb4: {  	_ =	strace $0x90000048  }
0xb5: {  	_ =	sfence  }
0xb6: {  	s30 =	sld [smem:$0x0];
	_ =	sdelay $0x2  }
0xb7: {  	s31 =	sshll.u32 s1, $0xD;
	s1 =	sshrl.u32 s1, $0x2  }
0xb8: {  	s3 =	sand.u32 $0x4000, s31;
	s1 =	sadd.s32 s1, s30  }
0xb9: {  	s0 =	sor.u32 s3, s0;
	s1 =	sshll.u32 s1, $0x11  }
0xba: {  	s0 =	sor.u32 s1, s0  }
0xbb: {  	s0 =	sadd.s32 $0x8F2B, s0  }
0xbc: {  	[sflag:s0] =	ssyncadd.remote.s32 $0x1  }
0xbd: {  	_ =	sfence.sel $0xFFFF  }
0xbe: {  	[dreg:$0x0] =	wrdreg $0xFFFFFFFF;
	(pc) =	sbr.abs _section_cstart, $3  }
0xbf: {  	[dreg:$0x1] =	wrdreg $0xFFFFFFFF  }
0xc0: {  	_ =	task.clear_ibuf [dreg:s6], $0x2FFFF;
	_ =	strace $0x9FFFFFFF  }
0xc1: {  	(tm) =	ssettm $0x7FFFFFFF  }
tec
execute0_lowered:
.L_overlay_start_1:
0x0: {  	(tag) =	ssettag $0x1  }
0x1: {  	s4 =	rddreg [dreg:$0x0]  }
0x2: {  	s0 =	rddreg [dreg:$0x1]  }
0x3: {  	s3 =	srdreg.scid;
	s1 =	stileid.u32;
	s2 =	simm.s32 $0x0  }
0x4: {  	s10 =	simm.s32 $0x1;
	s11 =	simm.s32 $0x0;
	s6 =	smul.u32 $0x2710, s1  }
0x5: {  	s5 =	sand.u32 $0x1, s3;
	[smem:$0x7FF] =	sst s2;
	s8 =	smul.u32 $0x27100, s1  }
0x6: {  	s3 =	sadd.s32 $0x13800, s4;
	s7 =	smul.u32 $0x1388, s5;
	s9 =	ssub.s32 $0x2, s5  }
0x7: {  	_ =	strace $0x80000047;
	s5 =	smul.u32 $0x13880, s5;
	s31 =	sshrl.u32 s9, $0x1  }
0x8: {  	s30 =	sadd.s32 s8, s4;
	s6 =	sadd.s32 s7, s6;
	s8 =	ssub.s32 s9, s31  }
0x9: {  	s5 =	sadd.s32 s5, s30;
	s7 =	simm.s32 $0x2;
	s6 =	sshrl.u32 s6, $0x3  }
0xa: {  	s9 =	simm.s32 $0x100;
	s5 =	sadd.s32 $0x3AA00, s5;
	s6 =	sadd.s32 s6, s4  }
0xb: {  	s4 =	smax.u32 s8, $0x1;
	s8 =	simm.s32 $0xC8;
	s6 =	sadd.s32 $0xE800, s6  }
.LBB2_1:
0xc: {  	s12 =	sadd.s32 $0x0, s6  }
0xd: {  	[tilespmem:s2], [sflag:$0x2] =	stream.linear.gather [hbm4b:s12+s2], $0xC8, $0x38;
	[tilespmem:$0x6500] =	vst v63  }
0xe: {  	_ =	swait.ge [sflag:s7], $0xC8  }
0xf: {  	[sflag:s7] =	ssyncset.done $0x0  }
0x10: {  	[sflag:s7] =	ssyncadd.s32 $0xFFFFFF38  }
0x11: {  	[tilespmem:s9], [sflag:$0x1] =	stream.indirect.gather [hbm4b:s3+s8], $0x80, s2, s8, $0xb8;
	[tilespmem:$0x6500] =	vst v63  }
0x12: {  	_ =	swait.ge [sflag:s10], $0x6400  }
0x13: {  	[sflag:s10] =	ssyncset.done $0x0  }
0x14: {  	[sflag:s10] =	ssyncadd.s32 $0xFFFF9C00  }
0x15: {  	[hbm4b:s5+s2] =	stream.linear.scatter [tilespmem:s9], [sflag:$0x2], $0x6400, $0x38;
	[tilespmem:$0x6500] =	vst v63  }
0x16: {  	s13 =	simm.s32 $0x19;
	_ =	swait.ge [sflag:s7], $0x6400  }
0x17: {  	s14 =	simm.s32 $0x32;
	s12 =	sadd.s32 $0xC80, s5;
	[sflag:s7] =	ssyncset.done $0x0  }
.LBB2_2:
0x18: {  	s15 =	sadd.s32 s13, s6  }
0x19: {  	[sflag:s7] =	ssyncadd.s32 $0xFFFF9C00;
	s13 =	smov.u32 s14;
	s16 =	sadd.s32 $0x19, s14  }
0x1a: {  	[tilespmem:s2], [sflag:$0x2] =	stream.linear.gather [hbm4b:s15+s2], $0xC8, $0x38;
	[tilespmem:$0x6500] =	vst v63  }
0x1b: {  	p0 =	sne.s32 s14, $0x258;
	_ =	swait.ge [sflag:s7], $0xC8  }
0x1c: {  	[sflag:s7] =	ssyncset.done $0x0  }
0x1d: {  	[sflag:s7] =	ssyncadd.s32 $0xFFFFFF38  }
0x1e: {  	[tilespmem:s9], [sflag:$0x1] =	stream.indirect.gather [hbm4b:s3+s8], $0x80, s2, s8, $0xb8;
	[tilespmem:$0x6500] =	vst v63  }
0x1f: {  	_ =	swait.ge [sflag:s10], $0x6400  }
.Ltmp0:
0x20: {  	[sflag:s10] =	ssyncset.done $0x0;
	(pc) =	sbr.rel @p0 .LBB2_2-.Ltmp0, $4  }
0x21: {  	[sflag:s10] =	ssyncadd.s32 $0xFFFF9C00  }
0x22: {  	[hbm4b:s12+s2] =	stream.linear.scatter [tilespmem:s9], [sflag:$0x2], $0x6400, $0x38;
	[tilespmem:$0x6500] =	vst v63  }
0x23: {  	_ =	swait.ge [sflag:s7], $0x6400  }
0x24: {  	s14 =	smov.u32 s16;
	s12 =	sadd.s32 $0xC80, s12;
	[sflag:s7] =	ssyncset.done $0x0  }
0x25: {  	s13 =	sadd.s32 s13, s6;
	[sflag:s7] =	ssyncadd.s32 $0xFFFF9C00  }
0x26: {  	[tilespmem:s2], [sflag:$0x2] =	stream.linear.gather [hbm4b:s13+s2], $0xC8, $0x38;
	[tilespmem:$0x6500] =	vst v63  }
0x27: {  	_ =	swait.ge [sflag:s7], $0xC8  }
0x28: {  	[sflag:s7] =	ssyncset.done $0x0  }
0x29: {  	[sflag:s7] =	ssyncadd.s32 $0xFFFFFF38  }
0x2a: {  	[tilespmem:s9], [sflag:$0x1] =	stream.indirect.gather [hbm4b:s3+s8], $0x80, s2, s8, $0xb8;
	[tilespmem:$0x6500] =	vst v63  }
0x2b: {  	s11 =	sadd.s32 $0x1, s11;
	_ =	swait.ge [sflag:s10], $0x6400  }
0x2c: {  	p0 =	sne.s32 s11, s4;
	[sflag:s10] =	ssyncset.done $0x0  }
.Ltmp1:
0x2d: {  	[sflag:s10] =	ssyncadd.s32 $0xFFFF9C00;
	(pc) =	sbr.rel @p0 .LBB2_1-.Ltmp1, $4  }
0x2e: {  	[hbm4b:s12+s2] =	stream.linear.scatter [tilespmem:s9], [sflag:$0x2], $0x6400, $0x38;
	[tilespmem:$0x6500] =	vst v63  }
0x2f: {  	_ =	swait.ge [sflag:s7], $0x6400  }
0x30: {  	[sflag:s7] =	ssyncset.done $0x0  }
0x31: {  	[sflag:s7] =	ssyncadd.s32 $0xFFFF9C00  }
0x32: {  	_ =	sfence.sel $0x180000  }
0x33: {  	[bflag:$0x0] =	sbarrier.arrive $0xFFFF  }
0x34: {  	p0 =	sne.s32 s1, $0x0;
	_ =	strace $0x90000047  }
0x35: {  	s0 =	sadd.s32 @!p0 $0x100000, s0;
	[bflag:$0x2] =	sbarrier.arrive $0xFFFF  }
0x36: {  	[sflag:s0] =	ssyncadd.tile.s32 @!p0 $0x1;
	_ =	shalt  }
.Lfunc_end2:
_tile_overlayer_lowered:
.L_overlay_start_2:
0x37: {  	(tag) =	ssettag $0x2  }
0x38: {  	s0 =	rddreg [dreg:$0x0];
	s2 =	stileid.u32  }
0x39: {  	s1 =	rddreg [dreg:$0x1];
	p0 =	sne.s32 s2, $0x0  }
0x3a: {  	s3 =	rddreg [dreg:$0x2];
	[bflag:$0x3] =	sbarrier.arrive $0xFFFF;
	s2 =	simm.s32 @!p0 $0x1C02  }
0x3b: {  	[timem:s3], [sflag:s2] =	dma.local @!p0 [hbm:s0], s1  }
0x3c: {  	s0 =	simm.s32 @!p0 $0x2  }
0x3d: {  	_ =	swait.ge @!p0 [sflag:s0], s1  }
0x3e: {  	s1 =	ssub.s32 @!p0 $0x0, s1;
	[sflag:s0] =	ssyncset.done @!p0 $0x0  }
0x3f: {  	[sflag:s0] =	ssyncadd.s32 @!p0 s1  }
0x40: {  	[bflag:$0x3] =	sbarrier.arrive $0xFFFF  }
0x41: {  	_ =	shalt  }

// kernel: kernel.24.cloned.1.call-start
scs
__scs_entry_jumppad:
0x0: {  	(pc) =	sbr.rel $0x88, $3  }
0x1: {  	(tag) =	ssettag $0x0;
	lr =	simm.s32 $0x1  }
0x2: {  	[smem:$0x3F7E] =	sst lr;
	_ =	strace $0xD0000000  }
0x3: {  	_ = 	snop  }
0x4: {  	_ = 	snop  }
0x5: {  	_ = 	snop  }
0x6: {  	_ = 	snop  }
0x7: {  	_ = 	snop  }
__scs_overlays_trampoline_lowered:
0x8: {  	[smem:$0x3F8D] =	sst s0  }
0x9: {  	[smem:$0x3F8E] =	sst s1  }
0xa: {  	[smem:$0x3F8F] =	sst s2  }
0xb: {  	[smem:$0x3F90] =	sst s3  }
0xc: {  	[smem:$0x3F91] =	sst s4  }
0xd: {  	[smem:$0x3F92] =	sst s5  }
0xe: {  	[smem:$0x3F93] =	sst s6  }
0xf: {  	[smem:$0x3F94] =	sst s7  }
0x10: {  	[smem:$0x3F95] =	sst s8  }
0x11: {  	[smem:$0x3F96] =	sst s9;
	s0 =	simm.s32 @!p0 $0x0  }
0x12: {  	s1 =	sld [smem:$0x3F7C];
	s0 =	simm.s32 @p0 $0x1  }
0x13: {  	[smem:$0x3F97] =	sst s0;
	s0 =	simm.s32 @!p1 $0x0  }
0x14: {  	s2 =	sld [smem:$0x3F7B];
	s0 =	simm.s32 @p1 $0x1  }
0x15: {  	[smem:$0x3F98] =	sst s0;
	s0 =	simm.s32 @!p2 $0x0  }
0x16: {  	s3 =	sld [smem:$0x3FDB];
	s0 =	simm.s32 @p2 $0x1  }
0x17: {  	s4 =	simm.s32 $0x1BF5;
	[smem:$0x3F9A] =	sst s0  }
0x18: {  	s0 =	sld [smem:$0x3F7D];
	_ =	swait.ge [sflag:s4], $0x0  }
0x19: {  	s7 =	sld [smem:$0x3F7E]  }
0x1a: {  	s8 =	sadd.s32 $0xFFFFE003, lr  }
0x1b: {  	s9 =	sadd.s32 $0xFFFFFEF7, lr;
	s5 =	simm.s32 $0xFFFFFFFF;
	p2 =	slt.u32 s8, $0xFFFFF086  }
0x1c: {  	p1 =	slt.u32 s9, $0xF7A;
	s5 =	simm.s32 @!p2 $0x0  }
0x1d: {  	s5 =	simm.s32 @p1 $0x1;
	p0 =	seq.s32 s7, s2  }
0x1e: {  	s7 =	smul.u32 @!p0 $0xF7A, s2;
	p2 =	seq.s32 @!p0 s5, $0x0  }
0x1f: {  	s9 =	smul.u32 $0xF7A, s1;
	s8 =	simm.s32 @!p0 $0x1BF5;
	p2 =	por !p2, p0  }
0x20: {  	[sflag:s8] =	ssyncset.s32 @!p0 $0xFFFFF086;
	s6 =	sadd.s32 @!p0 s3, s7;
	s7 =	simm.s32 @!p0 $0x108  }
0x21: {  	s3 =	sadd.s32 s3, s9;
	s6 =	sadd.s32 @!p0 $0x88, s6;
	s7 =	simm.s32 @p2 $0x1082  }
0x22: {  	[simem:s7], [sflag:s8] =	dma.local @!p0 [hbm:s6], $0xF7A  }
0x23: {  	s9 =	sor.u32 $0xD0000000, s2;
	s6 =	simm.s32 $0x108;
	_ =	swait.ge @!p0 [sflag:s8], $0x0  }
0x24: {  	s3 =	sadd.s32 $0x88, s3;
	s6 =	simm.s32 @!p1 $0x1082;
	[sflag:s4] =	ssyncset.s32 $0xFFFFF086  }
0x25: {  	[simem:s6], [sflag:s4] =	dma.local [hbm:s3], $0xF7A  }
0x26: {  	[smem:$0x3F7E] =	sst s1;
	(tag) =	ssettag s2;
	_ =	strace s9  }
0x27: {  	s1 =	sld [smem:$0x3F8E]  }
0x28: {  	s2 =	sld [smem:$0x3F8F]  }
0x29: {  	s4 =	sld [smem:$0x3F91]  }
0x2a: {  	p0 =	seq.s32 s5, $0x0;
	s5 =	sld [smem:$0x3F92]  }
0x2b: {  	s6 =	sld [smem:$0x3F93]  }
0x2c: {  	s7 =	sld [smem:$0x3F94]  }
0x2d: {  	s3 =	simm.s32 $0x108;
	s8 =	sld [smem:$0x3F95]  }
0x2e: {  	s3 =	simm.s32 @!p0 $0x1082;
	s9 =	sld [smem:$0x3F96]  }
0x2f: {  	lr =	sadd.s32 s0, s3;
	s0 =	sld [smem:$0x3F8D]  }
0x30: {  	s3 =	sld [smem:$0x3F90]  }
0x31: {  	[smem:$0x3F99] =	sst s10  }
0x32: {  	s10 =	sld [smem:$0x3F97];
	_ =	sdelay $0x3  }
0x33: {  	p0 =	seq.s32 s10, $0x1;
	s10 =	sld [smem:$0x3F99];
	_ =	sdelay $0x3  }
0x34: {  	[smem:$0x3F99] =	sst s10  }
0x35: {  	s10 =	sld [smem:$0x3F98];
	_ =	sdelay $0x3  }
0x36: {  	p1 =	seq.s32 s10, $0x1;
	s10 =	sld [smem:$0x3F99];
	_ =	sdelay $0x3  }
0x37: {  	[smem:$0x3F99] =	sst s10  }
0x38: {  	s10 =	sld [smem:$0x3F9A]  }
0x39: {  	_ = 	snop;
	(pc) =	sbr.ind lr, $3  }
0x3a: {  	_ = 	snop  }
0x3b: {  	_ = 	snop  }
0x3c: {  	p2 =	seq.s32 s10, $0x1;
	s10 =	sld [smem:$0x3F99]  }
0x3d: {  	_ =	shalt  }
0x3e: {  	_ =	shalt  }
0x3f: {  	_ =	shalt  }
0x40: {  	_ =	shalt  }
0x41: {  	_ =	shalt  }
0x42: {  	_ =	shalt  }
0x43: {  	_ =	shalt  }
0x44: {  	_ =	shalt  }
0x45: {  	_ =	shalt  }
0x46: {  	_ =	shalt  }
0x47: {  	_ =	shalt  }
0x48: {  	_ =	shalt  }
0x49: {  	_ =	shalt  }
0x4a: {  	_ =	shalt  }
0x4b: {  	_ =	shalt  }
0x4c: {  	_ =	shalt  }
0x4d: {  	_ =	shalt  }
0x4e: {  	_ =	shalt  }
0x4f: {  	_ =	shalt  }
0x50: {  	_ =	shalt  }
0x51: {  	_ =	shalt  }
0x52: {  	_ =	shalt  }
0x53: {  	_ =	shalt  }
0x54: {  	_ =	shalt  }
0x55: {  	_ =	shalt  }
0x56: {  	_ =	shalt  }
0x57: {  	_ =	shalt  }
0x58: {  	_ =	shalt  }
0x59: {  	_ =	shalt  }
0x5a: {  	_ =	shalt  }
0x5b: {  	_ =	shalt  }
0x5c: {  	_ =	shalt  }
0x5d: {  	_ =	shalt  }
0x5e: {  	_ =	shalt  }
0x5f: {  	_ =	shalt  }
0x60: {  	_ =	shalt  }
0x61: {  	_ =	shalt  }
0x62: {  	_ =	shalt  }
0x63: {  	_ =	shalt  }
0x64: {  	_ =	shalt  }
0x65: {  	_ =	shalt  }
0x66: {  	_ =	shalt  }
0x67: {  	_ =	shalt  }
0x68: {  	_ =	shalt  }
0x69: {  	_ =	shalt  }
0x6a: {  	_ =	shalt  }
0x6b: {  	_ =	shalt  }
0x6c: {  	_ =	shalt  }
0x6d: {  	_ =	shalt  }
0x6e: {  	_ =	shalt  }
0x6f: {  	_ =	shalt  }
0x70: {  	_ =	shalt  }
0x71: {  	_ =	shalt  }
0x72: {  	_ =	shalt  }
0x73: {  	_ =	shalt  }
0x74: {  	_ =	shalt  }
0x75: {  	_ =	shalt  }
0x76: {  	_ =	shalt  }
0x77: {  	_ =	shalt  }
0x78: {  	_ =	shalt  }
0x79: {  	_ =	shalt  }
0x7a: {  	_ =	shalt  }
0x7b: {  	_ =	shalt  }
0x7c: {  	_ =	shalt  }
0x7d: {  	_ =	shalt  }
0x7e: {  	_ =	shalt  }
0x7f: {  	_ =	shalt  }
0x80: {  	_ =	shalt  }
0x81: {  	_ =	shalt  }
0x82: {  	_ =	shalt  }
0x83: {  	_ =	shalt  }
0x84: {  	_ =	shalt  }
0x85: {  	_ =	shalt  }
0x86: {  	_ =	shalt  }
0x87: {  	_ =	shalt  }
.Lfunc_end0:
.L_simem_size_0:
called_computation.1_lowered:
.L_overlay_start_0:
0x88: {  	s2 =	sld [smem:$0x3FD9]  }
0x89: {  	s3 =	sld [smem:$0x3FFE];
	_ =	sdelay $0x1  }
0x8a: {  	s1 =	srdreg.scid  }
0x8b: {  	s0 =	sand.u32 $0x1, s1  }
0x8c: {  	s16 =	sshll.u32 s0, $0xA;
	s2 =	sadd.s32 s3, s2  }
0x8d: {  	s2 =	sadd.s32 s2, s16  }
0x8e: {  	[smem:$0x3FA5] =	sst s2  }
0x8f: {  	_ = 	snop  }
0x90: {  	(tm) =	ssettm $0x1  }
0x91: {  	s17 =	sld [smem:$0x3FFB];
	_ =	sdelay $0x3  }
0x92: {  	_ =	strace s17  }
0x93: {  	s2 =	sld [smem:$0x3FFC];
	_ =	sdelay $0x3  }
0x94: {  	_ =	strace s2  }
0x95: {  	s2 =	sld [smem:$0x3FFD];
	_ =	sdelay $0x3  }
0x96: {  	_ =	strace s2  }
0x97: {  	_ =	strace $0x8FFFFFFF  }
0x98: {  	s18 =	sld [smem:$0x3FDB];
	_ =	sdelay $0x1  }
0x99: {  	s19 =	simm.s32 $_scs_section_size  }
0x9a: {  	s4 =	simm.s32 $_size__tile_overlayer_lowered;
	s5 =	simm.s32 $_tile_overlayer_lowered  }
0x9b: {  	s22 =	simm.s32 $0x1BFF;
	s21 =	sshll.u32 s5, $0x1;
	s2 =	sadd.s32 s19, s18  }
0x9c: {  	s6 =	simm.s32 $0x0;
	s20 =	sshll.u32 s4, $0x1;
	s4 =	sadd.s32 s21, s2  }
0x9d: {  	[timem:s6], [sflag:s22] =	dma.local [hbm:s4], s20  }
0x9e: {  	_ =	swait.ge [sflag:s22], s20  }
0x9f: {  	s3 =	ssub.s32 $0x0, s20;
	[sflag:s22] =	ssyncset.done $0x0  }
0xa0: {  	[sflag:s22] =	ssyncadd.s32 s3;
	_ =	sdelay $0x1  }
0xa1: {  	s23 =	simm.s32 $0x1B8B  }
0xa2: {  	_ =	swait.ge [sflag:s23], $0x1  }
0xa3: {  	[sflag:s23] =	ssyncset.done $0x0  }
0xa4: {  	s25 =	simm.s32 $0x1B8E;
	s24 =	sld [smem:$0x3FFE];
	[sflag:s23] =	ssyncadd.s32 $0xFFFFFFFF  }
0xa5: {  	s26 =	simm.s32 $execute0_lowered;
	[smem:$0x3FD2] =	sst s25  }
0xa6: {  	s4 =	sshll.u32 s26, $0x1;
	_ =	strace $0x80000049;
	[dreg:$0x1] =	wrdreg $0xFFFFFFFF  }
0xa7: {  	s28 =	simm.s32 $_size_execute0_lowered;
	s2 =	sadd.s32 s2, s4;
	[dreg:$0x0] =	wrdreg $0x0  }
0xa8: {  	s4 =	sshll.u32 s28, $0x1;
	[dreg:$0x2] =	wrdreg s2  }
0xa9: {  	[dreg:$0x3] =	wrdreg s4  }
0xaa: {  	[dreg:$0x4] =	wrdreg $0xC0  }
0xab: {  	_ =	task [dreg:s6], $0x5FFFF  }
0xac: {  	[dreg:$0x1] =	wrdreg $0xFFFFFFFF  }
0xad: {  	[dreg:$0x0] =	wrdreg $0x60  }
0xae: {  	[dreg:$0x2] =	wrdreg s24  }
0xaf: {  	[dreg:$0x3] =	wrdreg $0x65000  }
0xb0: {  	[dreg:$0x4] =	wrdreg $0x9  }
0xb1: {  	_ =	task.clear_ibuf [dreg:s6], $0x5FFFF;
	_ =	strace $0x90000049  }
0xb2: {  	s29 =	simm.s32 $0x9;
	_ =	strace $0x8000004B  }
0xb3: {  	_ =	swait.ge [sflag:s29], $0x1  }
0xb4: {  	[sflag:s29] =	ssyncadd.s32 $0xFFFFFFFF  }
0xb5: {  	_ =	strace $0x9000004B  }
0xb6: {  	_ =	sfence  }
0xb7: {  	s30 =	sld [smem:$0x0];
	_ =	sdelay $0x2  }
0xb8: {  	s31 =	sshll.u32 s1, $0xD;
	s1 =	sshrl.u32 s1, $0x2  }
0xb9: {  	s3 =	sand.u32 $0x4000, s31;
	s1 =	sadd.s32 s1, s30  }
0xba: {  	s0 =	sor.u32 s3, s0;
	s1 =	sshll.u32 s1, $0x11  }
0xbb: {  	s0 =	sor.u32 s1, s0  }
0xbc: {  	s0 =	sadd.s32 $0x8F2B, s0  }
0xbd: {  	[sflag:s0] =	ssyncadd.remote.s32 $0x1  }
0xbe: {  	_ =	sfence.sel $0xFFFF  }
0xbf: {  	[dreg:$0x0] =	wrdreg $0xFFFFFFFF;
	(pc) =	sbr.abs _section_cstart, $3  }
0xc0: {  	[dreg:$0x1] =	wrdreg $0xFFFFFFFF  }
0xc1: {  	_ =	task.clear_ibuf [dreg:s6], $0x2FFFF;
	_ =	strace $0x9FFFFFFF  }
0xc2: {  	(tm) =	ssettm $0x7FFFFFFF  }
0xc3: {  	_ =	shalt  }
tec
execute0_lowered:
.L_overlay_start_1:
0x0: {  	(tag) =	ssettag $0x1  }
0x1: {  	s0 =	srdreg.scid  }
0x2: {  	s4 =	rddreg [dreg:$0x0];
	s5 =	sand.u32 $0x1, s0  }
0x3: {  	s0 =	stileid.u32;
	s6 =	smul.u32 $0x13880, s5  }
0x4: {  	s2 =	rddreg [dreg:$0x1];
	s7 =	smul.u32 $0x1388, s0  }
0x5: {  	s1 =	rddreg [dreg:$0x2];
	s3 =	simm.s32 $0x0;
	s8 =	smul.u32 $0x138800, s5  }
0x6: {  	s13 =	simm.s32 $0x1;
	s14 =	simm.s32 $0x2;
	s25 =	smul.u32 $0x2800, s0  }
0x7: {  	s15 =	simm.s32 $0xC8;
	[smem:$0x7FF] =	sst s3;
	s9 =	smul.u32 $0x28000, s5  }
0x8: {  	s16 =	simm.s32 $0x0;
	_ =	strace $0x8000004A;
	s11 =	smul.u32 $0x50000, s0  }
0x9: {  	s5 =	ssub.s32 $0x2, s5;
	s30 =	sshll.u32 s0, $0x6;
	s31 =	smul.u32 $0x13880, s0  }
0xa: {  	s28 =	sshrl.u32 s5, $0x1;
	s6 =	sadd.s32 s7, s6;
	s8 =	sadd.s32 s8, s4  }
0xb: {  	s26 =	sadd.s32 s25, s9;
	s7 =	sadd.s32 s25, s4;
	s9 =	ssub.s32 s5, s28  }
0xc: {  	s29 =	sshrl.u32 s11, $0x2;
	s5 =	sor.u32 $0x1C03, s30;
	s11 =	simm.s32 $0x3  }
0xd: {  	s6 =	sshrl.u32 s6, $0x3;
	s12 =	sadd.s32 s29, s2;
	s8 =	sadd.s32 s31, s8  }
0xe: {  	s10 =	sadd.s32 s6, s4;
	s6 =	sadd.s32 s26, s4;
	s4 =	sadd.s32 $0x3AA00, s7  }
0xf: {  	s7 =	smax.u32 s9, $0x1;
	s8 =	sadd.s32 $0x51CC00, s8;
	s6 =	sadd.s32 $0x62A00, s6  }
0x10: {  	s9 =	sadd.s32 $0x9800, s10;
	s10 =	sshrl.u32 s12, $0x3;
	s12 =	simm.s32 $0x100  }
.LBB2_1:
0x11: {  	[spmem:s10], [sflag:s5] =	dma.local [hbm:s4], $0x2800  }
0x12: {  	_ =	swait.ge [sflag:s11], $0x2800  }
0x13: {  	[sflag:s11] =	ssyncset.done $0x0  }
0x14: {  	[sflag:s11] =	ssyncadd.s32 $0xFFFFD800  }
0x15: {  	s17 =	sadd.s32 $0x0, s9;
	[bflag:$0x0] =	sbarrier.arrive $0xFFFF  }
0x16: {  	[tilespmem:s3], [sflag:$0x1] =	stream.linear.gather [hbm4b:s17+s3], $0xC8, $0x38;
	[tilespmem:$0x1A500] =	vst v63  }
0x17: {  	_ = 	snop  }
0x18: {  	[tilespmem:s12], [sflag:$0x2] =	stream.linear.gather [hbm4b:s8+s3], $0x6400, $0x38;
	[tilespmem:$0x1A500] =	vst v63  }
0x19: {  	_ =	swait.ge [sflag:s13], $0xC8  }
0x1a: {  	[sflag:s13] =	ssyncset.done $0x0  }
0x1b: {  	[sflag:s13] =	ssyncadd.s32 $0xFFFFFF38  }
0x1c: {  	_ =	swait.ge [sflag:s14], $0x6400  }
0x1d: {  	[sflag:s14] =	ssyncset.done $0x0  }
0x1e: {  	[sflag:s14] =	ssyncadd.s32 $0xFFFF9C00  }
0x1f: {  	[spmem:s2] =	stream.indirect.scatter.add.f32 [tilespmem:s12], [sflag:$0x3], $0x80, s3, s15, $0xb8;
	[tilespmem:$0x1A500] =	vst v63  }
0x20: {  	s18 =	simm.s32 $0x19;
	_ =	swait.ge [sflag:s11], $0x6400  }
0x21: {  	s19 =	simm.s32 $0x32;
	s17 =	sadd.s32 $0xC80, s8;
	[sflag:s11] =	ssyncset.done $0x0  }
.LBB2_2:
0x22: {  	s20 =	sadd.s32 s18, s9  }
0x23: {  	[sflag:s11] =	ssyncadd.s32 $0xFFFF9C00;
	s18 =	smov.u32 s19;
	s21 =	sadd.s32 $0x19, s19  }
0x24: {  	[tilespmem:s3], [sflag:$0x1] =	stream.linear.gather [hbm4b:s20+s3], $0xC8, $0x38;
	[tilespmem:$0x1A500] =	vst v63  }
0x25: {  	p0 =	sne.s32 s19, $0x258  }
0x26: {  	[tilespmem:s12], [sflag:$0x2] =	stream.linear.gather [hbm4b:s17+s3], $0x6400, $0x38;
	[tilespmem:$0x1A500] =	vst v63  }
0x27: {  	_ =	swait.ge [sflag:s13], $0xC8  }
0x28: {  	[sflag:s13] =	ssyncset.done $0x0  }
0x29: {  	[sflag:s13] =	ssyncadd.s32 $0xFFFFFF38  }
0x2a: {  	_ =	swait.ge [sflag:s14], $0x6400  }
.Ltmp0:
0x2b: {  	[sflag:s14] =	ssyncset.done $0x0;
	(pc) =	sbr.rel @p0 .LBB2_2-.Ltmp0, $4  }
0x2c: {  	[sflag:s14] =	ssyncadd.s32 $0xFFFF9C00  }
0x2d: {  	[spmem:s2] =	stream.indirect.scatter.add.f32 [tilespmem:s12], [sflag:$0x3], $0x80, s3, s15, $0xb8;
	[tilespmem:$0x1A500] =	vst v63  }
0x2e: {  	_ =	swait.ge [sflag:s11], $0x6400  }
0x2f: {  	s19 =	smov.u32 s21;
	s17 =	sadd.s32 $0xC80, s17;
	[sflag:s11] =	ssyncset.done $0x0  }
0x30: {  	s18 =	sadd.s32 s18, s9;
	[sflag:s11] =	ssyncadd.s32 $0xFFFF9C00  }
0x31: {  	[tilespmem:s3], [sflag:$0x1] =	stream.linear.gather [hbm4b:s18+s3], $0xC8, $0x38;
	[tilespmem:$0x1A500] =	vst v63  }
0x32: {  	_ = 	snop  }
0x33: {  	[tilespmem:s12], [sflag:$0x2] =	stream.linear.gather [hbm4b:s17+s3], $0x6400, $0x38;
	[tilespmem:$0x1A500] =	vst v63  }
0x34: {  	_ =	swait.ge [sflag:s13], $0xC8  }
0x35: {  	[sflag:s13] =	ssyncset.done $0x0  }
0x36: {  	[sflag:s13] =	ssyncadd.s32 $0xFFFFFF38  }
0x37: {  	_ =	swait.ge [sflag:s14], $0x6400  }
0x38: {  	[sflag:s14] =	ssyncset.done $0x0  }
0x39: {  	[sflag:s14] =	ssyncadd.s32 $0xFFFF9C00  }
0x3a: {  	[spmem:s2] =	stream.indirect.scatter.add.f32 [tilespmem:s12], [sflag:$0x3], $0x80, s3, s15, $0xb8;
	[tilespmem:$0x1A500] =	vst v63  }
0x3b: {  	_ =	swait.ge [sflag:s11], $0x6400  }
0x3c: {  	s16 =	sadd.s32 $0x1, s16;
	[sflag:s11] =	ssyncset.done $0x0  }
0x3d: {  	p0 =	sne.s32 s16, s7;
	[sflag:s11] =	ssyncadd.s32 $0xFFFF9C00  }
.Ltmp1:
0x3e: {  	[bflag:$0x0] =	sbarrier.arrive $0xFFFF;
	(pc) =	sbr.rel @p0 .LBB2_1-.Ltmp1, $4  }
0x3f: {  	[hbm:s6], [sflag:s5] =	dma.local [spmem:s10], $0x2800  }
0x40: {  	_ =	swait.ge [sflag:s11], $0x2800  }
0x41: {  	[sflag:s11] =	ssyncset.done $0x0  }
0x42: {  	[sflag:s11] =	ssyncadd.s32 $0xFFFFD800  }
0x43: {  	_ =	sfence.sel $0x180000  }
0x44: {  	[bflag:$0x0] =	sbarrier.arrive $0xFFFF  }
0x45: {  	p0 =	sne.s32 s0, $0x0;
	_ =	strace $0x9000004A  }
0x46: {  	s0 =	sadd.s32 @!p0 $0x100000, s1;
	[bflag:$0x2] =	sbarrier.arrive $0xFFFF  }
0x47: {  	[sflag:s0] =	ssyncadd.tile.s32 @!p0 $0x1;
	_ =	shalt  }
.Lfunc_end2:
_tile_overlayer_lowered:
.L_overlay_start_2:
0x48: {  	(tag) =	ssettag $0x2  }
0x49: {  	s0 =	rddreg [dreg:$0x0];
	s2 =	stileid.u32  }
0x4a: {  	s1 =	rddreg [dreg:$0x1];
	p0 =	sne.s32 s2, $0x0  }
0x4b: {  	s3 =	rddreg [dreg:$0x2];
	[bflag:$0x3] =	sbarrier.arrive $0xFFFF;
	s2 =	simm.s32 @!p0 $0x1C03  }
0x4c: {  	[timem:s3], [sflag:s2] =	dma.local @!p0 [hbm:s0], s1  }
0x4d: {  	s0 =	simm.s32 @!p0 $0x3  }
0x4e: {  	_ =	swait.ge @!p0 [sflag:s0], s1  }
0x4f: {  	s1 =	ssub.s32 @!p0 $0x0, s1;
	[sflag:s0] =	ssyncset.done @!p0 $0x0  }
0x50: {  	[sflag:s0] =	ssyncadd.s32 @!p0 s1  }
0x51: {  	[bflag:$0x3] =	sbarrier.arrive $0xFFFF  }
0x52: {  	_ =	shalt  }

// kernel: kernel.27.cloned.1.call-start
scs
__scs_entry_jumppad:
0x0: {  	(pc) =	sbr.rel $0x88, $3  }
0x1: {  	(tag) =	ssettag $0x0;
	lr =	simm.s32 $0x1  }
0x2: {  	[smem:$0x3F7E] =	sst lr;
	_ =	strace $0xD0000000  }
0x3: {  	_ = 	snop  }
0x4: {  	_ = 	snop  }
0x5: {  	_ = 	snop  }
0x6: {  	_ = 	snop  }
0x7: {  	_ = 	snop  }
__scs_overlays_trampoline_lowered:
0x8: {  	[smem:$0x3F8D] =	sst s0  }
0x9: {  	[smem:$0x3F8E] =	sst s1  }
0xa: {  	[smem:$0x3F8F] =	sst s2  }
0xb: {  	[smem:$0x3F90] =	sst s3  }
0xc: {  	[smem:$0x3F91] =	sst s4  }
0xd: {  	[smem:$0x3F92] =	sst s5  }
0xe: {  	[smem:$0x3F93] =	sst s6  }
0xf: {  	[smem:$0x3F94] =	sst s7  }
0x10: {  	[smem:$0x3F95] =	sst s8  }
0x11: {  	[smem:$0x3F96] =	sst s9;
	s0 =	simm.s32 @!p0 $0x0  }
0x12: {  	s1 =	sld [smem:$0x3F7C];
	s0 =	simm.s32 @p0 $0x1  }
0x13: {  	[smem:$0x3F97] =	sst s0;
	s0 =	simm.s32 @!p1 $0x0  }
0x14: {  	s2 =	sld [smem:$0x3F7B];
	s0 =	simm.s32 @p1 $0x1  }
0x15: {  	[smem:$0x3F98] =	sst s0;
	s0 =	simm.s32 @!p2 $0x0  }
0x16: {  	s3 =	sld [smem:$0x3FDB];
	s0 =	simm.s32 @p2 $0x1  }
0x17: {  	s4 =	simm.s32 $0x1BF5;
	[smem:$0x3F9A] =	sst s0  }
0x18: {  	s0 =	sld [smem:$0x3F7D];
	_ =	swait.ge [sflag:s4], $0x0  }
0x19: {  	s7 =	sld [smem:$0x3F7E]  }
0x1a: {  	s8 =	sadd.s32 $0xFFFFE003, lr  }
0x1b: {  	s9 =	sadd.s32 $0xFFFFFEF7, lr;
	s5 =	simm.s32 $0xFFFFFFFF;
	p2 =	slt.u32 s8, $0xFFFFF086  }
0x1c: {  	p1 =	slt.u32 s9, $0xF7A;
	s5 =	simm.s32 @!p2 $0x0  }
0x1d: {  	s5 =	simm.s32 @p1 $0x1;
	p0 =	seq.s32 s7, s2  }
0x1e: {  	s7 =	smul.u32 @!p0 $0xF7A, s2;
	p2 =	seq.s32 @!p0 s5, $0x0  }
0x1f: {  	s9 =	smul.u32 $0xF7A, s1;
	s8 =	simm.s32 @!p0 $0x1BF5;
	p2 =	por !p2, p0  }
0x20: {  	[sflag:s8] =	ssyncset.s32 @!p0 $0xFFFFF086;
	s6 =	sadd.s32 @!p0 s3, s7;
	s7 =	simm.s32 @!p0 $0x108  }
0x21: {  	s3 =	sadd.s32 s3, s9;
	s6 =	sadd.s32 @!p0 $0x88, s6;
	s7 =	simm.s32 @p2 $0x1082  }
0x22: {  	[simem:s7], [sflag:s8] =	dma.local @!p0 [hbm:s6], $0xF7A  }
0x23: {  	s9 =	sor.u32 $0xD0000000, s2;
	s6 =	simm.s32 $0x108;
	_ =	swait.ge @!p0 [sflag:s8], $0x0  }
0x24: {  	s3 =	sadd.s32 $0x88, s3;
	s6 =	simm.s32 @!p1 $0x1082;
	[sflag:s4] =	ssyncset.s32 $0xFFFFF086  }
0x25: {  	[simem:s6], [sflag:s4] =	dma.local [hbm:s3], $0xF7A  }
0x26: {  	[smem:$0x3F7E] =	sst s1;
	(tag) =	ssettag s2;
	_ =	strace s9  }
0x27: {  	s1 =	sld [smem:$0x3F8E]  }
0x28: {  	s2 =	sld [smem:$0x3F8F]  }
0x29: {  	s4 =	sld [smem:$0x3F91]  }
0x2a: {  	p0 =	seq.s32 s5, $0x0;
	s5 =	sld [smem:$0x3F92]  }
0x2b: {  	s6 =	sld [smem:$0x3F93]  }
0x2c: {  	s7 =	sld [smem:$0x3F94]  }
0x2d: {  	s3 =	simm.s32 $0x108;
	s8 =	sld [smem:$0x3F95]  }
0x2e: {  	s3 =	simm.s32 @!p0 $0x1082;
	s9 =	sld [smem:$0x3F96]  }
0x2f: {  	lr =	sadd.s32 s0, s3;
	s0 =	sld [smem:$0x3F8D]  }
0x30: {  	s3 =	sld [smem:$0x3F90]  }
0x31: {  	[smem:$0x3F99] =	sst s10  }
0x32: {  	s10 =	sld [smem:$0x3F97];
	_ =	sdelay $0x3  }
0x33: {  	p0 =	seq.s32 s10, $0x1;
	s10 =	sld [smem:$0x3F99];
	_ =	sdelay $0x3  }
0x34: {  	[smem:$0x3F99] =	sst s10  }
0x35: {  	s10 =	sld [smem:$0x3F98];
	_ =	sdelay $0x3  }
0x36: {  	p1 =	seq.s32 s10, $0x1;
	s10 =	sld [smem:$0x3F99];
	_ =	sdelay $0x3  }
0x37: {  	[smem:$0x3F99] =	sst s10  }
0x38: {  	s10 =	sld [smem:$0x3F9A]  }
0x39: {  	_ = 	snop;
	(pc) =	sbr.ind lr, $3  }
0x3a: {  	_ = 	snop  }
0x3b: {  	_ = 	snop  }
0x3c: {  	p2 =	seq.s32 s10, $0x1;
	s10 =	sld [smem:$0x3F99]  }
0x3d: {  	_ =	shalt  }
0x3e: {  	_ =	shalt  }
0x3f: {  	_ =	shalt  }
0x40: {  	_ =	shalt  }
0x41: {  	_ =	shalt  }
0x42: {  	_ =	shalt  }
0x43: {  	_ =	shalt  }
0x44: {  	_ =	shalt  }
0x45: {  	_ =	shalt  }
0x46: {  	_ =	shalt  }
0x47: {  	_ =	shalt  }
0x48: {  	_ =	shalt  }
0x49: {  	_ =	shalt  }
0x4a: {  	_ =	shalt  }
0x4b: {  	_ =	shalt  }
0x4c: {  	_ =	shalt  }
0x4d: {  	_ =	shalt  }
0x4e: {  	_ =	shalt  }
0x4f: {  	_ =	shalt  }
0x50: {  	_ =	shalt  }
0x51: {  	_ =	shalt  }
0x52: {  	_ =	shalt  }
0x53: {  	_ =	shalt  }
0x54: {  	_ =	shalt  }
0x55: {  	_ =	shalt  }
0x56: {  	_ =	shalt  }
0x57: {  	_ =	shalt  }
0x58: {  	_ =	shalt  }
0x59: {  	_ =	shalt  }
0x5a: {  	_ =	shalt  }
0x5b: {  	_ =	shalt  }
0x5c: {  	_ =	shalt  }
0x5d: {  	_ =	shalt  }
0x5e: {  	_ =	shalt  }
0x5f: {  	_ =	shalt  }
0x60: {  	_ =	shalt  }
0x61: {  	_ =	shalt  }
0x62: {  	_ =	shalt  }
0x63: {  	_ =	shalt  }
0x64: {  	_ =	shalt  }
0x65: {  	_ =	shalt  }
0x66: {  	_ =	shalt  }
0x67: {  	_ =	shalt  }
0x68: {  	_ =	shalt  }
0x69: {  	_ =	shalt  }
0x6a: {  	_ =	shalt  }
0x6b: {  	_ =	shalt  }
0x6c: {  	_ =	shalt  }
0x6d: {  	_ =	shalt  }
0x6e: {  	_ =	shalt  }
0x6f: {  	_ =	shalt  }
0x70: {  	_ =	shalt  }
0x71: {  	_ =	shalt  }
0x72: {  	_ =	shalt  }
0x73: {  	_ =	shalt  }
0x74: {  	_ =	shalt  }
0x75: {  	_ =	shalt  }
0x76: {  	_ =	shalt  }
0x77: {  	_ =	shalt  }
0x78: {  	_ =	shalt  }
0x79: {  	_ =	shalt  }
0x7a: {  	_ =	shalt  }
0x7b: {  	_ =	shalt  }
0x7c: {  	_ =	shalt  }
0x7d: {  	_ =	shalt  }
0x7e: {  	_ =	shalt  }
0x7f: {  	_ =	shalt  }
0x80: {  	_ =	shalt  }
0x81: {  	_ =	shalt  }
0x82: {  	_ =	shalt  }
0x83: {  	_ =	shalt  }
0x84: {  	_ =	shalt  }
0x85: {  	_ =	shalt  }
0x86: {  	_ =	shalt  }
0x87: {  	_ =	shalt  }
.Lfunc_end0:
.L_simem_size_0:
called_computation.2_lowered:
.L_overlay_start_0:
0x88: {  	s2 =	sld [smem:$0x3FD9]  }
0x89: {  	s3 =	sld [smem:$0x3FFE];
	_ =	sdelay $0x1  }
0x8a: {  	s1 =	srdreg.scid  }
0x8b: {  	s0 =	sand.u32 $0x1, s1  }
0x8c: {  	s16 =	sshll.u32 s0, $0xA;
	s2 =	sadd.s32 s3, s2  }
0x8d: {  	s2 =	sadd.s32 s2, s16  }
0x8e: {  	[smem:$0x3FA5] =	sst s2  }
0x8f: {  	_ = 	snop  }
0x90: {  	(tm) =	ssettm $0x1  }
0x91: {  	s17 =	sld [smem:$0x3FFB];
	_ =	sdelay $0x3  }
0x92: {  	_ =	strace s17  }
0x93: {  	s2 =	sld [smem:$0x3FFC];
	_ =	sdelay $0x3  }
0x94: {  	_ =	strace s2  }
0x95: {  	s2 =	sld [smem:$0x3FFD];
	_ =	sdelay $0x3  }
0x96: {  	_ =	strace s2  }
0x97: {  	_ =	strace $0x8FFFFFFF  }
0x98: {  	s18 =	sld [smem:$0x3FDB];
	_ =	sdelay $0x1  }
0x99: {  	s19 =	simm.s32 $_scs_section_size  }
0x9a: {  	s4 =	simm.s32 $_size__tile_overlayer_lowered;
	s5 =	simm.s32 $_tile_overlayer_lowered  }
0x9b: {  	s22 =	simm.s32 $0x1BFF;
	s21 =	sshll.u32 s5, $0x1;
	s2 =	sadd.s32 s19, s18  }
0x9c: {  	s6 =	simm.s32 $0x0;
	s20 =	sshll.u32 s4, $0x1;
	s4 =	sadd.s32 s21, s2  }
0x9d: {  	[timem:s6], [sflag:s22] =	dma.local [hbm:s4], s20  }
0x9e: {  	_ =	swait.ge [sflag:s22], s20  }
0x9f: {  	s3 =	ssub.s32 $0x0, s20;
	[sflag:s22] =	ssyncset.done $0x0  }
0xa0: {  	[sflag:s22] =	ssyncadd.s32 s3;
	_ =	sdelay $0x1  }
0xa1: {  	s23 =	simm.s32 $0x1B8B  }
0xa2: {  	_ =	swait.ge [sflag:s23], $0x1  }
0xa3: {  	[sflag:s23] =	ssyncset.done $0x0  }
0xa4: {  	s25 =	simm.s32 $0x1B8E;
	s24 =	sld [smem:$0x3FFE];
	[sflag:s23] =	ssyncadd.s32 $0xFFFFFFFF  }
0xa5: {  	s26 =	simm.s32 $execute0_lowered;
	[smem:$0x3FD2] =	sst s25  }
0xa6: {  	s4 =	sshll.u32 s26, $0x1;
	_ =	strace $0x8000004C;
	[dreg:$0x1] =	wrdreg $0xFFFFFFFF  }
0xa7: {  	s28 =	simm.s32 $_size_execute0_lowered;
	s2 =	sadd.s32 s2, s4;
	[dreg:$0x0] =	wrdreg $0x0  }
0xa8: {  	s4 =	sshll.u32 s28, $0x1;
	[dreg:$0x2] =	wrdreg s2  }
0xa9: {  	[dreg:$0x3] =	wrdreg s4  }
0xaa: {  	[dreg:$0x4] =	wrdreg $0xC0  }
0xab: {  	_ =	task [dreg:s6], $0x5FFFF  }
0xac: {  	[dreg:$0x1] =	wrdreg $0xFFFFFFFF  }
0xad: {  	[dreg:$0x0] =	wrdreg $0x60  }
0xae: {  	[dreg:$0x2] =	wrdreg s24  }
0xaf: {  	[dreg:$0x3] =	wrdreg $0x9  }
0xb0: {  	_ =	task.clear_ibuf [dreg:s6], $0x4FFFF;
	_ =	strace $0x9000004C  }
0xb1: {  	s29 =	simm.s32 $0x9;
	_ =	strace $0x8000004E  }
0xb2: {  	_ =	swait.ge [sflag:s29], $0x1  }
0xb3: {  	[sflag:s29] =	ssyncadd.s32 $0xFFFFFFFF  }
0xb4: {  	_ =	strace $0x9000004E  }
0xb5: {  	_ =	sfence  }
0xb6: {  	s30 =	sld [smem:$0x0];
	_ =	sdelay $0x2  }
0xb7: {  	s31 =	sshll.u32 s1, $0xD;
	s1 =	sshrl.u32 s1, $0x2  }
0xb8: {  	s3 =	sand.u32 $0x4000, s31;
	s1 =	sadd.s32 s1, s30  }
0xb9: {  	s0 =	sor.u32 s3, s0;
	s1 =	sshll.u32 s1, $0x11  }
0xba: {  	s0 =	sor.u32 s1, s0  }
0xbb: {  	s0 =	sadd.s32 $0x8F2B, s0  }
0xbc: {  	[sflag:s0] =	ssyncadd.remote.s32 $0x1  }
0xbd: {  	_ =	sfence.sel $0xFFFF  }
0xbe: {  	[dreg:$0x0] =	wrdreg $0xFFFFFFFF;
	(pc) =	sbr.abs _section_cstart, $3  }
0xbf: {  	[dreg:$0x1] =	wrdreg $0xFFFFFFFF  }
0xc0: {  	_ =	task.clear_ibuf [dreg:s6], $0x2FFFF;
	_ =	strace $0x9FFFFFFF  }
0xc1: {  	(tm) =	ssettm $0x7FFFFFFF  }
tec
execute0_lowered:
.L_overlay_start_1:
0x0: {  	(tag) =	ssettag $0x1  }
0x1: {  	s4 =	rddreg [dreg:$0x0]  }
0x2: {  	s0 =	rddreg [dreg:$0x1]  }
0x3: {  	s3 =	srdreg.scid;
	s1 =	stileid.u32;
	s2 =	simm.s32 $0x0  }
0x4: {  	s10 =	simm.s32 $0x1;
	s11 =	simm.s32 $0x0;
	s6 =	smul.u32 $0x2710, s1  }
0x5: {  	s5 =	sand.u32 $0x1, s3;
	[smem:$0x7FF] =	sst s2;
	s8 =	smul.u32 $0x27100, s1  }
0x6: {  	s3 =	sadd.s32 $0x13800, s4;
	s7 =	smul.u32 $0x1388, s5;
	s9 =	ssub.s32 $0x2, s5  }
0x7: {  	_ =	strace $0x8000004D;
	s5 =	smul.u32 $0x13880, s5;
	s31 =	sshrl.u32 s9, $0x1  }
0x8: {  	s30 =	sadd.s32 s8, s4;
	s6 =	sadd.s32 s7, s6;
	s8 =	ssub.s32 s9, s31  }
0x9: {  	s5 =	sadd.s32 s5, s30;
	s7 =	simm.s32 $0x2;
	s6 =	sshrl.u32 s6, $0x3  }
0xa: {  	s9 =	simm.s32 $0x100;
	s5 =	sadd.s32 $0x51CC00, s5;
	s6 =	sadd.s32 s6, s4  }
0xb: {  	s4 =	smax.u32 s8, $0x1;
	s8 =	simm.s32 $0xC8;
	s6 =	sadd.s32 $0xE800, s6  }
.LBB2_1:
0xc: {  	s12 =	sadd.s32 $0x0, s6  }
0xd: {  	[tilespmem:s2], [sflag:$0x2] =	stream.linear.gather [hbm4b:s12+s2], $0xC8, $0x38;
	[tilespmem:$0x6500] =	vst v63  }
0xe: {  	_ =	swait.ge [sflag:s7], $0xC8  }
0xf: {  	[sflag:s7] =	ssyncset.done $0x0  }
0x10: {  	[sflag:s7] =	ssyncadd.s32 $0xFFFFFF38  }
0x11: {  	[tilespmem:s9], [sflag:$0x1] =	stream.indirect.gather [hbm4b:s3+s8], $0x80, s2, s8, $0xb8;
	[tilespmem:$0x6500] =	vst v63  }
0x12: {  	_ =	swait.ge [sflag:s10], $0x6400  }
0x13: {  	[sflag:s10] =	ssyncset.done $0x0  }
0x14: {  	[sflag:s10] =	ssyncadd.s32 $0xFFFF9C00  }
0x15: {  	[hbm4b:s5+s2] =	stream.linear.scatter [tilespmem:s9], [sflag:$0x2], $0x6400, $0x38;
	[tilespmem:$0x6500] =	vst v63  }
0x16: {  	s13 =	simm.s32 $0x19;
	_ =	swait.ge [sflag:s7], $0x6400  }
0x17: {  	s14 =	simm.s32 $0x32;
	s12 =	sadd.s32 $0xC80, s5;
	[sflag:s7] =	ssyncset.done $0x0  }
.LBB2_2:
0x18: {  	s15 =	sadd.s32 s13, s6  }
0x19: {  	[sflag:s7] =	ssyncadd.s32 $0xFFFF9C00;
	s13 =	smov.u32 s14;
	s16 =	sadd.s32 $0x19, s14  }
0x1a: {  	[tilespmem:s2], [sflag:$0x2] =	stream.linear.gather [hbm4b:s15+s2], $0xC8, $0x38;
	[tilespmem:$0x6500] =	vst v63  }
0x1b: {  	p0 =	sne.s32 s14, $0x258;
	_ =	swait.ge [sflag:s7], $0xC8  }
0x1c: {  	[sflag:s7] =	ssyncset.done $0x0  }
0x1d: {  	[sflag:s7] =	ssyncadd.s32 $0xFFFFFF38  }
0x1e: {  	[tilespmem:s9], [sflag:$0x1] =	stream.indirect.gather [hbm4b:s3+s8], $0x80, s2, s8, $0xb8;
	[tilespmem:$0x6500] =	vst v63  }
0x1f: {  	_ =	swait.ge [sflag:s10], $0x6400  }
.Ltmp0:
0x20: {  	[sflag:s10] =	ssyncset.done $0x0;
	(pc) =	sbr.rel @p0 .LBB2_2-.Ltmp0, $4  }
0x21: {  	[sflag:s10] =	ssyncadd.s32 $0xFFFF9C00  }
0x22: {  	[hbm4b:s12+s2] =	stream.linear.scatter [tilespmem:s9], [sflag:$0x2], $0x6400, $0x38;
	[tilespmem:$0x6500] =	vst v63  }
0x23: {  	_ =	swait.ge [sflag:s7], $0x6400  }
0x24: {  	s14 =	smov.u32 s16;
	s12 =	sadd.s32 $0xC80, s12;
	[sflag:s7] =	ssyncset.done $0x0  }
0x25: {  	s13 =	sadd.s32 s13, s6;
	[sflag:s7] =	ssyncadd.s32 $0xFFFF9C00  }
0x26: {  	[tilespmem:s2], [sflag:$0x2] =	stream.linear.gather [hbm4b:s13+s2], $0xC8, $0x38;
	[tilespmem:$0x6500] =	vst v63  }
0x27: {  	_ =	swait.ge [sflag:s7], $0xC8  }
0x28: {  	[sflag:s7] =	ssyncset.done $0x0  }
0x29: {  	[sflag:s7] =	ssyncadd.s32 $0xFFFFFF38  }
0x2a: {  	[tilespmem:s9], [sflag:$0x1] =	stream.indirect.gather [hbm4b:s3+s8], $0x80, s2, s8, $0xb8;
	[tilespmem:$0x6500] =	vst v63  }
0x2b: {  	s11 =	sadd.s32 $0x1, s11;
	_ =	swait.ge [sflag:s10], $0x6400  }
0x2c: {  	p0 =	sne.s32 s11, s4;
	[sflag:s10] =	ssyncset.done $0x0  }
.Ltmp1:
0x2d: {  	[sflag:s10] =	ssyncadd.s32 $0xFFFF9C00;
	(pc) =	sbr.rel @p0 .LBB2_1-.Ltmp1, $4  }
0x2e: {  	[hbm4b:s12+s2] =	stream.linear.scatter [tilespmem:s9], [sflag:$0x2], $0x6400, $0x38;
	[tilespmem:$0x6500] =	vst v63  }
0x2f: {  	_ =	swait.ge [sflag:s7], $0x6400  }
0x30: {  	[sflag:s7] =	ssyncset.done $0x0  }
0x31: {  	[sflag:s7] =	ssyncadd.s32 $0xFFFF9C00  }
0x32: {  	_ =	sfence.sel $0x180000  }
0x33: {  	[bflag:$0x0] =	sbarrier.arrive $0xFFFF  }
0x34: {  	p0 =	sne.s32 s1, $0x0;
	_ =	strace $0x9000004D  }
0x35: {  	s0 =	sadd.s32 @!p0 $0x100000, s0;
	[bflag:$0x2] =	sbarrier.arrive $0xFFFF  }
0x36: {  	[sflag:s0] =	ssyncadd.tile.s32 @!p0 $0x1;
	_ =	shalt  }
.Lfunc_end2:
_tile_overlayer_lowered:
.L_overlay_start_2:
0x37: {  	(tag) =	ssettag $0x2  }
0x38: {  	s0 =	rddreg [dreg:$0x0];
	s2 =	stileid.u32  }
0x39: {  	s1 =	rddreg [dreg:$0x1];
	p0 =	sne.s32 s2, $0x0  }
0x3a: {  	s3 =	rddreg [dreg:$0x2];
	[bflag:$0x3] =	sbarrier.arrive $0xFFFF;
	s2 =	simm.s32 @!p0 $0x1C02  }
0x3b: {  	[timem:s3], [sflag:s2] =	dma.local @!p0 [hbm:s0], s1  }
0x3c: {  	s0 =	simm.s32 @!p0 $0x2  }
0x3d: {  	_ =	swait.ge @!p0 [sflag:s0], s1  }
0x3e: {  	s1 =	ssub.s32 @!p0 $0x0, s1;
	[sflag:s0] =	ssyncset.done @!p0 $0x0  }
0x3f: {  	[sflag:s0] =	ssyncadd.s32 @!p0 s1  }
0x40: {  	[bflag:$0x3] =	sbarrier.arrive $0xFFFF  }
0x41: {  	_ =	shalt  }

// kernel: kernel.30.cloned.1.call-start
scs
__scs_entry_jumppad:
0x0: {  	(pc) =	sbr.rel $0x88, $3  }
0x1: {  	(tag) =	ssettag $0x0;
	lr =	simm.s32 $0x1  }
0x2: {  	[smem:$0x3F7E] =	sst lr;
	_ =	strace $0xD0000000  }
0x3: {  	_ = 	snop  }
0x4: {  	_ = 	snop  }
0x5: {  	_ = 	snop  }
0x6: {  	_ = 	snop  }
0x7: {  	_ = 	snop  }
__scs_overlays_trampoline_lowered:
0x8: {  	[smem:$0x3F8D] =	sst s0  }
0x9: {  	[smem:$0x3F8E] =	sst s1  }
0xa: {  	[smem:$0x3F8F] =	sst s2  }
0xb: {  	[smem:$0x3F90] =	sst s3  }
0xc: {  	[smem:$0x3F91] =	sst s4  }
0xd: {  	[smem:$0x3F92] =	sst s5  }
0xe: {  	[smem:$0x3F93] =	sst s6  }
0xf: {  	[smem:$0x3F94] =	sst s7  }
0x10: {  	[smem:$0x3F95] =	sst s8  }
0x11: {  	[smem:$0x3F96] =	sst s9;
	s0 =	simm.s32 @!p0 $0x0  }
0x12: {  	s1 =	sld [smem:$0x3F7C];
	s0 =	simm.s32 @p0 $0x1  }
0x13: {  	[smem:$0x3F97] =	sst s0;
	s0 =	simm.s32 @!p1 $0x0  }
0x14: {  	s2 =	sld [smem:$0x3F7B];
	s0 =	simm.s32 @p1 $0x1  }
0x15: {  	[smem:$0x3F98] =	sst s0;
	s0 =	simm.s32 @!p2 $0x0  }
0x16: {  	s3 =	sld [smem:$0x3FDB];
	s0 =	simm.s32 @p2 $0x1  }
0x17: {  	s4 =	simm.s32 $0x1BF5;
	[smem:$0x3F9A] =	sst s0  }
0x18: {  	s0 =	sld [smem:$0x3F7D];
	_ =	swait.ge [sflag:s4], $0x0  }
0x19: {  	s7 =	sld [smem:$0x3F7E]  }
0x1a: {  	s8 =	sadd.s32 $0xFFFFE003, lr  }
0x1b: {  	s9 =	sadd.s32 $0xFFFFFEF7, lr;
	s5 =	simm.s32 $0xFFFFFFFF;
	p2 =	slt.u32 s8, $0xFFFFF086  }
0x1c: {  	p1 =	slt.u32 s9, $0xF7A;
	s5 =	simm.s32 @!p2 $0x0  }
0x1d: {  	s5 =	simm.s32 @p1 $0x1;
	p0 =	seq.s32 s7, s2  }
0x1e: {  	s7 =	smul.u32 @!p0 $0xF7A, s2;
	p2 =	seq.s32 @!p0 s5, $0x0  }
0x1f: {  	s9 =	smul.u32 $0xF7A, s1;
	s8 =	simm.s32 @!p0 $0x1BF5;
	p2 =	por !p2, p0  }
0x20: {  	[sflag:s8] =	ssyncset.s32 @!p0 $0xFFFFF086;
	s6 =	sadd.s32 @!p0 s3, s7;
	s7 =	simm.s32 @!p0 $0x108  }
0x21: {  	s3 =	sadd.s32 s3, s9;
	s6 =	sadd.s32 @!p0 $0x88, s6;
	s7 =	simm.s32 @p2 $0x1082  }
0x22: {  	[simem:s7], [sflag:s8] =	dma.local @!p0 [hbm:s6], $0xF7A  }
0x23: {  	s9 =	sor.u32 $0xD0000000, s2;
	s6 =	simm.s32 $0x108;
	_ =	swait.ge @!p0 [sflag:s8], $0x0  }
0x24: {  	s3 =	sadd.s32 $0x88, s3;
	s6 =	simm.s32 @!p1 $0x1082;
	[sflag:s4] =	ssyncset.s32 $0xFFFFF086  }
0x25: {  	[simem:s6], [sflag:s4] =	dma.local [hbm:s3], $0xF7A  }
0x26: {  	[smem:$0x3F7E] =	sst s1;
	(tag) =	ssettag s2;
	_ =	strace s9  }
0x27: {  	s1 =	sld [smem:$0x3F8E]  }
0x28: {  	s2 =	sld [smem:$0x3F8F]  }
0x29: {  	s4 =	sld [smem:$0x3F91]  }
0x2a: {  	p0 =	seq.s32 s5, $0x0;
	s5 =	sld [smem:$0x3F92]  }
0x2b: {  	s6 =	sld [smem:$0x3F93]  }
0x2c: {  	s7 =	sld [smem:$0x3F94]  }
0x2d: {  	s3 =	simm.s32 $0x108;
	s8 =	sld [smem:$0x3F95]  }
0x2e: {  	s3 =	simm.s32 @!p0 $0x1082;
	s9 =	sld [smem:$0x3F96]  }
0x2f: {  	lr =	sadd.s32 s0, s3;
	s0 =	sld [smem:$0x3F8D]  }
0x30: {  	s3 =	sld [smem:$0x3F90]  }
0x31: {  	[smem:$0x3F99] =	sst s10  }
0x32: {  	s10 =	sld [smem:$0x3F97];
	_ =	sdelay $0x3  }
0x33: {  	p0 =	seq.s32 s10, $0x1;
	s10 =	sld [smem:$0x3F99];
	_ =	sdelay $0x3  }
0x34: {  	[smem:$0x3F99] =	sst s10  }
0x35: {  	s10 =	sld [smem:$0x3F98];
	_ =	sdelay $0x3  }
0x36: {  	p1 =	seq.s32 s10, $0x1;
	s10 =	sld [smem:$0x3F99];
	_ =	sdelay $0x3  }
0x37: {  	[smem:$0x3F99] =	sst s10  }
0x38: {  	s10 =	sld [smem:$0x3F9A]  }
0x39: {  	_ = 	snop;
	(pc) =	sbr.ind lr, $3  }
0x3a: {  	_ = 	snop  }
0x3b: {  	_ = 	snop  }
0x3c: {  	p2 =	seq.s32 s10, $0x1;
	s10 =	sld [smem:$0x3F99]  }
0x3d: {  	_ =	shalt  }
0x3e: {  	_ =	shalt  }
0x3f: {  	_ =	shalt  }
0x40: {  	_ =	shalt  }
0x41: {  	_ =	shalt  }
0x42: {  	_ =	shalt  }
0x43: {  	_ =	shalt  }
0x44: {  	_ =	shalt  }
0x45: {  	_ =	shalt  }
0x46: {  	_ =	shalt  }
0x47: {  	_ =	shalt  }
0x48: {  	_ =	shalt  }
0x49: {  	_ =	shalt  }
0x4a: {  	_ =	shalt  }
0x4b: {  	_ =	shalt  }
0x4c: {  	_ =	shalt  }
0x4d: {  	_ =	shalt  }
0x4e: {  	_ =	shalt  }
0x4f: {  	_ =	shalt  }
0x50: {  	_ =	shalt  }
0x51: {  	_ =	shalt  }
0x52: {  	_ =	shalt  }
0x53: {  	_ =	shalt  }
0x54: {  	_ =	shalt  }
0x55: {  	_ =	shalt  }
0x56: {  	_ =	shalt  }
0x57: {  	_ =	shalt  }
0x58: {  	_ =	shalt  }
0x59: {  	_ =	shalt  }
0x5a: {  	_ =	shalt  }
0x5b: {  	_ =	shalt  }
0x5c: {  	_ =	shalt  }
0x5d: {  	_ =	shalt  }
0x5e: {  	_ =	shalt  }
0x5f: {  	_ =	shalt  }
0x60: {  	_ =	shalt  }
0x61: {  	_ =	shalt  }
0x62: {  	_ =	shalt  }
0x63: {  	_ =	shalt  }
0x64: {  	_ =	shalt  }
0x65: {  	_ =	shalt  }
0x66: {  	_ =	shalt  }
0x67: {  	_ =	shalt  }
0x68: {  	_ =	shalt  }
0x69: {  	_ =	shalt  }
0x6a: {  	_ =	shalt  }
0x6b: {  	_ =	shalt  }
0x6c: {  	_ =	shalt  }
0x6d: {  	_ =	shalt  }
0x6e: {  	_ =	shalt  }
0x6f: {  	_ =	shalt  }
0x70: {  	_ =	shalt  }
0x71: {  	_ =	shalt  }
0x72: {  	_ =	shalt  }
0x73: {  	_ =	shalt  }
0x74: {  	_ =	shalt  }
0x75: {  	_ =	shalt  }
0x76: {  	_ =	shalt  }
0x77: {  	_ =	shalt  }
0x78: {  	_ =	shalt  }
0x79: {  	_ =	shalt  }
0x7a: {  	_ =	shalt  }
0x7b: {  	_ =	shalt  }
0x7c: {  	_ =	shalt  }
0x7d: {  	_ =	shalt  }
0x7e: {  	_ =	shalt  }
0x7f: {  	_ =	shalt  }
0x80: {  	_ =	shalt  }
0x81: {  	_ =	shalt  }
0x82: {  	_ =	shalt  }
0x83: {  	_ =	shalt  }
0x84: {  	_ =	shalt  }
0x85: {  	_ =	shalt  }
0x86: {  	_ =	shalt  }
0x87: {  	_ =	shalt  }
.Lfunc_end0:
.L_simem_size_0:
called_computation.3_lowered:
.L_overlay_start_0:
0x88: {  	s2 =	sld [smem:$0x3FD9]  }
0x89: {  	s3 =	sld [smem:$0x3FFE];
	_ =	sdelay $0x1  }
0x8a: {  	s1 =	srdreg.scid  }
0x8b: {  	s0 =	sand.u32 $0x1, s1  }
0x8c: {  	s16 =	sshll.u32 s0, $0xA;
	s2 =	sadd.s32 s3, s2  }
0x8d: {  	s2 =	sadd.s32 s2, s16  }
0x8e: {  	[smem:$0x3FA5] =	sst s2  }
0x8f: {  	_ = 	snop  }
0x90: {  	(tm) =	ssettm $0x1  }
0x91: {  	s17 =	sld [smem:$0x3FFB];
	_ =	sdelay $0x3  }
0x92: {  	_ =	strace s17  }
0x93: {  	s2 =	sld [smem:$0x3FFC];
	_ =	sdelay $0x3  }
0x94: {  	_ =	strace s2  }
0x95: {  	s2 =	sld [smem:$0x3FFD];
	_ =	sdelay $0x3  }
0x96: {  	_ =	strace s2  }
0x97: {  	_ =	strace $0x8FFFFFFF  }
0x98: {  	s18 =	sld [smem:$0x3FDB];
	_ =	sdelay $0x1  }
0x99: {  	s19 =	simm.s32 $_scs_section_size  }
0x9a: {  	s4 =	simm.s32 $_size__tile_overlayer_lowered;
	s5 =	simm.s32 $_tile_overlayer_lowered  }
0x9b: {  	s22 =	simm.s32 $0x1BFF;
	s21 =	sshll.u32 s5, $0x1;
	s2 =	sadd.s32 s19, s18  }
0x9c: {  	s6 =	simm.s32 $0x0;
	s20 =	sshll.u32 s4, $0x1;
	s4 =	sadd.s32 s21, s2  }
0x9d: {  	[timem:s6], [sflag:s22] =	dma.local [hbm:s4], s20  }
0x9e: {  	_ =	swait.ge [sflag:s22], s20  }
0x9f: {  	s3 =	ssub.s32 $0x0, s20;
	[sflag:s22] =	ssyncset.done $0x0  }
0xa0: {  	[sflag:s22] =	ssyncadd.s32 s3;
	_ =	sdelay $0x1  }
0xa1: {  	s23 =	simm.s32 $0x1B8B  }
0xa2: {  	_ =	swait.ge [sflag:s23], $0x1  }
0xa3: {  	[sflag:s23] =	ssyncset.done $0x0  }
0xa4: {  	s25 =	simm.s32 $0x1B8E;
	s24 =	sld [smem:$0x3FFE];
	[sflag:s23] =	ssyncadd.s32 $0xFFFFFFFF  }
0xa5: {  	s26 =	simm.s32 $execute0_lowered;
	[smem:$0x3FD2] =	sst s25  }
0xa6: {  	s4 =	sshll.u32 s26, $0x1;
	_ =	strace $0x8000004F;
	[dreg:$0x1] =	wrdreg $0xFFFFFFFF  }
0xa7: {  	s28 =	simm.s32 $_size_execute0_lowered;
	s2 =	sadd.s32 s2, s4;
	[dreg:$0x0] =	wrdreg $0x0  }
0xa8: {  	s4 =	sshll.u32 s28, $0x1;
	[dreg:$0x2] =	wrdreg s2  }
0xa9: {  	[dreg:$0x3] =	wrdreg s4  }
0xaa: {  	[dreg:$0x4] =	wrdreg $0xC0  }
0xab: {  	_ =	task [dreg:s6], $0x5FFFF  }
0xac: {  	[dreg:$0x1] =	wrdreg $0xFFFFFFFF  }
0xad: {  	[dreg:$0x0] =	wrdreg $0x60  }
0xae: {  	[dreg:$0x2] =	wrdreg s24  }
0xaf: {  	[dreg:$0x3] =	wrdreg $0x65000  }
0xb0: {  	[dreg:$0x4] =	wrdreg $0x9  }
0xb1: {  	_ =	task.clear_ibuf [dreg:s6], $0x5FFFF;
	_ =	strace $0x9000004F  }
0xb2: {  	s29 =	simm.s32 $0x9;
	_ =	strace $0x80000051  }
0xb3: {  	_ =	swait.ge [sflag:s29], $0x1  }
0xb4: {  	[sflag:s29] =	ssyncadd.s32 $0xFFFFFFFF  }
0xb5: {  	_ =	strace $0x90000051  }
0xb6: {  	_ =	sfence  }
0xb7: {  	s30 =	sld [smem:$0x0];
	_ =	sdelay $0x2  }
0xb8: {  	s31 =	sshll.u32 s1, $0xD;
	s1 =	sshrl.u32 s1, $0x2  }
0xb9: {  	s3 =	sand.u32 $0x4000, s31;
	s1 =	sadd.s32 s1, s30  }
0xba: {  	s0 =	sor.u32 s3, s0;
	s1 =	sshll.u32 s1, $0x11  }
0xbb: {  	s0 =	sor.u32 s1, s0  }
0xbc: {  	s0 =	sadd.s32 $0x8F2B, s0  }
0xbd: {  	[sflag:s0] =	ssyncadd.remote.s32 $0x1  }
0xbe: {  	_ =	sfence.sel $0xFFFF  }
0xbf: {  	[dreg:$0x0] =	wrdreg $0xFFFFFFFF;
	(pc) =	sbr.abs _section_cstart, $3  }
0xc0: {  	[dreg:$0x1] =	wrdreg $0xFFFFFFFF  }
0xc1: {  	_ =	task.clear_ibuf [dreg:s6], $0x2FFFF;
	_ =	strace $0x9FFFFFFF  }
0xc2: {  	(tm) =	ssettm $0x7FFFFFFF  }
0xc3: {  	_ =	shalt  }
tec
execute0_lowered:
.L_overlay_start_1:
0x0: {  	(tag) =	ssettag $0x1  }
0x1: {  	s0 =	srdreg.scid  }
0x2: {  	s4 =	rddreg [dreg:$0x0];
	s5 =	sand.u32 $0x1, s0  }
0x3: {  	s0 =	stileid.u32;
	s6 =	smul.u32 $0x13880, s5  }
0x4: {  	s2 =	rddreg [dreg:$0x1];
	s7 =	smul.u32 $0x1388, s0  }
0x5: {  	s1 =	rddreg [dreg:$0x2];
	s3 =	simm.s32 $0x0;
	s8 =	smul.u32 $0x138800, s5  }
0x6: {  	s13 =	simm.s32 $0x1;
	s14 =	simm.s32 $0x2;
	s25 =	smul.u32 $0x2800, s0  }
0x7: {  	s15 =	simm.s32 $0xC8;
	[smem:$0x7FF] =	sst s3;
	s9 =	smul.u32 $0x28000, s5  }
0x8: {  	s16 =	simm.s32 $0x0;
	_ =	strace $0x80000050;
	s11 =	smul.u32 $0x50000, s0  }
0x9: {  	s5 =	ssub.s32 $0x2, s5;
	s30 =	sshll.u32 s0, $0x6;
	s31 =	smul.u32 $0x13880, s0  }
0xa: {  	s28 =	sshrl.u32 s5, $0x1;
	s6 =	sadd.s32 s7, s6;
	s8 =	sadd.s32 s8, s4  }
0xb: {  	s26 =	sadd.s32 s25, s9;
	s7 =	sadd.s32 s25, s4;
	s9 =	ssub.s32 s5, s28  }
0xc: {  	s29 =	sshrl.u32 s11, $0x2;
	s5 =	sor.u32 $0x1C03, s30;
	s11 =	simm.s32 $0x3  }
0xd: {  	s6 =	sshrl.u32 s6, $0x3;
	s12 =	sadd.s32 s29, s2;
	s8 =	sadd.s32 s31, s8  }
0xe: {  	s10 =	sadd.s32 s6, s4;
	s6 =	sadd.s32 s26, s4;
	s4 =	sadd.s32 $0x3AA00, s7  }
0xf: {  	s7 =	smax.u32 s9, $0x1;
	s8 =	sadd.s32 $0x78DC00, s8;
	s6 =	sadd.s32 $0x62A00, s6  }
0x10: {  	s9 =	sadd.s32 $0x9800, s10;
	s10 =	sshrl.u32 s12, $0x3;
	s12 =	simm.s32 $0x100  }
.LBB2_1:
0x11: {  	[spmem:s10], [sflag:s5] =	dma.local [hbm:s4], $0x2800  }
0x12: {  	_ =	swait.ge [sflag:s11], $0x2800  }
0x13: {  	[sflag:s11] =	ssyncset.done $0x0  }
0x14: {  	[sflag:s11] =	ssyncadd.s32 $0xFFFFD800  }
0x15: {  	s17 =	sadd.s32 $0x0, s9;
	[bflag:$0x0] =	sbarrier.arrive $0xFFFF  }
0x16: {  	[tilespmem:s3], [sflag:$0x1] =	stream.linear.gather [hbm4b:s17+s3], $0xC8, $0x38;
	[tilespmem:$0x1A500] =	vst v63  }
0x17: {  	_ = 	snop  }
0x18: {  	[tilespmem:s12], [sflag:$0x2] =	stream.linear.gather [hbm4b:s8+s3], $0x6400, $0x38;
	[tilespmem:$0x1A500] =	vst v63  }
0x19: {  	_ =	swait.ge [sflag:s13], $0xC8  }
0x1a: {  	[sflag:s13] =	ssyncset.done $0x0  }
0x1b: {  	[sflag:s13] =	ssyncadd.s32 $0xFFFFFF38  }
0x1c: {  	_ =	swait.ge [sflag:s14], $0x6400  }
0x1d: {  	[sflag:s14] =	ssyncset.done $0x0  }
0x1e: {  	[sflag:s14] =	ssyncadd.s32 $0xFFFF9C00  }
0x1f: {  	[spmem:s2] =	stream.indirect.scatter.add.f32 [tilespmem:s12], [sflag:$0x3], $0x80, s3, s15, $0xb8;
	[tilespmem:$0x1A500] =	vst v63  }
0x20: {  	s18 =	simm.s32 $0x19;
	_ =	swait.ge [sflag:s11], $0x6400  }
0x21: {  	s19 =	simm.s32 $0x32;
	s17 =	sadd.s32 $0xC80, s8;
	[sflag:s11] =	ssyncset.done $0x0  }
.LBB2_2:
0x22: {  	s20 =	sadd.s32 s18, s9  }
0x23: {  	[sflag:s11] =	ssyncadd.s32 $0xFFFF9C00;
	s18 =	smov.u32 s19;
	s21 =	sadd.s32 $0x19, s19  }
0x24: {  	[tilespmem:s3], [sflag:$0x1] =	stream.linear.gather [hbm4b:s20+s3], $0xC8, $0x38;
	[tilespmem:$0x1A500] =	vst v63  }
0x25: {  	p0 =	sne.s32 s19, $0x258  }
0x26: {  	[tilespmem:s12], [sflag:$0x2] =	stream.linear.gather [hbm4b:s17+s3], $0x6400, $0x38;
	[tilespmem:$0x1A500] =	vst v63  }
0x27: {  	_ =	swait.ge [sflag:s13], $0xC8  }
0x28: {  	[sflag:s13] =	ssyncset.done $0x0  }
0x29: {  	[sflag:s13] =	ssyncadd.s32 $0xFFFFFF38  }
0x2a: {  	_ =	swait.ge [sflag:s14], $0x6400  }
.Ltmp0:
0x2b: {  	[sflag:s14] =	ssyncset.done $0x0;
	(pc) =	sbr.rel @p0 .LBB2_2-.Ltmp0, $4  }
0x2c: {  	[sflag:s14] =	ssyncadd.s32 $0xFFFF9C00  }
0x2d: {  	[spmem:s2] =	stream.indirect.scatter.add.f32 [tilespmem:s12], [sflag:$0x3], $0x80, s3, s15, $0xb8;
	[tilespmem:$0x1A500] =	vst v63  }
0x2e: {  	_ =	swait.ge [sflag:s11], $0x6400  }
0x2f: {  	s19 =	smov.u32 s21;
	s17 =	sadd.s32 $0xC80, s17;
	[sflag:s11] =	ssyncset.done $0x0  }
0x30: {  	s18 =	sadd.s32 s18, s9;
	[sflag:s11] =	ssyncadd.s32 $0xFFFF9C00  }
0x31: {  	[tilespmem:s3], [sflag:$0x1] =	stream.linear.gather [hbm4b:s18+s3], $0xC8, $0x38;
	[tilespmem:$0x1A500] =	vst v63  }
0x32: {  	_ = 	snop  }
0x33: {  	[tilespmem:s12], [sflag:$0x2] =	stream.linear.gather [hbm4b:s17+s3], $0x6400, $0x38;
	[tilespmem:$0x1A500] =	vst v63  }
0x34: {  	_ =	swait.ge [sflag:s13], $0xC8  }
0x35: {  	[sflag:s13] =	ssyncset.done $0x0  }
0x36: {  	[sflag:s13] =	ssyncadd.s32 $0xFFFFFF38  }
0x37: {  	_ =	swait.ge [sflag:s14], $0x6400  }
0x38: {  	[sflag:s14] =	ssyncset.done $0x0  }
0x39: {  	[sflag:s14] =	ssyncadd.s32 $0xFFFF9C00  }
0x3a: {  	[spmem:s2] =	stream.indirect.scatter.add.f32 [tilespmem:s12], [sflag:$0x3], $0x80, s3, s15, $0xb8;
	[tilespmem:$0x1A500] =	vst v63  }
0x3b: {  	_ =	swait.ge [sflag:s11], $0x6400  }
0x3c: {  	s16 =	sadd.s32 $0x1, s16;
	[sflag:s11] =	ssyncset.done $0x0  }
0x3d: {  	p0 =	sne.s32 s16, s7;
	[sflag:s11] =	ssyncadd.s32 $0xFFFF9C00  }
.Ltmp1:
0x3e: {  	[bflag:$0x0] =	sbarrier.arrive $0xFFFF;
	(pc) =	sbr.rel @p0 .LBB2_1-.Ltmp1, $4  }
0x3f: {  	[hbm:s6], [sflag:s5] =	dma.local [spmem:s10], $0x2800  }
0x40: {  	_ =	swait.ge [sflag:s11], $0x2800  }
0x41: {  	[sflag:s11] =	ssyncset.done $0x0  }
0x42: {  	[sflag:s11] =	ssyncadd.s32 $0xFFFFD800  }
0x43: {  	_ =	sfence.sel $0x180000  }
0x44: {  	[bflag:$0x0] =	sbarrier.arrive $0xFFFF  }
0x45: {  	p0 =	sne.s32 s0, $0x0;
	_ =	strace $0x90000050  }
0x46: {  	s0 =	sadd.s32 @!p0 $0x100000, s1;
	[bflag:$0x2] =	sbarrier.arrive $0xFFFF  }
0x47: {  	[sflag:s0] =	ssyncadd.tile.s32 @!p0 $0x1;
	_ =	shalt  }
.Lfunc_end2:
_tile_overlayer_lowered:
.L_overlay_start_2:
0x48: {  	(tag) =	ssettag $0x2  }
0x49: {  	s0 =	rddreg [dreg:$0x0];
	s2 =	stileid.u32  }
0x4a: {  	s1 =	rddreg [dreg:$0x1];
	p0 =	sne.s32 s2, $0x0  }
0x4b: {  	s3 =	rddreg [dreg:$0x2];
	[bflag:$0x3] =	sbarrier.arrive $0xFFFF;
	s2 =	simm.s32 @!p0 $0x1C03  }
0x4c: {  	[timem:s3], [sflag:s2] =	dma.local @!p0 [hbm:s0], s1  }
0x4d: {  	s0 =	simm.s32 @!p0 $0x3  }
0x4e: {  	_ =	swait.ge @!p0 [sflag:s0], s1  }
0x4f: {  	s1 =	ssub.s32 @!p0 $0x0, s1;
	[sflag:s0] =	ssyncset.done @!p0 $0x0  }
0x50: {  	[sflag:s0] =	ssyncadd.s32 @!p0 s1  }
0x51: {  	[bflag:$0x3] =	sbarrier.arrive $0xFFFF  }
0x52: {  	_ =	shalt  }

// kernel: kernel.33.cloned.1.call-start
scs
__scs_entry_jumppad:
0x0: {  	(pc) =	sbr.rel $0x88, $3  }
0x1: {  	(tag) =	ssettag $0x0;
	lr =	simm.s32 $0x1  }
0x2: {  	[smem:$0x3F7E] =	sst lr;
	_ =	strace $0xD0000000  }
0x3: {  	_ = 	snop  }
0x4: {  	_ = 	snop  }
0x5: {  	_ = 	snop  }
0x6: {  	_ = 	snop  }
0x7: {  	_ = 	snop  }
__scs_overlays_trampoline_lowered:
0x8: {  	[smem:$0x3F8D] =	sst s0  }
0x9: {  	[smem:$0x3F8E] =	sst s1  }
0xa: {  	[smem:$0x3F8F] =	sst s2  }
0xb: {  	[smem:$0x3F90] =	sst s3  }
0xc: {  	[smem:$0x3F91] =	sst s4  }
0xd: {  	[smem:$0x3F92] =	sst s5  }
0xe: {  	[smem:$0x3F93] =	sst s6  }
0xf: {  	[smem:$0x3F94] =	sst s7  }
0x10: {  	[smem:$0x3F95] =	sst s8  }
0x11: {  	[smem:$0x3F96] =	sst s9;
	s0 =	simm.s32 @!p0 $0x0  }
0x12: {  	s1 =	sld [smem:$0x3F7C];
	s0 =	simm.s32 @p0 $0x1  }
0x13: {  	[smem:$0x3F97] =	sst s0;
	s0 =	simm.s32 @!p1 $0x0  }
0x14: {  	s2 =	sld [smem:$0x3F7B];
	s0 =	simm.s32 @p1 $0x1  }
0x15: {  	[smem:$0x3F98] =	sst s0;
	s0 =	simm.s32 @!p2 $0x0  }
0x16: {  	s3 =	sld [smem:$0x3FDB];
	s0 =	simm.s32 @p2 $0x1  }
0x17: {  	s4 =	simm.s32 $0x1BF5;
	[smem:$0x3F9A] =	sst s0  }
0x18: {  	s0 =	sld [smem:$0x3F7D];
	_ =	swait.ge [sflag:s4], $0x0  }
0x19: {  	s7 =	sld [smem:$0x3F7E]  }
0x1a: {  	s8 =	sadd.s32 $0xFFFFE003, lr  }
0x1b: {  	s9 =	sadd.s32 $0xFFFFFEF7, lr;
	s5 =	simm.s32 $0xFFFFFFFF;
	p2 =	slt.u32 s8, $0xFFFFF086  }
0x1c: {  	p1 =	slt.u32 s9, $0xF7A;
	s5 =	simm.s32 @!p2 $0x0  }
0x1d: {  	s5 =	simm.s32 @p1 $0x1;
	p0 =	seq.s32 s7, s2  }
0x1e: {  	s7 =	smul.u32 @!p0 $0xF7A, s2;
	p2 =	seq.s32 @!p0 s5, $0x0  }
0x1f: {  	s9 =	smul.u32 $0xF7A, s1;
	s8 =	simm.s32 @!p0 $0x1BF5;
	p2 =	por !p2, p0  }
0x20: {  	[sflag:s8] =	ssyncset.s32 @!p0 $0xFFFFF086;
	s6 =	sadd.s32 @!p0 s3, s7;
	s7 =	simm.s32 @!p0 $0x108  }
0x21: {  	s3 =	sadd.s32 s3, s9;
	s6 =	sadd.s32 @!p0 $0x88, s6;
	s7 =	simm.s32 @p2 $0x1082  }
0x22: {  	[simem:s7], [sflag:s8] =	dma.local @!p0 [hbm:s6], $0xF7A  }
0x23: {  	s9 =	sor.u32 $0xD0000000, s2;
	s6 =	simm.s32 $0x108;
	_ =	swait.ge @!p0 [sflag:s8], $0x0  }
0x24: {  	s3 =	sadd.s32 $0x88, s3;
	s6 =	simm.s32 @!p1 $0x1082;
	[sflag:s4] =	ssyncset.s32 $0xFFFFF086  }
0x25: {  	[simem:s6], [sflag:s4] =	dma.local [hbm:s3], $0xF7A  }
0x26: {  	[smem:$0x3F7E] =	sst s1;
	(tag) =	ssettag s2;
	_ =	strace s9  }
0x27: {  	s1 =	sld [smem:$0x3F8E]  }
0x28: {  	s2 =	sld [smem:$0x3F8F]  }
0x29: {  	s4 =	sld [smem:$0x3F91]  }
0x2a: {  	p0 =	seq.s32 s5, $0x0;
	s5 =	sld [smem:$0x3F92]  }
0x2b: {  	s6 =	sld [smem:$0x3F93]  }
0x2c: {  	s7 =	sld [smem:$0x3F94]  }
0x2d: {  	s3 =	simm.s32 $0x108;
	s8 =	sld [smem:$0x3F95]  }
0x2e: {  	s3 =	simm.s32 @!p0 $0x1082;
	s9 =	sld [smem:$0x3F96]  }
0x2f: {  	lr =	sadd.s32 s0, s3;
	s0 =	sld [smem:$0x3F8D]  }
0x30: {  	s3 =	sld [smem:$0x3F90]  }
0x31: {  	[smem:$0x3F99] =	sst s10  }
0x32: {  	s10 =	sld [smem:$0x3F97];
	_ =	sdelay $0x3  }
0x33: {  	p0 =	seq.s32 s10, $0x1;
	s10 =	sld [smem:$0x3F99];
	_ =	sdelay $0x3  }
0x34: {  	[smem:$0x3F99] =	sst s10  }
0x35: {  	s10 =	sld [smem:$0x3F98];
	_ =	sdelay $0x3  }
0x36: {  	p1 =	seq.s32 s10, $0x1;
	s10 =	sld [smem:$0x3F99];
	_ =	sdelay $0x3  }
0x37: {  	[smem:$0x3F99] =	sst s10  }
0x38: {  	s10 =	sld [smem:$0x3F9A]  }
0x39: {  	_ = 	snop;
	(pc) =	sbr.ind lr, $3  }
0x3a: {  	_ = 	snop  }
0x3b: {  	_ = 	snop  }
0x3c: {  	p2 =	seq.s32 s10, $0x1;
	s10 =	sld [smem:$0x3F99]  }
0x3d: {  	_ =	shalt  }
0x3e: {  	_ =	shalt  }
0x3f: {  	_ =	shalt  }
0x40: {  	_ =	shalt  }
0x41: {  	_ =	shalt  }
0x42: {  	_ =	shalt  }
0x43: {  	_ =	shalt  }
0x44: {  	_ =	shalt  }
0x45: {  	_ =	shalt  }
0x46: {  	_ =	shalt  }
0x47: {  	_ =	shalt  }
0x48: {  	_ =	shalt  }
0x49: {  	_ =	shalt  }
0x4a: {  	_ =	shalt  }
0x4b: {  	_ =	shalt  }
0x4c: {  	_ =	shalt  }
0x4d: {  	_ =	shalt  }
0x4e: {  	_ =	shalt  }
0x4f: {  	_ =	shalt  }
0x50: {  	_ =	shalt  }
0x51: {  	_ =	shalt  }
0x52: {  	_ =	shalt  }
0x53: {  	_ =	shalt  }
0x54: {  	_ =	shalt  }
0x55: {  	_ =	shalt  }
0x56: {  	_ =	shalt  }
0x57: {  	_ =	shalt  }
0x58: {  	_ =	shalt  }
0x59: {  	_ =	shalt  }
0x5a: {  	_ =	shalt  }
0x5b: {  	_ =	shalt  }
0x5c: {  	_ =	shalt  }
0x5d: {  	_ =	shalt  }
0x5e: {  	_ =	shalt  }
0x5f: {  	_ =	shalt  }
0x60: {  	_ =	shalt  }
0x61: {  	_ =	shalt  }
0x62: {  	_ =	shalt  }
0x63: {  	_ =	shalt  }
0x64: {  	_ =	shalt  }
0x65: {  	_ =	shalt  }
0x66: {  	_ =	shalt  }
0x67: {  	_ =	shalt  }
0x68: {  	_ =	shalt  }
0x69: {  	_ =	shalt  }
0x6a: {  	_ =	shalt  }
0x6b: {  	_ =	shalt  }
0x6c: {  	_ =	shalt  }
0x6d: {  	_ =	shalt  }
0x6e: {  	_ =	shalt  }
0x6f: {  	_ =	shalt  }
0x70: {  	_ =	shalt  }
0x71: {  	_ =	shalt  }
0x72: {  	_ =	shalt  }
0x73: {  	_ =	shalt  }
0x74: {  	_ =	shalt  }
0x75: {  	_ =	shalt  }
0x76: {  	_ =	shalt  }
0x77: {  	_ =	shalt  }
0x78: {  	_ =	shalt  }
0x79: {  	_ =	shalt  }
0x7a: {  	_ =	shalt  }
0x7b: {  	_ =	shalt  }
0x7c: {  	_ =	shalt  }
0x7d: {  	_ =	shalt  }
0x7e: {  	_ =	shalt  }
0x7f: {  	_ =	shalt  }
0x80: {  	_ =	shalt  }
0x81: {  	_ =	shalt  }
0x82: {  	_ =	shalt  }
0x83: {  	_ =	shalt  }
0x84: {  	_ =	shalt  }
0x85: {  	_ =	shalt  }
0x86: {  	_ =	shalt  }
0x87: {  	_ =	shalt  }
.Lfunc_end0:
.L_simem_size_0:
called_computation.4_lowered:
.L_overlay_start_0:
0x88: {  	s2 =	sld [smem:$0x3FD9]  }
0x89: {  	s3 =	sld [smem:$0x3FFE];
	_ =	sdelay $0x1  }
0x8a: {  	s1 =	srdreg.scid  }
0x8b: {  	s0 =	sand.u32 $0x1, s1  }
0x8c: {  	s16 =	sshll.u32 s0, $0xA;
	s2 =	sadd.s32 s3, s2  }
0x8d: {  	s2 =	sadd.s32 s2, s16  }
0x8e: {  	[smem:$0x3FA5] =	sst s2  }
0x8f: {  	_ = 	snop  }
0x90: {  	(tm) =	ssettm $0x1  }
0x91: {  	s17 =	sld [smem:$0x3FFB];
	_ =	sdelay $0x3  }
0x92: {  	_ =	strace s17  }
0x93: {  	s2 =	sld [smem:$0x3FFC];
	_ =	sdelay $0x3  }
0x94: {  	_ =	strace s2  }
0x95: {  	s2 =	sld [smem:$0x3FFD];
	_ =	sdelay $0x3  }
0x96: {  	_ =	strace s2  }
0x97: {  	_ =	strace $0x8FFFFFFF  }
0x98: {  	s18 =	sld [smem:$0x3FDB];
	_ =	sdelay $0x1  }
0x99: {  	s19 =	simm.s32 $_scs_section_size  }
0x9a: {  	s4 =	simm.s32 $_size__tile_overlayer_lowered;
	s5 =	simm.s32 $_tile_overlayer_lowered  }
0x9b: {  	s22 =	simm.s32 $0x1BFF;
	s21 =	sshll.u32 s5, $0x1;
	s2 =	sadd.s32 s19, s18  }
0x9c: {  	s6 =	simm.s32 $0x0;
	s20 =	sshll.u32 s4, $0x1;
	s4 =	sadd.s32 s21, s2  }
0x9d: {  	[timem:s6], [sflag:s22] =	dma.local [hbm:s4], s20  }
0x9e: {  	_ =	swait.ge [sflag:s22], s20  }
0x9f: {  	s3 =	ssub.s32 $0x0, s20;
	[sflag:s22] =	ssyncset.done $0x0  }
0xa0: {  	[sflag:s22] =	ssyncadd.s32 s3;
	_ =	sdelay $0x1  }
0xa1: {  	s23 =	simm.s32 $0x1B8B  }
0xa2: {  	_ =	swait.ge [sflag:s23], $0x1  }
0xa3: {  	[sflag:s23] =	ssyncset.done $0x0  }
0xa4: {  	s25 =	simm.s32 $0x1B8E;
	s24 =	sld [smem:$0x3FFE];
	[sflag:s23] =	ssyncadd.s32 $0xFFFFFFFF  }
0xa5: {  	s26 =	simm.s32 $execute0_lowered;
	[smem:$0x3FD2] =	sst s25  }
0xa6: {  	s4 =	sshll.u32 s26, $0x1;
	_ =	strace $0x80000052;
	[dreg:$0x1] =	wrdreg $0xFFFFFFFF  }
0xa7: {  	s28 =	simm.s32 $_size_execute0_lowered;
	s2 =	sadd.s32 s2, s4;
	[dreg:$0x0] =	wrdreg $0x0  }
0xa8: {  	s4 =	sshll.u32 s28, $0x1;
	[dreg:$0x2] =	wrdreg s2  }
0xa9: {  	[dreg:$0x3] =	wrdreg s4  }
0xaa: {  	[dreg:$0x4] =	wrdreg $0xC0  }
0xab: {  	_ =	task [dreg:s6], $0x5FFFF  }
0xac: {  	[dreg:$0x1] =	wrdreg $0xFFFFFFFF  }
0xad: {  	[dreg:$0x0] =	wrdreg $0x60  }
0xae: {  	[dreg:$0x2] =	wrdreg s24  }
0xaf: {  	[dreg:$0x3] =	wrdreg $0x9  }
0xb0: {  	_ =	task.clear_ibuf [dreg:s6], $0x4FFFF;
	_ =	strace $0x90000052  }
0xb1: {  	s29 =	simm.s32 $0x9;
	_ =	strace $0x80000054  }
0xb2: {  	_ =	swait.ge [sflag:s29], $0x1  }
0xb3: {  	[sflag:s29] =	ssyncadd.s32 $0xFFFFFFFF  }
0xb4: {  	_ =	strace $0x90000054  }
0xb5: {  	_ =	sfence  }
0xb6: {  	s30 =	sld [smem:$0x0];
	_ =	sdelay $0x2  }
0xb7: {  	s31 =	sshll.u32 s1, $0xD;
	s1 =	sshrl.u32 s1, $0x2  }
0xb8: {  	s3 =	sand.u32 $0x4000, s31;
	s1 =	sadd.s32 s1, s30  }
0xb9: {  	s0 =	sor.u32 s3, s0;
	s1 =	sshll.u32 s1, $0x11  }
0xba: {  	s0 =	sor.u32 s1, s0  }
0xbb: {  	s0 =	sadd.s32 $0x8F2B, s0  }
0xbc: {  	[sflag:s0] =	ssyncadd.remote.s32 $0x1  }
0xbd: {  	_ =	sfence.sel $0xFFFF  }
0xbe: {  	[dreg:$0x0] =	wrdreg $0xFFFFFFFF;
	(pc) =	sbr.abs _section_cstart, $3  }
0xbf: {  	[dreg:$0x1] =	wrdreg $0xFFFFFFFF  }
0xc0: {  	_ =	task.clear_ibuf [dreg:s6], $0x2FFFF;
	_ =	strace $0x9FFFFFFF  }
0xc1: {  	(tm) =	ssettm $0x7FFFFFFF  }
tec
execute0_lowered:
.L_overlay_start_1:
0x0: {  	(tag) =	ssettag $0x1  }
0x1: {  	s4 =	rddreg [dreg:$0x0]  }
0x2: {  	s0 =	rddreg [dreg:$0x1]  }
0x3: {  	s3 =	srdreg.scid;
	s1 =	stileid.u32;
	s2 =	simm.s32 $0x0  }
0x4: {  	s10 =	simm.s32 $0x1;
	s11 =	simm.s32 $0x0;
	s6 =	smul.u32 $0x2710, s1  }
0x5: {  	s5 =	sand.u32 $0x1, s3;
	[smem:$0x7FF] =	sst s2;
	s8 =	smul.u32 $0x27100, s1  }
0x6: {  	s3 =	sadd.s32 $0x13800, s4;
	s7 =	smul.u32 $0x1388, s5;
	s9 =	ssub.s32 $0x2, s5  }
0x7: {  	_ =	strace $0x80000053;
	s5 =	smul.u32 $0x13880, s5;
	s31 =	sshrl.u32 s9, $0x1  }
0x8: {  	s30 =	sadd.s32 s8, s4;
	s6 =	sadd.s32 s7, s6;
	s8 =	ssub.s32 s9, s31  }
0x9: {  	s5 =	sadd.s32 s5, s30;
	s7 =	simm.s32 $0x2;
	s6 =	sshrl.u32 s6, $0x3  }
0xa: {  	s9 =	simm.s32 $0x100;
	s5 =	sadd.s32 $0x51CC00, s5;
	s6 =	sadd.s32 s6, s4  }
0xb: {  	s4 =	smax.u32 s8, $0x1;
	s8 =	simm.s32 $0xC8;
	s6 =	sadd.s32 $0xE800, s6  }
.LBB2_1:
0xc: {  	s12 =	sadd.s32 $0x0, s6  }
0xd: {  	[tilespmem:s2], [sflag:$0x2] =	stream.linear.gather [hbm4b:s12+s2], $0xC8, $0x38;
	[tilespmem:$0x6500] =	vst v63  }
0xe: {  	_ =	swait.ge [sflag:s7], $0xC8  }
0xf: {  	[sflag:s7] =	ssyncset.done $0x0  }
0x10: {  	[sflag:s7] =	ssyncadd.s32 $0xFFFFFF38  }
0x11: {  	[tilespmem:s9], [sflag:$0x1] =	stream.indirect.gather [hbm4b:s3+s8], $0x80, s2, s8, $0xb8;
	[tilespmem:$0x6500] =	vst v63  }
0x12: {  	_ =	swait.ge [sflag:s10], $0x6400  }
0x13: {  	[sflag:s10] =	ssyncset.done $0x0  }
0x14: {  	[sflag:s10] =	ssyncadd.s32 $0xFFFF9C00  }
0x15: {  	[hbm4b:s5+s2] =	stream.linear.scatter [tilespmem:s9], [sflag:$0x2], $0x6400, $0x38;
	[tilespmem:$0x6500] =	vst v63  }
0x16: {  	s13 =	simm.s32 $0x19;
	_ =	swait.ge [sflag:s7], $0x6400  }
0x17: {  	s14 =	simm.s32 $0x32;
	s12 =	sadd.s32 $0xC80, s5;
	[sflag:s7] =	ssyncset.done $0x0  }
.LBB2_2:
0x18: {  	s15 =	sadd.s32 s13, s6  }
0x19: {  	[sflag:s7] =	ssyncadd.s32 $0xFFFF9C00;
	s13 =	smov.u32 s14;
	s16 =	sadd.s32 $0x19, s14  }
0x1a: {  	[tilespmem:s2], [sflag:$0x2] =	stream.linear.gather [hbm4b:s15+s2], $0xC8, $0x38;
	[tilespmem:$0x6500] =	vst v63  }
0x1b: {  	p0 =	sne.s32 s14, $0x258;
	_ =	swait.ge [sflag:s7], $0xC8  }
0x1c: {  	[sflag:s7] =	ssyncset.done $0x0  }
0x1d: {  	[sflag:s7] =	ssyncadd.s32 $0xFFFFFF38  }
0x1e: {  	[tilespmem:s9], [sflag:$0x1] =	stream.indirect.gather [hbm4b:s3+s8], $0x80, s2, s8, $0xb8;
	[tilespmem:$0x6500] =	vst v63  }
0x1f: {  	_ =	swait.ge [sflag:s10], $0x6400  }
.Ltmp0:
0x20: {  	[sflag:s10] =	ssyncset.done $0x0;
	(pc) =	sbr.rel @p0 .LBB2_2-.Ltmp0, $4  }
0x21: {  	[sflag:s10] =	ssyncadd.s32 $0xFFFF9C00  }
0x22: {  	[hbm4b:s12+s2] =	stream.linear.scatter [tilespmem:s9], [sflag:$0x2], $0x6400, $0x38;
	[tilespmem:$0x6500] =	vst v63  }
0x23: {  	_ =	swait.ge [sflag:s7], $0x6400  }
0x24: {  	s14 =	smov.u32 s16;
	s12 =	sadd.s32 $0xC80, s12;
	[sflag:s7] =	ssyncset.done $0x0  }
0x25: {  	s13 =	sadd.s32 s13, s6;
	[sflag:s7] =	ssyncadd.s32 $0xFFFF9C00  }
0x26: {  	[tilespmem:s2], [sflag:$0x2] =	stream.linear.gather [hbm4b:s13+s2], $0xC8, $0x38;
	[tilespmem:$0x6500] =	vst v63  }
0x27: {  	_ =	swait.ge [sflag:s7], $0xC8  }
0x28: {  	[sflag:s7] =	ssyncset.done $0x0  }
0x29: {  	[sflag:s7] =	ssyncadd.s32 $0xFFFFFF38  }
0x2a: {  	[tilespmem:s9], [sflag:$0x1] =	stream.indirect.gather [hbm4b:s3+s8], $0x80, s2, s8, $0xb8;
	[tilespmem:$0x6500] =	vst v63  }
0x2b: {  	s11 =	sadd.s32 $0x1, s11;
	_ =	swait.ge [sflag:s10], $0x6400  }
0x2c: {  	p0 =	sne.s32 s11, s4;
	[sflag:s10] =	ssyncset.done $0x0  }
.Ltmp1:
0x2d: {  	[sflag:s10] =	ssyncadd.s32 $0xFFFF9C00;
	(pc) =	sbr.rel @p0 .LBB2_1-.Ltmp1, $4  }
0x2e: {  	[hbm4b:s12+s2] =	stream.linear.scatter [tilespmem:s9], [sflag:$0x2], $0x6400, $0x38;
	[tilespmem:$0x6500] =	vst v63  }
0x2f: {  	_ =	swait.ge [sflag:s7], $0x6400  }
0x30: {  	[sflag:s7] =	ssyncset.done $0x0  }
0x31: {  	[sflag:s7] =	ssyncadd.s32 $0xFFFF9C00  }
0x32: {  	_ =	sfence.sel $0x180000  }
0x33: {  	[bflag:$0x0] =	sbarrier.arrive $0xFFFF  }
0x34: {  	p0 =	sne.s32 s1, $0x0;
	_ =	strace $0x90000053  }
0x35: {  	s0 =	sadd.s32 @!p0 $0x100000, s0;
	[bflag:$0x2] =	sbarrier.arrive $0xFFFF  }
0x36: {  	[sflag:s0] =	ssyncadd.tile.s32 @!p0 $0x1;
	_ =	shalt  }
.Lfunc_end2:
_tile_overlayer_lowered:
.L_overlay_start_2:
0x37: {  	(tag) =	ssettag $0x2  }
0x38: {  	s0 =	rddreg [dreg:$0x0];
	s2 =	stileid.u32  }
0x39: {  	s1 =	rddreg [dreg:$0x1];
	p0 =	sne.s32 s2, $0x0  }
0x3a: {  	s3 =	rddreg [dreg:$0x2];
	[bflag:$0x3] =	sbarrier.arrive $0xFFFF;
	s2 =	simm.s32 @!p0 $0x1C02  }
0x3b: {  	[timem:s3], [sflag:s2] =	dma.local @!p0 [hbm:s0], s1  }
0x3c: {  	s0 =	simm.s32 @!p0 $0x2  }
0x3d: {  	_ =	swait.ge @!p0 [sflag:s0], s1  }
0x3e: {  	s1 =	ssub.s32 @!p0 $0x0, s1;
	[sflag:s0] =	ssyncset.done @!p0 $0x0  }
0x3f: {  	[sflag:s0] =	ssyncadd.s32 @!p0 s1  }
0x40: {  	[bflag:$0x3] =	sbarrier.arrive $0xFFFF  }
0x41: {  	_ =	shalt  }

// kernel: kernel.36.cloned.1.call-start
scs
__scs_entry_jumppad:
0x0: {  	(pc) =	sbr.rel $0x88, $3  }
0x1: {  	(tag) =	ssettag $0x0;
	lr =	simm.s32 $0x1  }
0x2: {  	[smem:$0x3F7E] =	sst lr;
	_ =	strace $0xD0000000  }
0x3: {  	_ = 	snop  }
0x4: {  	_ = 	snop  }
0x5: {  	_ = 	snop  }
0x6: {  	_ = 	snop  }
0x7: {  	_ = 	snop  }
__scs_overlays_trampoline_lowered:
0x8: {  	[smem:$0x3F8D] =	sst s0  }
0x9: {  	[smem:$0x3F8E] =	sst s1  }
0xa: {  	[smem:$0x3F8F] =	sst s2  }
0xb: {  	[smem:$0x3F90] =	sst s3  }
0xc: {  	[smem:$0x3F91] =	sst s4  }
0xd: {  	[smem:$0x3F92] =	sst s5  }
0xe: {  	[smem:$0x3F93] =	sst s6  }
0xf: {  	[smem:$0x3F94] =	sst s7  }
0x10: {  	[smem:$0x3F95] =	sst s8  }
0x11: {  	[smem:$0x3F96] =	sst s9;
	s0 =	simm.s32 @!p0 $0x0  }
0x12: {  	s1 =	sld [smem:$0x3F7C];
	s0 =	simm.s32 @p0 $0x1  }
0x13: {  	[smem:$0x3F97] =	sst s0;
	s0 =	simm.s32 @!p1 $0x0  }
0x14: {  	s2 =	sld [smem:$0x3F7B];
	s0 =	simm.s32 @p1 $0x1  }
0x15: {  	[smem:$0x3F98] =	sst s0;
	s0 =	simm.s32 @!p2 $0x0  }
0x16: {  	s3 =	sld [smem:$0x3FDB];
	s0 =	simm.s32 @p2 $0x1  }
0x17: {  	s4 =	simm.s32 $0x1BF5;
	[smem:$0x3F9A] =	sst s0  }
0x18: {  	s0 =	sld [smem:$0x3F7D];
	_ =	swait.ge [sflag:s4], $0x0  }
0x19: {  	s7 =	sld [smem:$0x3F7E]  }
0x1a: {  	s8 =	sadd.s32 $0xFFFFE003, lr  }
0x1b: {  	s9 =	sadd.s32 $0xFFFFFEF7, lr;
	s5 =	simm.s32 $0xFFFFFFFF;
	p2 =	slt.u32 s8, $0xFFFFF086  }
0x1c: {  	p1 =	slt.u32 s9, $0xF7A;
	s5 =	simm.s32 @!p2 $0x0  }
0x1d: {  	s5 =	simm.s32 @p1 $0x1;
	p0 =	seq.s32 s7, s2  }
0x1e: {  	s7 =	smul.u32 @!p0 $0xF7A, s2;
	p2 =	seq.s32 @!p0 s5, $0x0  }
0x1f: {  	s9 =	smul.u32 $0xF7A, s1;
	s8 =	simm.s32 @!p0 $0x1BF5;
	p2 =	por !p2, p0  }
0x20: {  	[sflag:s8] =	ssyncset.s32 @!p0 $0xFFFFF086;
	s6 =	sadd.s32 @!p0 s3, s7;
	s7 =	simm.s32 @!p0 $0x108  }
0x21: {  	s3 =	sadd.s32 s3, s9;
	s6 =	sadd.s32 @!p0 $0x88, s6;
	s7 =	simm.s32 @p2 $0x1082  }
0x22: {  	[simem:s7], [sflag:s8] =	dma.local @!p0 [hbm:s6], $0xF7A  }
0x23: {  	s9 =	sor.u32 $0xD0000000, s2;
	s6 =	simm.s32 $0x108;
	_ =	swait.ge @!p0 [sflag:s8], $0x0  }
0x24: {  	s3 =	sadd.s32 $0x88, s3;
	s6 =	simm.s32 @!p1 $0x1082;
	[sflag:s4] =	ssyncset.s32 $0xFFFFF086  }
0x25: {  	[simem:s6], [sflag:s4] =	dma.local [hbm:s3], $0xF7A  }
0x26: {  	[smem:$0x3F7E] =	sst s1;
	(tag) =	ssettag s2;
	_ =	strace s9  }
0x27: {  	s1 =	sld [smem:$0x3F8E]  }
0x28: {  	s2 =	sld [smem:$0x3F8F]  }
0x29: {  	s4 =	sld [smem:$0x3F91]  }
0x2a: {  	p0 =	seq.s32 s5, $0x0;
	s5 =	sld [smem:$0x3F92]  }
0x2b: {  	s6 =	sld [smem:$0x3F93]  }
0x2c: {  	s7 =	sld [smem:$0x3F94]  }
0x2d: {  	s3 =	simm.s32 $0x108;
	s8 =	sld [smem:$0x3F95]  }
0x2e: {  	s3 =	simm.s32 @!p0 $0x1082;
	s9 =	sld [smem:$0x3F96]  }
0x2f: {  	lr =	sadd.s32 s0, s3;
	s0 =	sld [smem:$0x3F8D]  }
0x30: {  	s3 =	sld [smem:$0x3F90]  }
0x31: {  	[smem:$0x3F99] =	sst s10  }
0x32: {  	s10 =	sld [smem:$0x3F97];
	_ =	sdelay $0x3  }
0x33: {  	p0 =	seq.s32 s10, $0x1;
	s10 =	sld [smem:$0x3F99];
	_ =	sdelay $0x3  }
0x34: {  	[smem:$0x3F99] =	sst s10  }
0x35: {  	s10 =	sld [smem:$0x3F98];
	_ =	sdelay $0x3  }
0x36: {  	p1 =	seq.s32 s10, $0x1;
	s10 =	sld [smem:$0x3F99];
	_ =	sdelay $0x3  }
0x37: {  	[smem:$0x3F99] =	sst s10  }
0x38: {  	s10 =	sld [smem:$0x3F9A]  }
0x39: {  	_ = 	snop;
	(pc) =	sbr.ind lr, $3  }
0x3a: {  	_ = 	snop  }
0x3b: {  	_ = 	snop  }
0x3c: {  	p2 =	seq.s32 s10, $0x1;
	s10 =	sld [smem:$0x3F99]  }
0x3d: {  	_ =	shalt  }
0x3e: {  	_ =	shalt  }
0x3f: {  	_ =	shalt  }
0x40: {  	_ =	shalt  }
0x41: {  	_ =	shalt  }
0x42: {  	_ =	shalt  }
0x43: {  	_ =	shalt  }
0x44: {  	_ =	shalt  }
0x45: {  	_ =	shalt  }
0x46: {  	_ =	shalt  }
0x47: {  	_ =	shalt  }
0x48: {  	_ =	shalt  }
0x49: {  	_ =	shalt  }
0x4a: {  	_ =	shalt  }
0x4b: {  	_ =	shalt  }
0x4c: {  	_ =	shalt  }
0x4d: {  	_ =	shalt  }
0x4e: {  	_ =	shalt  }
0x4f: {  	_ =	shalt  }
0x50: {  	_ =	shalt  }
0x51: {  	_ =	shalt  }
0x52: {  	_ =	shalt  }
0x53: {  	_ =	shalt  }
0x54: {  	_ =	shalt  }
0x55: {  	_ =	shalt  }
0x56: {  	_ =	shalt  }
0x57: {  	_ =	shalt  }
0x58: {  	_ =	shalt  }
0x59: {  	_ =	shalt  }
0x5a: {  	_ =	shalt  }
0x5b: {  	_ =	shalt  }
0x5c: {  	_ =	shalt  }
0x5d: {  	_ =	shalt  }
0x5e: {  	_ =	shalt  }
0x5f: {  	_ =	shalt  }
0x60: {  	_ =	shalt  }
0x61: {  	_ =	shalt  }
0x62: {  	_ =	shalt  }
0x63: {  	_ =	shalt  }
0x64: {  	_ =	shalt  }
0x65: {  	_ =	shalt  }
0x66: {  	_ =	shalt  }
0x67: {  	_ =	shalt  }
0x68: {  	_ =	shalt  }
0x69: {  	_ =	shalt  }
0x6a: {  	_ =	shalt  }
0x6b: {  	_ =	shalt  }
0x6c: {  	_ =	shalt  }
0x6d: {  	_ =	shalt  }
0x6e: {  	_ =	shalt  }
0x6f: {  	_ =	shalt  }
0x70: {  	_ =	shalt  }
0x71: {  	_ =	shalt  }
0x72: {  	_ =	shalt  }
0x73: {  	_ =	shalt  }
0x74: {  	_ =	shalt  }
0x75: {  	_ =	shalt  }
0x76: {  	_ =	shalt  }
0x77: {  	_ =	shalt  }
0x78: {  	_ =	shalt  }
0x79: {  	_ =	shalt  }
0x7a: {  	_ =	shalt  }
0x7b: {  	_ =	shalt  }
0x7c: {  	_ =	shalt  }
0x7d: {  	_ =	shalt  }
0x7e: {  	_ =	shalt  }
0x7f: {  	_ =	shalt  }
0x80: {  	_ =	shalt  }
0x81: {  	_ =	shalt  }
0x82: {  	_ =	shalt  }
0x83: {  	_ =	shalt  }
0x84: {  	_ =	shalt  }
0x85: {  	_ =	shalt  }
0x86: {  	_ =	shalt  }
0x87: {  	_ =	shalt  }
.Lfunc_end0:
.L_simem_size_0:
called_computation.5_lowered:
.L_overlay_start_0:
0x88: {  	s2 =	sld [smem:$0x3FD9]  }
0x89: {  	s3 =	sld [smem:$0x3FFE];
	_ =	sdelay $0x1  }
0x8a: {  	s1 =	srdreg.scid  }
0x8b: {  	s0 =	sand.u32 $0x1, s1  }
0x8c: {  	s16 =	sshll.u32 s0, $0xA;
	s2 =	sadd.s32 s3, s2  }
0x8d: {  	s2 =	sadd.s32 s2, s16  }
0x8e: {  	[smem:$0x3FA5] =	sst s2  }
0x8f: {  	_ = 	snop  }
0x90: {  	(tm) =	ssettm $0x1  }
0x91: {  	s17 =	sld [smem:$0x3FFB];
	_ =	sdelay $0x3  }
0x92: {  	_ =	strace s17  }
0x93: {  	s2 =	sld [smem:$0x3FFC];
	_ =	sdelay $0x3  }
0x94: {  	_ =	strace s2  }
0x95: {  	s2 =	sld [smem:$0x3FFD];
	_ =	sdelay $0x3  }
0x96: {  	_ =	strace s2  }
0x97: {  	_ =	strace $0x8FFFFFFF  }
0x98: {  	s18 =	sld [smem:$0x3FDB];
	_ =	sdelay $0x1  }
0x99: {  	s19 =	simm.s32 $_scs_section_size  }
0x9a: {  	s4 =	simm.s32 $_size__tile_overlayer_lowered;
	s5 =	simm.s32 $_tile_overlayer_lowered  }
0x9b: {  	s22 =	simm.s32 $0x1BFF;
	s21 =	sshll.u32 s5, $0x1;
	s2 =	sadd.s32 s19, s18  }
0x9c: {  	s6 =	simm.s32 $0x0;
	s20 =	sshll.u32 s4, $0x1;
	s4 =	sadd.s32 s21, s2  }
0x9d: {  	[timem:s6], [sflag:s22] =	dma.local [hbm:s4], s20  }
0x9e: {  	_ =	swait.ge [sflag:s22], s20  }
0x9f: {  	s3 =	ssub.s32 $0x0, s20;
	[sflag:s22] =	ssyncset.done $0x0  }
0xa0: {  	[sflag:s22] =	ssyncadd.s32 s3;
	_ =	sdelay $0x1  }
0xa1: {  	s23 =	simm.s32 $0x1B8B  }
0xa2: {  	_ =	swait.ge [sflag:s23], $0x1  }
0xa3: {  	[sflag:s23] =	ssyncset.done $0x0  }
0xa4: {  	s25 =	simm.s32 $0x1B8E;
	s24 =	sld [smem:$0x3FFE];
	[sflag:s23] =	ssyncadd.s32 $0xFFFFFFFF  }
0xa5: {  	s26 =	simm.s32 $execute0_lowered;
	[smem:$0x3FD2] =	sst s25  }
0xa6: {  	s4 =	sshll.u32 s26, $0x1;
	_ =	strace $0x80000055;
	[dreg:$0x1] =	wrdreg $0xFFFFFFFF  }
0xa7: {  	s28 =	simm.s32 $_size_execute0_lowered;
	s2 =	sadd.s32 s2, s4;
	[dreg:$0x0] =	wrdreg $0x0  }
0xa8: {  	s4 =	sshll.u32 s28, $0x1;
	[dreg:$0x2] =	wrdreg s2  }
0xa9: {  	[dreg:$0x3] =	wrdreg s4  }
0xaa: {  	[dreg:$0x4] =	wrdreg $0xC0  }
0xab: {  	_ =	task [dreg:s6], $0x5FFFF  }
0xac: {  	[dreg:$0x1] =	wrdreg $0xFFFFFFFF  }
0xad: {  	[dreg:$0x0] =	wrdreg $0x60  }
0xae: {  	[dreg:$0x2] =	wrdreg s24  }
0xaf: {  	[dreg:$0x3] =	wrdreg $0x65000  }
0xb0: {  	[dreg:$0x4] =	wrdreg $0x9  }
0xb1: {  	_ =	task.clear_ibuf [dreg:s6], $0x5FFFF;
	_ =	strace $0x90000055  }
0xb2: {  	s29 =	simm.s32 $0x9;
	_ =	strace $0x80000057  }
0xb3: {  	_ =	swait.ge [sflag:s29], $0x1  }
0xb4: {  	[sflag:s29] =	ssyncadd.s32 $0xFFFFFFFF  }
0xb5: {  	_ =	strace $0x90000057  }
0xb6: {  	_ =	sfence  }
0xb7: {  	s30 =	sld [smem:$0x0];
	_ =	sdelay $0x2  }
0xb8: {  	s31 =	sshll.u32 s1, $0xD;
	s1 =	sshrl.u32 s1, $0x2  }
0xb9: {  	s3 =	sand.u32 $0x4000, s31;
	s1 =	sadd.s32 s1, s30  }
0xba: {  	s0 =	sor.u32 s3, s0;
	s1 =	sshll.u32 s1, $0x11  }
0xbb: {  	s0 =	sor.u32 s1, s0  }
0xbc: {  	s0 =	sadd.s32 $0x8F2B, s0  }
0xbd: {  	[sflag:s0] =	ssyncadd.remote.s32 $0x1  }
0xbe: {  	_ =	sfence.sel $0xFFFF  }
0xbf: {  	[dreg:$0x0] =	wrdreg $0xFFFFFFFF;
	(pc) =	sbr.abs _section_cstart, $3  }
0xc0: {  	[dreg:$0x1] =	wrdreg $0xFFFFFFFF  }
0xc1: {  	_ =	task.clear_ibuf [dreg:s6], $0x2FFFF;
	_ =	strace $0x9FFFFFFF  }
0xc2: {  	(tm) =	ssettm $0x7FFFFFFF  }
0xc3: {  	_ =	shalt  }
tec
execute0_lowered:
.L_overlay_start_1:
0x0: {  	(tag) =	ssettag $0x1  }
0x1: {  	s0 =	srdreg.scid  }
0x2: {  	s4 =	rddreg [dreg:$0x0];
	s5 =	sand.u32 $0x1, s0  }
0x3: {  	s0 =	stileid.u32;
	s6 =	smul.u32 $0x13880, s5  }
0x4: {  	s2 =	rddreg [dreg:$0x1];
	s7 =	smul.u32 $0x1388, s0  }
0x5: {  	s1 =	rddreg [dreg:$0x2];
	s3 =	simm.s32 $0x0;
	s8 =	smul.u32 $0x138800, s5  }
0x6: {  	s13 =	simm.s32 $0x1;
	s14 =	simm.s32 $0x2;
	s25 =	smul.u32 $0x2800, s0  }
0x7: {  	s15 =	simm.s32 $0xC8;
	[smem:$0x7FF] =	sst s3;
	s9 =	smul.u32 $0x28000, s5  }
0x8: {  	s16 =	simm.s32 $0x0;
	_ =	strace $0x80000056;
	s11 =	smul.u32 $0x50000, s0  }
0x9: {  	s5 =	ssub.s32 $0x2, s5;
	s30 =	sshll.u32 s0, $0x6;
	s31 =	smul.u32 $0x13880, s0  }
0xa: {  	s28 =	sshrl.u32 s5, $0x1;
	s6 =	sadd.s32 s7, s6;
	s8 =	sadd.s32 s8, s4  }
0xb: {  	s26 =	sadd.s32 s25, s9;
	s7 =	sadd.s32 s25, s4;
	s9 =	ssub.s32 s5, s28  }
0xc: {  	s29 =	sshrl.u32 s11, $0x2;
	s5 =	sor.u32 $0x1C03, s30;
	s11 =	simm.s32 $0x3  }
0xd: {  	s6 =	sshrl.u32 s6, $0x3;
	s12 =	sadd.s32 s29, s2;
	s8 =	sadd.s32 s31, s8  }
0xe: {  	s10 =	sadd.s32 s6, s4;
	s6 =	sadd.s32 s26, s4;
	s4 =	sadd.s32 $0x3AA00, s7  }
0xf: {  	s7 =	smax.u32 s9, $0x1;
	s8 =	sadd.s32 $0x78DC00, s8;
	s6 =	sadd.s32 $0x62A00, s6  }
0x10: {  	s9 =	sadd.s32 $0x9800, s10;
	s10 =	sshrl.u32 s12, $0x3;
	s12 =	simm.s32 $0x100  }
.LBB2_1:
0x11: {  	[spmem:s10], [sflag:s5] =	dma.local [hbm:s4], $0x2800  }
0x12: {  	_ =	swait.ge [sflag:s11], $0x2800  }
0x13: {  	[sflag:s11] =	ssyncset.done $0x0  }
0x14: {  	[sflag:s11] =	ssyncadd.s32 $0xFFFFD800  }
0x15: {  	s17 =	sadd.s32 $0x0, s9;
	[bflag:$0x0] =	sbarrier.arrive $0xFFFF  }
0x16: {  	[tilespmem:s3], [sflag:$0x1] =	stream.linear.gather [hbm4b:s17+s3], $0xC8, $0x38;
	[tilespmem:$0x1A500] =	vst v63  }
0x17: {  	_ = 	snop  }
0x18: {  	[tilespmem:s12], [sflag:$0x2] =	stream.linear.gather [hbm4b:s8+s3], $0x6400, $0x38;
	[tilespmem:$0x1A500] =	vst v63  }
0x19: {  	_ =	swait.ge [sflag:s13], $0xC8  }
0x1a: {  	[sflag:s13] =	ssyncset.done $0x0  }
0x1b: {  	[sflag:s13] =	ssyncadd.s32 $0xFFFFFF38  }
0x1c: {  	_ =	swait.ge [sflag:s14], $0x6400  }
0x1d: {  	[sflag:s14] =	ssyncset.done $0x0  }
0x1e: {  	[sflag:s14] =	ssyncadd.s32 $0xFFFF9C00  }
0x1f: {  	[spmem:s2] =	stream.indirect.scatter.add.f32 [tilespmem:s12], [sflag:$0x3], $0x80, s3, s15, $0xb8;
	[tilespmem:$0x1A500] =	vst v63  }
0x20: {  	s18 =	simm.s32 $0x19;
	_ =	swait.ge [sflag:s11], $0x6400  }
0x21: {  	s19 =	simm.s32 $0x32;
	s17 =	sadd.s32 $0xC80, s8;
	[sflag:s11] =	ssyncset.done $0x0  }
.LBB2_2:
0x22: {  	s20 =	sadd.s32 s18, s9  }
0x23: {  	[sflag:s11] =	ssyncadd.s32 $0xFFFF9C00;
	s18 =	smov.u32 s19;
	s21 =	sadd.s32 $0x19, s19  }
0x24: {  	[tilespmem:s3], [sflag:$0x1] =	stream.linear.gather [hbm4b:s20+s3], $0xC8, $0x38;
	[tilespmem:$0x1A500] =	vst v63  }
0x25: {  	p0 =	sne.s32 s19, $0x258  }
0x26: {  	[tilespmem:s12], [sflag:$0x2] =	stream.linear.gather [hbm4b:s17+s3], $0x6400, $0x38;
	[tilespmem:$0x1A500] =	vst v63  }
0x27: {  	_ =	swait.ge [sflag:s13], $0xC8  }
0x28: {  	[sflag:s13] =	ssyncset.done $0x0  }
0x29: {  	[sflag:s13] =	ssyncadd.s32 $0xFFFFFF38  }
0x2a: {  	_ =	swait.ge [sflag:s14], $0x6400  }
.Ltmp0:
0x2b: {  	[sflag:s14] =	ssyncset.done $0x0;
	(pc) =	sbr.rel @p0 .LBB2_2-.Ltmp0, $4  }
0x2c: {  	[sflag:s14] =	ssyncadd.s32 $0xFFFF9C00  }
0x2d: {  	[spmem:s2] =	stream.indirect.scatter.add.f32 [tilespmem:s12], [sflag:$0x3], $0x80, s3, s15, $0xb8;
	[tilespmem:$0x1A500] =	vst v63  }
0x2e: {  	_ =	swait.ge [sflag:s11], $0x6400  }
0x2f: {  	s19 =	smov.u32 s21;
	s17 =	sadd.s32 $0xC80, s17;
	[sflag:s11] =	ssyncset.done $0x0  }
0x30: {  	s18 =	sadd.s32 s18, s9;
	[sflag:s11] =	ssyncadd.s32 $0xFFFF9C00  }
0x31: {  	[tilespmem:s3], [sflag:$0x1] =	stream.linear.gather [hbm4b:s18+s3], $0xC8, $0x38;
	[tilespmem:$0x1A500] =	vst v63  }
0x32: {  	_ = 	snop  }
0x33: {  	[tilespmem:s12], [sflag:$0x2] =	stream.linear.gather [hbm4b:s17+s3], $0x6400, $0x38;
	[tilespmem:$0x1A500] =	vst v63  }
0x34: {  	_ =	swait.ge [sflag:s13], $0xC8  }
0x35: {  	[sflag:s13] =	ssyncset.done $0x0  }
0x36: {  	[sflag:s13] =	ssyncadd.s32 $0xFFFFFF38  }
0x37: {  	_ =	swait.ge [sflag:s14], $0x6400  }
0x38: {  	[sflag:s14] =	ssyncset.done $0x0  }
0x39: {  	[sflag:s14] =	ssyncadd.s32 $0xFFFF9C00  }
0x3a: {  	[spmem:s2] =	stream.indirect.scatter.add.f32 [tilespmem:s12], [sflag:$0x3], $0x80, s3, s15, $0xb8;
	[tilespmem:$0x1A500] =	vst v63  }
0x3b: {  	_ =	swait.ge [sflag:s11], $0x6400  }
0x3c: {  	s16 =	sadd.s32 $0x1, s16;
	[sflag:s11] =	ssyncset.done $0x0  }
0x3d: {  	p0 =	sne.s32 s16, s7;
	[sflag:s11] =	ssyncadd.s32 $0xFFFF9C00  }
.Ltmp1:
0x3e: {  	[bflag:$0x0] =	sbarrier.arrive $0xFFFF;
	(pc) =	sbr.rel @p0 .LBB2_1-.Ltmp1, $4  }
0x3f: {  	[hbm:s6], [sflag:s5] =	dma.local [spmem:s10], $0x2800  }
0x40: {  	_ =	swait.ge [sflag:s11], $0x2800  }
0x41: {  	[sflag:s11] =	ssyncset.done $0x0  }
0x42: {  	[sflag:s11] =	ssyncadd.s32 $0xFFFFD800  }
0x43: {  	_ =	sfence.sel $0x180000  }
0x44: {  	[bflag:$0x0] =	sbarrier.arrive $0xFFFF  }
0x45: {  	p0 =	sne.s32 s0, $0x0;
	_ =	strace $0x90000056  }
0x46: {  	s0 =	sadd.s32 @!p0 $0x100000, s1;
	[bflag:$0x2] =	sbarrier.arrive $0xFFFF  }
0x47: {  	[sflag:s0] =	ssyncadd.tile.s32 @!p0 $0x1;
	_ =	shalt  }
.Lfunc_end2:
_tile_overlayer_lowered:
.L_overlay_start_2:
0x48: {  	(tag) =	ssettag $0x2  }
0x49: {  	s0 =	rddreg [dreg:$0x0];
	s2 =	stileid.u32  }
0x4a: {  	s1 =	rddreg [dreg:$0x1];
	p0 =	sne.s32 s2, $0x0  }
0x4b: {  	s3 =	rddreg [dreg:$0x2];
	[bflag:$0x3] =	sbarrier.arrive $0xFFFF;
	s2 =	simm.s32 @!p0 $0x1C03  }
0x4c: {  	[timem:s3], [sflag:s2] =	dma.local @!p0 [hbm:s0], s1  }
0x4d: {  	s0 =	simm.s32 @!p0 $0x3  }
0x4e: {  	_ =	swait.ge @!p0 [sflag:s0], s1  }
0x4f: {  	s1 =	ssub.s32 @!p0 $0x0, s1;
	[sflag:s0] =	ssyncset.done @!p0 $0x0  }
0x50: {  	[sflag:s0] =	ssyncadd.s32 @!p0 s1  }
0x51: {  	[bflag:$0x3] =	sbarrier.arrive $0xFFFF  }
0x52: {  	_ =	shalt  }

// kernel: kernel.39.cloned.1.call-start
scs
__scs_entry_jumppad:
0x0: {  	(pc) =	sbr.rel $0x88, $3  }
0x1: {  	(tag) =	ssettag $0x0;
	lr =	simm.s32 $0x1  }
0x2: {  	[smem:$0x3F7E] =	sst lr;
	_ =	strace $0xD0000000  }
0x3: {  	_ = 	snop  }
0x4: {  	_ = 	snop  }
0x5: {  	_ = 	snop  }
0x6: {  	_ = 	snop  }
0x7: {  	_ = 	snop  }
__scs_overlays_trampoline_lowered:
0x8: {  	[smem:$0x3F8D] =	sst s0  }
0x9: {  	[smem:$0x3F8E] =	sst s1  }
0xa: {  	[smem:$0x3F8F] =	sst s2  }
0xb: {  	[smem:$0x3F90] =	sst s3  }
0xc: {  	[smem:$0x3F91] =	sst s4  }
0xd: {  	[smem:$0x3F92] =	sst s5  }
0xe: {  	[smem:$0x3F93] =	sst s6  }
0xf: {  	[smem:$0x3F94] =	sst s7  }
0x10: {  	[smem:$0x3F95] =	sst s8  }
0x11: {  	[smem:$0x3F96] =	sst s9;
	s0 =	simm.s32 @!p0 $0x0  }
0x12: {  	s1 =	sld [smem:$0x3F7C];
	s0 =	simm.s32 @p0 $0x1  }
0x13: {  	[smem:$0x3F97] =	sst s0;
	s0 =	simm.s32 @!p1 $0x0  }
0x14: {  	s2 =	sld [smem:$0x3F7B];
	s0 =	simm.s32 @p1 $0x1  }
0x15: {  	[smem:$0x3F98] =	sst s0;
	s0 =	simm.s32 @!p2 $0x0  }
0x16: {  	s3 =	sld [smem:$0x3FDB];
	s0 =	simm.s32 @p2 $0x1  }
0x17: {  	s4 =	simm.s32 $0x1BF5;
	[smem:$0x3F9A] =	sst s0  }
0x18: {  	s0 =	sld [smem:$0x3F7D];
	_ =	swait.ge [sflag:s4], $0x0  }
0x19: {  	s7 =	sld [smem:$0x3F7E]  }
0x1a: {  	s8 =	sadd.s32 $0xFFFFE003, lr  }
0x1b: {  	s9 =	sadd.s32 $0xFFFFFEF7, lr;
	s5 =	simm.s32 $0xFFFFFFFF;
	p2 =	slt.u32 s8, $0xFFFFF086  }
0x1c: {  	p1 =	slt.u32 s9, $0xF7A;
	s5 =	simm.s32 @!p2 $0x0  }
0x1d: {  	s5 =	simm.s32 @p1 $0x1;
	p0 =	seq.s32 s7, s2  }
0x1e: {  	s7 =	smul.u32 @!p0 $0xF7A, s2;
	p2 =	seq.s32 @!p0 s5, $0x0  }
0x1f: {  	s9 =	smul.u32 $0xF7A, s1;
	s8 =	simm.s32 @!p0 $0x1BF5;
	p2 =	por !p2, p0  }
0x20: {  	[sflag:s8] =	ssyncset.s32 @!p0 $0xFFFFF086;
	s6 =	sadd.s32 @!p0 s3, s7;
	s7 =	simm.s32 @!p0 $0x108  }
0x21: {  	s3 =	sadd.s32 s3, s9;
	s6 =	sadd.s32 @!p0 $0x88, s6;
	s7 =	simm.s32 @p2 $0x1082  }
0x22: {  	[simem:s7], [sflag:s8] =	dma.local @!p0 [hbm:s6], $0xF7A  }
0x23: {  	s9 =	sor.u32 $0xD0000000, s2;
	s6 =	simm.s32 $0x108;
	_ =	swait.ge @!p0 [sflag:s8], $0x0  }
0x24: {  	s3 =	sadd.s32 $0x88, s3;
	s6 =	simm.s32 @!p1 $0x1082;
	[sflag:s4] =	ssyncset.s32 $0xFFFFF086  }
0x25: {  	[simem:s6], [sflag:s4] =	dma.local [hbm:s3], $0xF7A  }
0x26: {  	[smem:$0x3F7E] =	sst s1;
	(tag) =	ssettag s2;
	_ =	strace s9  }
0x27: {  	s1 =	sld [smem:$0x3F8E]  }
0x28: {  	s2 =	sld [smem:$0x3F8F]  }
0x29: {  	s4 =	sld [smem:$0x3F91]  }
0x2a: {  	p0 =	seq.s32 s5, $0x0;
	s5 =	sld [smem:$0x3F92]  }
0x2b: {  	s6 =	sld [smem:$0x3F93]  }
0x2c: {  	s7 =	sld [smem:$0x3F94]  }
0x2d: {  	s3 =	simm.s32 $0x108;
	s8 =	sld [smem:$0x3F95]  }
0x2e: {  	s3 =	simm.s32 @!p0 $0x1082;
	s9 =	sld [smem:$0x3F96]  }
0x2f: {  	lr =	sadd.s32 s0, s3;
	s0 =	sld [smem:$0x3F8D]  }
0x30: {  	s3 =	sld [smem:$0x3F90]  }
0x31: {  	[smem:$0x3F99] =	sst s10  }
0x32: {  	s10 =	sld [smem:$0x3F97];
	_ =	sdelay $0x3  }
0x33: {  	p0 =	seq.s32 s10, $0x1;
	s10 =	sld [smem:$0x3F99];
	_ =	sdelay $0x3  }
0x34: {  	[smem:$0x3F99] =	sst s10  }
0x35: {  	s10 =	sld [smem:$0x3F98];
	_ =	sdelay $0x3  }
0x36: {  	p1 =	seq.s32 s10, $0x1;
	s10 =	sld [smem:$0x3F99];
	_ =	sdelay $0x3  }
0x37: {  	[smem:$0x3F99] =	sst s10  }
0x38: {  	s10 =	sld [smem:$0x3F9A]  }
0x39: {  	_ = 	snop;
	(pc) =	sbr.ind lr, $3  }
0x3a: {  	_ = 	snop  }
0x3b: {  	_ = 	snop  }
0x3c: {  	p2 =	seq.s32 s10, $0x1;
	s10 =	sld [smem:$0x3F99]  }
0x3d: {  	_ =	shalt  }
0x3e: {  	_ =	shalt  }
0x3f: {  	_ =	shalt  }
0x40: {  	_ =	shalt  }
0x41: {  	_ =	shalt  }
0x42: {  	_ =	shalt  }
0x43: {  	_ =	shalt  }
0x44: {  	_ =	shalt  }
0x45: {  	_ =	shalt  }
0x46: {  	_ =	shalt  }
0x47: {  	_ =	shalt  }
0x48: {  	_ =	shalt  }
0x49: {  	_ =	shalt  }
0x4a: {  	_ =	shalt  }
0x4b: {  	_ =	shalt  }
0x4c: {  	_ =	shalt  }
0x4d: {  	_ =	shalt  }
0x4e: {  	_ =	shalt  }
0x4f: {  	_ =	shalt  }
0x50: {  	_ =	shalt  }
0x51: {  	_ =	shalt  }
0x52: {  	_ =	shalt  }
0x53: {  	_ =	shalt  }
0x54: {  	_ =	shalt  }
0x55: {  	_ =	shalt  }
0x56: {  	_ =	shalt  }
0x57: {  	_ =	shalt  }
0x58: {  	_ =	shalt  }
0x59: {  	_ =	shalt  }
0x5a: {  	_ =	shalt  }
0x5b: {  	_ =	shalt  }
0x5c: {  	_ =	shalt  }
0x5d: {  	_ =	shalt  }
0x5e: {  	_ =	shalt  }
0x5f: {  	_ =	shalt  }
0x60: {  	_ =	shalt  }
0x61: {  	_ =	shalt  }
0x62: {  	_ =	shalt  }
0x63: {  	_ =	shalt  }
0x64: {  	_ =	shalt  }
0x65: {  	_ =	shalt  }
0x66: {  	_ =	shalt  }
0x67: {  	_ =	shalt  }
0x68: {  	_ =	shalt  }
0x69: {  	_ =	shalt  }
0x6a: {  	_ =	shalt  }
0x6b: {  	_ =	shalt  }
0x6c: {  	_ =	shalt  }
0x6d: {  	_ =	shalt  }
0x6e: {  	_ =	shalt  }
0x6f: {  	_ =	shalt  }
0x70: {  	_ =	shalt  }
0x71: {  	_ =	shalt  }
0x72: {  	_ =	shalt  }
0x73: {  	_ =	shalt  }
0x74: {  	_ =	shalt  }
0x75: {  	_ =	shalt  }
0x76: {  	_ =	shalt  }
0x77: {  	_ =	shalt  }
0x78: {  	_ =	shalt  }
0x79: {  	_ =	shalt  }
0x7a: {  	_ =	shalt  }
0x7b: {  	_ =	shalt  }
0x7c: {  	_ =	shalt  }
0x7d: {  	_ =	shalt  }
0x7e: {  	_ =	shalt  }
0x7f: {  	_ =	shalt  }
0x80: {  	_ =	shalt  }
0x81: {  	_ =	shalt  }
0x82: {  	_ =	shalt  }
0x83: {  	_ =	shalt  }
0x84: {  	_ =	shalt  }
0x85: {  	_ =	shalt  }
0x86: {  	_ =	shalt  }
0x87: {  	_ =	shalt  }
.Lfunc_end0:
.L_simem_size_0:
called_computation.6_lowered:
.L_overlay_start_0:
0x88: {  	s2 =	sld [smem:$0x3FD9]  }
0x89: {  	s3 =	sld [smem:$0x3FFE];
	_ =	sdelay $0x1  }
0x8a: {  	s1 =	srdreg.scid  }
0x8b: {  	s0 =	sand.u32 $0x1, s1  }
0x8c: {  	s17 =	sshll.u32 s0, $0xA;
	s2 =	sadd.s32 s3, s2  }
0x8d: {  	s2 =	sadd.s32 s2, s17  }
0x8e: {  	[smem:$0x3FA5] =	sst s2  }
0x8f: {  	_ = 	snop  }
0x90: {  	(tm) =	ssettm $0x1  }
0x91: {  	s18 =	sld [smem:$0x3FFB];
	_ =	sdelay $0x3  }
0x92: {  	_ =	strace s18  }
0x93: {  	s2 =	sld [smem:$0x3FFC];
	_ =	sdelay $0x3  }
0x94: {  	_ =	strace s2  }
0x95: {  	s2 =	sld [smem:$0x3FFD];
	_ =	sdelay $0x3  }
0x96: {  	_ =	strace s2  }
0x97: {  	_ =	strace $0x8FFFFFFF  }
0x98: {  	s19 =	sld [smem:$0x3FDB];
	_ =	sdelay $0x1  }
0x99: {  	s20 =	simm.s32 $_scs_section_size  }
0x9a: {  	s4 =	simm.s32 $_size__tile_overlayer_lowered;
	s5 =	simm.s32 $_tile_overlayer_lowered  }
0x9b: {  	s6 =	simm.s32 $0x1BFF;
	s21 =	sshll.u32 s5, $0x1;
	s3 =	sadd.s32 s20, s19  }
0x9c: {  	s22 =	simm.s32 $0x0;
	s4 =	sshll.u32 s4, $0x1;
	s5 =	sadd.s32 s21, s3  }
0x9d: {  	[timem:s22], [sflag:s6] =	dma.local [hbm:s5], s4  }
0x9e: {  	_ =	swait.ge [sflag:s6], s4  }
0x9f: {  	s4 =	ssub.s32 $0x0, s4;
	[sflag:s6] =	ssyncset.done $0x0  }
0xa0: {  	[sflag:s6] =	ssyncadd.s32 s4;
	_ =	sdelay $0x1  }
0xa1: {  	s23 =	simm.s32 $0x1B8B  }
0xa2: {  	_ =	swait.ge [sflag:s23], $0x1  }
0xa3: {  	[sflag:s23] =	ssyncset.done $0x0  }
0xa4: {  	[sflag:s23] =	ssyncadd.s32 $0xFFFFFFFF  }
0xa5: {  	s4 =	sld [smem:$0x0]  }
0xa6: {  	s5 =	sand.u32 $0xFFFFFFFE, s1  }
0xa7: {  	p0 =	sne.s32 s1, s5  }
0xa8: {  	s5 =	sshll.u32 @p0 s5, $0xE  }
0xa9: {  	s5 =	sadd.s32 @p0 $0x11B8D, s5;
	s6 =	sshll.u32 @p0 s4, $0x11  }
0xaa: {  	s5 =	sor.u32 @p0 s6, s5  }
0xab: {  	[sflag:s5] =	ssyncadd.remote.s32 @p0 $0x1;
	_ =	sdelay $0x1  }
0xac: {  	s5 =	simm.s32 @p0 $0x1B8D  }
0xad: {  	_ =	swait.eq @p0 [sflag:s5], $0x1  }
0xae: {  	[sflag:s5] =	ssyncadd.s32 @p0 $0xFFFFFFFF  }
0xaf: {  	s6 =	sshll.u32 @!p0 s1, $0xE  }
0xb0: {  	s6 =	sor.u32 @!p0 $0x4000, s6;
	s5 =	simm.s32 @!p0 $0x1B8D  }
0xb1: {  	s4 =	sshll.u32 @!p0 s4, $0x11;
	s6 =	sadd.s32 @!p0 $0x11B8D, s6;
	_ =	swait.eq @!p0 [sflag:s5], $0x1  }
0xb2: {  	s4 =	sor.u32 @!p0 s4, s6;
	[sflag:s5] =	ssyncadd.s32 @!p0 $0xFFFFFFFF  }
0xb3: {  	s25 =	simm.s32 $0x1B8E;
	s24 =	sld [smem:$0x3FFE];
	[sflag:s4] =	ssyncadd.remote.s32 @!p0 $0x1  }
0xb4: {  	s26 =	simm.s32 $execute0_lowered;
	[smem:$0x3FD2] =	sst s25  }
0xb5: {  	s5 =	sshll.u32 s26, $0x1;
	_ =	strace $0x8000005B;
	[dreg:$0x1] =	wrdreg $0xFFFFFFFF  }
0xb6: {  	s28 =	simm.s32 $_size_execute0_lowered;
	s3 =	sadd.s32 s3, s5;
	[dreg:$0x0] =	wrdreg $0x0  }
0xb7: {  	s5 =	sshll.u32 s28, $0x1;
	[dreg:$0x2] =	wrdreg s3  }
0xb8: {  	[dreg:$0x3] =	wrdreg s5  }
0xb9: {  	[dreg:$0x4] =	wrdreg $0xC0  }
0xba: {  	_ =	task [dreg:s22], $0x5FFFF  }
0xbb: {  	[dreg:$0x1] =	wrdreg $0xFFFFFFFF  }
0xbc: {  	[dreg:$0x0] =	wrdreg $0x60  }
0xbd: {  	[dreg:$0x2] =	wrdreg s24  }
0xbe: {  	[dreg:$0x3] =	wrdreg $0x9  }
0xbf: {  	_ =	task.clear_ibuf [dreg:s22], $0x4FFFF;
	_ =	strace $0x9000005B  }
0xc0: {  	s29 =	simm.s32 $0x9;
	_ =	strace $0x8000005D  }
0xc1: {  	_ =	swait.ge [sflag:s29], $0x1  }
0xc2: {  	[sflag:s29] =	ssyncadd.s32 $0xFFFFFFFF  }
0xc3: {  	_ =	strace $0x9000005D  }
0xc4: {  	_ =	sfence  }
0xc5: {  	s30 =	sld [smem:$0x0];
	_ =	sdelay $0x2  }
0xc6: {  	s31 =	sshll.u32 s1, $0xD;
	s1 =	sshrl.u32 s1, $0x2  }
0xc7: {  	s4 =	sand.u32 $0x4000, s31;
	s1 =	sadd.s32 s1, s30  }
0xc8: {  	s0 =	sor.u32 s4, s0;
	s1 =	sshll.u32 s1, $0x11  }
0xc9: {  	s0 =	sor.u32 s1, s0  }
0xca: {  	s0 =	sadd.s32 $0x8F2B, s0  }
0xcb: {  	[sflag:s0] =	ssyncadd.remote.s32 $0x1  }
0xcc: {  	_ =	sfence.sel $0xFFFF  }
0xcd: {  	[dreg:$0x0] =	wrdreg $0xFFFFFFFF;
	(pc) =	sbr.abs _section_cstart, $3  }
0xce: {  	[dreg:$0x1] =	wrdreg $0xFFFFFFFF  }
0xcf: {  	_ =	task.clear_ibuf [dreg:s22], $0x2FFFF;
	_ =	strace $0x9FFFFFFF  }
0xd0: {  	(tm) =	ssettm $0x7FFFFFFF  }
0xd1: {  	_ =	shalt  }
tec
execute0_lowered:
.L_overlay_start_1:
0x0: {  	(tag) =	ssettag $0x1  }
0x1: {  	s4 =	rddreg [dreg:$0x0]  }
0x2: {  	s0 =	rddreg [dreg:$0x1]  }
0x3: {  	s3 =	srdreg.scid;
	s1 =	stileid.u32;
	s2 =	simm.s32 $0x0  }
0x4: {  	s10 =	simm.s32 $0x1;
	s11 =	simm.s32 $0x0;
	s6 =	smul.u32 $0x2710, s1  }
0x5: {  	s5 =	sand.u32 $0x1, s3;
	[smem:$0x7FF] =	sst s2;
	s8 =	smul.u32 $0x27100, s1  }
0x6: {  	s3 =	sadd.s32 $0x13800, s4;
	s7 =	smul.u32 $0x1388, s5;
	s9 =	ssub.s32 $0x2, s5  }
0x7: {  	_ =	strace $0x8000005C;
	s5 =	smul.u32 $0x13880, s5;
	s31 =	sshrl.u32 s9, $0x1  }
0x8: {  	s30 =	sadd.s32 s8, s4;
	s6 =	sadd.s32 s7, s6;
	s8 =	ssub.s32 s9, s31  }
0x9: {  	s5 =	sadd.s32 s5, s30;
	s7 =	simm.s32 $0x2;
	s6 =	sshrl.u32 s6, $0x3  }
0xa: {  	s9 =	simm.s32 $0x100;
	s5 =	sadd.s32 $0x78DC00, s5;
	s6 =	sadd.s32 s6, s4  }
0xb: {  	s4 =	smax.u32 s8, $0x1;
	s8 =	simm.s32 $0xC8;
	s6 =	sadd.s32 $0xE800, s6  }
.LBB2_1:
0xc: {  	s12 =	sadd.s32 $0x0, s6  }
0xd: {  	[tilespmem:s2], [sflag:$0x2] =	stream.linear.gather [hbm4b:s12+s2], $0xC8, $0x38;
	[tilespmem:$0x6500] =	vst v63  }
0xe: {  	_ =	swait.ge [sflag:s7], $0xC8  }
0xf: {  	[sflag:s7] =	ssyncset.done $0x0  }
0x10: {  	[sflag:s7] =	ssyncadd.s32 $0xFFFFFF38  }
0x11: {  	[tilespmem:s9], [sflag:$0x1] =	stream.indirect.gather [hbm4b:s3+s8], $0x80, s2, s8, $0xb8;
	[tilespmem:$0x6500] =	vst v63  }
0x12: {  	_ =	swait.ge [sflag:s10], $0x6400  }
0x13: {  	[sflag:s10] =	ssyncset.done $0x0  }
0x14: {  	[sflag:s10] =	ssyncadd.s32 $0xFFFF9C00  }
0x15: {  	[hbm4b:s5+s2] =	stream.linear.scatter [tilespmem:s9], [sflag:$0x2], $0x6400, $0x38;
	[tilespmem:$0x6500] =	vst v63  }
0x16: {  	s13 =	simm.s32 $0x19;
	_ =	swait.ge [sflag:s7], $0x6400  }
0x17: {  	s14 =	simm.s32 $0x32;
	s12 =	sadd.s32 $0xC80, s5;
	[sflag:s7] =	ssyncset.done $0x0  }
.LBB2_2:
0x18: {  	s15 =	sadd.s32 s13, s6  }
0x19: {  	[sflag:s7] =	ssyncadd.s32 $0xFFFF9C00;
	s13 =	smov.u32 s14;
	s16 =	sadd.s32 $0x19, s14  }
0x1a: {  	[tilespmem:s2], [sflag:$0x2] =	stream.linear.gather [hbm4b:s15+s2], $0xC8, $0x38;
	[tilespmem:$0x6500] =	vst v63  }
0x1b: {  	p0 =	sne.s32 s14, $0x258;
	_ =	swait.ge [sflag:s7], $0xC8  }
0x1c: {  	[sflag:s7] =	ssyncset.done $0x0  }
0x1d: {  	[sflag:s7] =	ssyncadd.s32 $0xFFFFFF38  }
0x1e: {  	[tilespmem:s9], [sflag:$0x1] =	stream.indirect.gather [hbm4b:s3+s8], $0x80, s2, s8, $0xb8;
	[tilespmem:$0x6500] =	vst v63  }
0x1f: {  	_ =	swait.ge [sflag:s10], $0x6400  }
.Ltmp0:
0x20: {  	[sflag:s10] =	ssyncset.done $0x0;
	(pc) =	sbr.rel @p0 .LBB2_2-.Ltmp0, $4  }
0x21: {  	[sflag:s10] =	ssyncadd.s32 $0xFFFF9C00  }
0x22: {  	[hbm4b:s12+s2] =	stream.linear.scatter [tilespmem:s9], [sflag:$0x2], $0x6400, $0x38;
	[tilespmem:$0x6500] =	vst v63  }
0x23: {  	_ =	swait.ge [sflag:s7], $0x6400  }
0x24: {  	s14 =	smov.u32 s16;
	s12 =	sadd.s32 $0xC80, s12;
	[sflag:s7] =	ssyncset.done $0x0  }
0x25: {  	s13 =	sadd.s32 s13, s6;
	[sflag:s7] =	ssyncadd.s32 $0xFFFF9C00  }
0x26: {  	[tilespmem:s2], [sflag:$0x2] =	stream.linear.gather [hbm4b:s13+s2], $0xC8, $0x38;
	[tilespmem:$0x6500] =	vst v63  }
0x27: {  	_ =	swait.ge [sflag:s7], $0xC8  }
0x28: {  	[sflag:s7] =	ssyncset.done $0x0  }
0x29: {  	[sflag:s7] =	ssyncadd.s32 $0xFFFFFF38  }
0x2a: {  	[tilespmem:s9], [sflag:$0x1] =	stream.indirect.gather [hbm4b:s3+s8], $0x80, s2, s8, $0xb8;
	[tilespmem:$0x6500] =	vst v63  }
0x2b: {  	s11 =	sadd.s32 $0x1, s11;
	_ =	swait.ge [sflag:s10], $0x6400  }
0x2c: {  	p0 =	sne.s32 s11, s4;
	[sflag:s10] =	ssyncset.done $0x0  }
.Ltmp1:
0x2d: {  	[sflag:s10] =	ssyncadd.s32 $0xFFFF9C00;
	(pc) =	sbr.rel @p0 .LBB2_1-.Ltmp1, $4  }
0x2e: {  	[hbm4b:s12+s2] =	stream.linear.scatter [tilespmem:s9], [sflag:$0x2], $0x6400, $0x38;
	[tilespmem:$0x6500] =	vst v63  }
0x2f: {  	_ =	swait.ge [sflag:s7], $0x6400  }
0x30: {  	[sflag:s7] =	ssyncset.done $0x0  }
0x31: {  	[sflag:s7] =	ssyncadd.s32 $0xFFFF9C00  }
0x32: {  	_ =	sfence.sel $0x180000  }
0x33: {  	[bflag:$0x0] =	sbarrier.arrive $0xFFFF  }
0x34: {  	p0 =	sne.s32 s1, $0x0;
	_ =	strace $0x9000005C  }
0x35: {  	s0 =	sadd.s32 @!p0 $0x100000, s0;
	[bflag:$0x2] =	sbarrier.arrive $0xFFFF  }
0x36: {  	[sflag:s0] =	ssyncadd.tile.s32 @!p0 $0x1;
	_ =	shalt  }
.Lfunc_end2:
_tile_overlayer_lowered:
.L_overlay_start_2:
0x37: {  	(tag) =	ssettag $0x2  }
0x38: {  	s0 =	rddreg [dreg:$0x0];
	s2 =	stileid.u32  }
0x39: {  	s1 =	rddreg [dreg:$0x1];
	p0 =	sne.s32 s2, $0x0  }
0x3a: {  	s3 =	rddreg [dreg:$0x2];
	[bflag:$0x3] =	sbarrier.arrive $0xFFFF;
	s2 =	simm.s32 @!p0 $0x1C02  }
0x3b: {  	[timem:s3], [sflag:s2] =	dma.local @!p0 [hbm:s0], s1  }
0x3c: {  	s0 =	simm.s32 @!p0 $0x2  }
0x3d: {  	_ =	swait.ge @!p0 [sflag:s0], s1  }
0x3e: {  	s1 =	ssub.s32 @!p0 $0x0, s1;
	[sflag:s0] =	ssyncset.done @!p0 $0x0  }
0x3f: {  	[sflag:s0] =	ssyncadd.s32 @!p0 s1  }
0x40: {  	[bflag:$0x3] =	sbarrier.arrive $0xFFFF  }
0x41: {  	_ =	shalt  }

// kernel: kernel.42.cloned.1.call-start
scs
__scs_entry_jumppad:
0x0: {  	(pc) =	sbr.rel $0x88, $3  }
0x1: {  	(tag) =	ssettag $0x0;
	lr =	simm.s32 $0x1  }
0x2: {  	[smem:$0x3F7E] =	sst lr;
	_ =	strace $0xD0000000  }
0x3: {  	_ = 	snop  }
0x4: {  	_ = 	snop  }
0x5: {  	_ = 	snop  }
0x6: {  	_ = 	snop  }
0x7: {  	_ = 	snop  }
__scs_overlays_trampoline_lowered:
0x8: {  	[smem:$0x3F8D] =	sst s0  }
0x9: {  	[smem:$0x3F8E] =	sst s1  }
0xa: {  	[smem:$0x3F8F] =	sst s2  }
0xb: {  	[smem:$0x3F90] =	sst s3  }
0xc: {  	[smem:$0x3F91] =	sst s4  }
0xd: {  	[smem:$0x3F92] =	sst s5  }
0xe: {  	[smem:$0x3F93] =	sst s6  }
0xf: {  	[smem:$0x3F94] =	sst s7  }
0x10: {  	[smem:$0x3F95] =	sst s8  }
0x11: {  	[smem:$0x3F96] =	sst s9;
	s0 =	simm.s32 @!p0 $0x0  }
0x12: {  	s1 =	sld [smem:$0x3F7C];
	s0 =	simm.s32 @p0 $0x1  }
0x13: {  	[smem:$0x3F97] =	sst s0;
	s0 =	simm.s32 @!p1 $0x0  }
0x14: {  	s2 =	sld [smem:$0x3F7B];
	s0 =	simm.s32 @p1 $0x1  }
0x15: {  	[smem:$0x3F98] =	sst s0;
	s0 =	simm.s32 @!p2 $0x0  }
0x16: {  	s3 =	sld [smem:$0x3FDB];
	s0 =	simm.s32 @p2 $0x1  }
0x17: {  	s4 =	simm.s32 $0x1BF5;
	[smem:$0x3F9A] =	sst s0  }
0x18: {  	s0 =	sld [smem:$0x3F7D];
	_ =	swait.ge [sflag:s4], $0x0  }
0x19: {  	s7 =	sld [smem:$0x3F7E]  }
0x1a: {  	s8 =	sadd.s32 $0xFFFFE003, lr  }
0x1b: {  	s9 =	sadd.s32 $0xFFFFFEF7, lr;
	s5 =	simm.s32 $0xFFFFFFFF;
	p2 =	slt.u32 s8, $0xFFFFF086  }
0x1c: {  	p1 =	slt.u32 s9, $0xF7A;
	s5 =	simm.s32 @!p2 $0x0  }
0x1d: {  	s5 =	simm.s32 @p1 $0x1;
	p0 =	seq.s32 s7, s2  }
0x1e: {  	s7 =	smul.u32 @!p0 $0xF7A, s2;
	p2 =	seq.s32 @!p0 s5, $0x0  }
0x1f: {  	s9 =	smul.u32 $0xF7A, s1;
	s8 =	simm.s32 @!p0 $0x1BF5;
	p2 =	por !p2, p0  }
0x20: {  	[sflag:s8] =	ssyncset.s32 @!p0 $0xFFFFF086;
	s6 =	sadd.s32 @!p0 s3, s7;
	s7 =	simm.s32 @!p0 $0x108  }
0x21: {  	s3 =	sadd.s32 s3, s9;
	s6 =	sadd.s32 @!p0 $0x88, s6;
	s7 =	simm.s32 @p2 $0x1082  }
0x22: {  	[simem:s7], [sflag:s8] =	dma.local @!p0 [hbm:s6], $0xF7A  }
0x23: {  	s9 =	sor.u32 $0xD0000000, s2;
	s6 =	simm.s32 $0x108;
	_ =	swait.ge @!p0 [sflag:s8], $0x0  }
0x24: {  	s3 =	sadd.s32 $0x88, s3;
	s6 =	simm.s32 @!p1 $0x1082;
	[sflag:s4] =	ssyncset.s32 $0xFFFFF086  }
0x25: {  	[simem:s6], [sflag:s4] =	dma.local [hbm:s3], $0xF7A  }
0x26: {  	[smem:$0x3F7E] =	sst s1;
	(tag) =	ssettag s2;
	_ =	strace s9  }
0x27: {  	s1 =	sld [smem:$0x3F8E]  }
0x28: {  	s2 =	sld [smem:$0x3F8F]  }
0x29: {  	s4 =	sld [smem:$0x3F91]  }
0x2a: {  	p0 =	seq.s32 s5, $0x0;
	s5 =	sld [smem:$0x3F92]  }
0x2b: {  	s6 =	sld [smem:$0x3F93]  }
0x2c: {  	s7 =	sld [smem:$0x3F94]  }
0x2d: {  	s3 =	simm.s32 $0x108;
	s8 =	sld [smem:$0x3F95]  }
0x2e: {  	s3 =	simm.s32 @!p0 $0x1082;
	s9 =	sld [smem:$0x3F96]  }
0x2f: {  	lr =	sadd.s32 s0, s3;
	s0 =	sld [smem:$0x3F8D]  }
0x30: {  	s3 =	sld [smem:$0x3F90]  }
0x31: {  	[smem:$0x3F99] =	sst s10  }
0x32: {  	s10 =	sld [smem:$0x3F97];
	_ =	sdelay $0x3  }
0x33: {  	p0 =	seq.s32 s10, $0x1;
	s10 =	sld [smem:$0x3F99];
	_ =	sdelay $0x3  }
0x34: {  	[smem:$0x3F99] =	sst s10  }
0x35: {  	s10 =	sld [smem:$0x3F98];
	_ =	sdelay $0x3  }
0x36: {  	p1 =	seq.s32 s10, $0x1;
	s10 =	sld [smem:$0x3F99];
	_ =	sdelay $0x3  }
0x37: {  	[smem:$0x3F99] =	sst s10  }
0x38: {  	s10 =	sld [smem:$0x3F9A]  }
0x39: {  	_ = 	snop;
	(pc) =	sbr.ind lr, $3  }
0x3a: {  	_ = 	snop  }
0x3b: {  	_ = 	snop  }
0x3c: {  	p2 =	seq.s32 s10, $0x1;
	s10 =	sld [smem:$0x3F99]  }
0x3d: {  	_ =	shalt  }
0x3e: {  	_ =	shalt  }
0x3f: {  	_ =	shalt  }
0x40: {  	_ =	shalt  }
0x41: {  	_ =	shalt  }
0x42: {  	_ =	shalt  }
0x43: {  	_ =	shalt  }
0x44: {  	_ =	shalt  }
0x45: {  	_ =	shalt  }
0x46: {  	_ =	shalt  }
0x47: {  	_ =	shalt  }
0x48: {  	_ =	shalt  }
0x49: {  	_ =	shalt  }
0x4a: {  	_ =	shalt  }
0x4b: {  	_ =	shalt  }
0x4c: {  	_ =	shalt  }
0x4d: {  	_ =	shalt  }
0x4e: {  	_ =	shalt  }
0x4f: {  	_ =	shalt  }
0x50: {  	_ =	shalt  }
0x51: {  	_ =	shalt  }
0x52: {  	_ =	shalt  }
0x53: {  	_ =	shalt  }
0x54: {  	_ =	shalt  }
0x55: {  	_ =	shalt  }
0x56: {  	_ =	shalt  }
0x57: {  	_ =	shalt  }
0x58: {  	_ =	shalt  }
0x59: {  	_ =	shalt  }
0x5a: {  	_ =	shalt  }
0x5b: {  	_ =	shalt  }
0x5c: {  	_ =	shalt  }
0x5d: {  	_ =	shalt  }
0x5e: {  	_ =	shalt  }
0x5f: {  	_ =	shalt  }
0x60: {  	_ =	shalt  }
0x61: {  	_ =	shalt  }
0x62: {  	_ =	shalt  }
0x63: {  	_ =	shalt  }
0x64: {  	_ =	shalt  }
0x65: {  	_ =	shalt  }
0x66: {  	_ =	shalt  }
0x67: {  	_ =	shalt  }
0x68: {  	_ =	shalt  }
0x69: {  	_ =	shalt  }
0x6a: {  	_ =	shalt  }
0x6b: {  	_ =	shalt  }
0x6c: {  	_ =	shalt  }
0x6d: {  	_ =	shalt  }
0x6e: {  	_ =	shalt  }
0x6f: {  	_ =	shalt  }
0x70: {  	_ =	shalt  }
0x71: {  	_ =	shalt  }
0x72: {  	_ =	shalt  }
0x73: {  	_ =	shalt  }
0x74: {  	_ =	shalt  }
0x75: {  	_ =	shalt  }
0x76: {  	_ =	shalt  }
0x77: {  	_ =	shalt  }
0x78: {  	_ =	shalt  }
0x79: {  	_ =	shalt  }
0x7a: {  	_ =	shalt  }
0x7b: {  	_ =	shalt  }
0x7c: {  	_ =	shalt  }
0x7d: {  	_ =	shalt  }
0x7e: {  	_ =	shalt  }
0x7f: {  	_ =	shalt  }
0x80: {  	_ =	shalt  }
0x81: {  	_ =	shalt  }
0x82: {  	_ =	shalt  }
0x83: {  	_ =	shalt  }
0x84: {  	_ =	shalt  }
0x85: {  	_ =	shalt  }
0x86: {  	_ =	shalt  }
0x87: {  	_ =	shalt  }
.Lfunc_end0:
.L_simem_size_0:
called_computation.7_lowered:
.L_overlay_start_0:
0x88: {  	s2 =	sld [smem:$0x3FD9]  }
0x89: {  	s3 =	sld [smem:$0x3FFE];
	_ =	sdelay $0x1  }
0x8a: {  	s1 =	srdreg.scid  }
0x8b: {  	s0 =	sand.u32 $0x1, s1  }
0x8c: {  	s16 =	sshll.u32 s0, $0xA;
	s2 =	sadd.s32 s3, s2  }
0x8d: {  	s2 =	sadd.s32 s2, s16  }
0x8e: {  	[smem:$0x3FA5] =	sst s2  }
0x8f: {  	_ = 	snop  }
0x90: {  	(tm) =	ssettm $0x1  }
0x91: {  	s17 =	sld [smem:$0x3FFB];
	_ =	sdelay $0x3  }
0x92: {  	_ =	strace s17  }
0x93: {  	s2 =	sld [smem:$0x3FFC];
	_ =	sdelay $0x3  }
0x94: {  	_ =	strace s2  }
0x95: {  	s2 =	sld [smem:$0x3FFD];
	_ =	sdelay $0x3  }
0x96: {  	_ =	strace s2  }
0x97: {  	_ =	strace $0x8FFFFFFF  }
0x98: {  	s18 =	sld [smem:$0x3FDB];
	_ =	sdelay $0x1  }
0x99: {  	s19 =	simm.s32 $_scs_section_size  }
0x9a: {  	s4 =	simm.s32 $_size__tile_overlayer_lowered;
	s5 =	simm.s32 $_tile_overlayer_lowered  }
0x9b: {  	s22 =	simm.s32 $0x1BFF;
	s21 =	sshll.u32 s5, $0x1;
	s2 =	sadd.s32 s19, s18  }
0x9c: {  	s6 =	simm.s32 $0x0;
	s20 =	sshll.u32 s4, $0x1;
	s4 =	sadd.s32 s21, s2  }
0x9d: {  	[timem:s6], [sflag:s22] =	dma.local [hbm:s4], s20  }
0x9e: {  	_ =	swait.ge [sflag:s22], s20  }
0x9f: {  	s3 =	ssub.s32 $0x0, s20;
	[sflag:s22] =	ssyncset.done $0x0  }
0xa0: {  	[sflag:s22] =	ssyncadd.s32 s3;
	_ =	sdelay $0x1  }
0xa1: {  	s23 =	simm.s32 $0x1B8B  }
0xa2: {  	_ =	swait.ge [sflag:s23], $0x1  }
0xa3: {  	[sflag:s23] =	ssyncset.done $0x0  }
0xa4: {  	s25 =	simm.s32 $0x1B8E;
	s24 =	sld [smem:$0x3FFE];
	[sflag:s23] =	ssyncadd.s32 $0xFFFFFFFF  }
0xa5: {  	s26 =	simm.s32 $execute0_lowered;
	[smem:$0x3FD2] =	sst s25  }
0xa6: {  	s4 =	sshll.u32 s26, $0x1;
	_ =	strace $0x80000058;
	[dreg:$0x1] =	wrdreg $0xFFFFFFFF  }
0xa7: {  	s28 =	simm.s32 $_size_execute0_lowered;
	s2 =	sadd.s32 s2, s4;
	[dreg:$0x0] =	wrdreg $0x0  }
0xa8: {  	s4 =	sshll.u32 s28, $0x1;
	[dreg:$0x2] =	wrdreg s2  }
0xa9: {  	[dreg:$0x3] =	wrdreg s4  }
0xaa: {  	[dreg:$0x4] =	wrdreg $0xC0  }
0xab: {  	_ =	task [dreg:s6], $0x5FFFF  }
0xac: {  	[dreg:$0x1] =	wrdreg $0xFFFFFFFF  }
0xad: {  	[dreg:$0x0] =	wrdreg $0x60  }
0xae: {  	[dreg:$0x2] =	wrdreg s24  }
0xaf: {  	[dreg:$0x3] =	wrdreg $0xA  }
0xb0: {  	_ =	task.clear_ibuf [dreg:s6], $0x4FFFF;
	_ =	strace $0x90000058  }
0xb1: {  	s29 =	simm.s32 $0xA;
	_ =	strace $0x8000005A  }
0xb2: {  	_ =	swait.ge [sflag:s29], $0x1  }
0xb3: {  	[sflag:s29] =	ssyncadd.s32 $0xFFFFFFFF  }
0xb4: {  	_ =	strace $0x9000005A  }
0xb5: {  	_ =	sfence  }
0xb6: {  	s30 =	sld [smem:$0x0];
	_ =	sdelay $0x2  }
0xb7: {  	s31 =	sshll.u32 s1, $0xD;
	s1 =	sshrl.u32 s1, $0x2  }
0xb8: {  	s3 =	sand.u32 $0x4000, s31;
	s1 =	sadd.s32 s1, s30  }
0xb9: {  	s0 =	sor.u32 s3, s0;
	s1 =	sshll.u32 s1, $0x11  }
0xba: {  	s0 =	sor.u32 s1, s0  }
0xbb: {  	s0 =	sadd.s32 $0x8F2B, s0  }
0xbc: {  	[sflag:s0] =	ssyncadd.remote.s32 $0x1  }
0xbd: {  	_ =	sfence.sel $0xFFFF  }
0xbe: {  	[dreg:$0x0] =	wrdreg $0xFFFFFFFF;
	(pc) =	sbr.abs _section_cstart, $3  }
0xbf: {  	[dreg:$0x1] =	wrdreg $0xFFFFFFFF  }
0xc0: {  	_ =	task.clear_ibuf [dreg:s6], $0x2FFFF;
	_ =	strace $0x9FFFFFFF  }
0xc1: {  	(tm) =	ssettm $0x7FFFFFFF  }
tec
execute0_lowered:
.L_overlay_start_1:
0x0: {  	(tag) =	ssettag $0x1  }
0x1: {  	s4 =	rddreg [dreg:$0x0]  }
0x2: {  	s0 =	rddreg [dreg:$0x1]  }
0x3: {  	s3 =	srdreg.scid;
	s1 =	stileid.u32;
	s2 =	simm.s32 $0x0  }
0x4: {  	s10 =	simm.s32 $0x1;
	s11 =	simm.s32 $0x0;
	s6 =	smul.u32 $0x2710, s1  }
0x5: {  	s5 =	sand.u32 $0x1, s3;
	[smem:$0x7FF] =	sst s2;
	s8 =	smul.u32 $0x27100, s1  }
0x6: {  	s3 =	sadd.s32 $0x13800, s4;
	s7 =	smul.u32 $0x1388, s5;
	s9 =	ssub.s32 $0x2, s5  }
0x7: {  	_ =	strace $0x80000059;
	s5 =	smul.u32 $0x13880, s5;
	s31 =	sshrl.u32 s9, $0x1  }
0x8: {  	s30 =	sadd.s32 s8, s4;
	s6 =	sadd.s32 s7, s6;
	s8 =	ssub.s32 s9, s31  }
0x9: {  	s5 =	sadd.s32 s5, s30;
	s7 =	simm.s32 $0x2;
	s6 =	sshrl.u32 s6, $0x3  }
0xa: {  	s9 =	simm.s32 $0x100;
	s5 =	sadd.s32 $0x51CC00, s5;
	s6 =	sadd.s32 s6, s4  }
0xb: {  	s4 =	smax.u32 s8, $0x1;
	s8 =	simm.s32 $0xC8;
	s6 =	sadd.s32 $0x9800, s6  }
.LBB2_1:
0xc: {  	s12 =	sadd.s32 $0x0, s6  }
0xd: {  	[tilespmem:s2], [sflag:$0x2] =	stream.linear.gather [hbm4b:s12+s2], $0xC8, $0x38;
	[tilespmem:$0x6500] =	vst v63  }
0xe: {  	_ =	swait.ge [sflag:s7], $0xC8  }
0xf: {  	[sflag:s7] =	ssyncset.done $0x0  }
0x10: {  	[sflag:s7] =	ssyncadd.s32 $0xFFFFFF38  }
0x11: {  	[tilespmem:s9], [sflag:$0x1] =	stream.indirect.gather [hbm4b:s3+s8], $0x80, s2, s8, $0xb8;
	[tilespmem:$0x6500] =	vst v63  }
0x12: {  	_ =	swait.ge [sflag:s10], $0x6400  }
0x13: {  	[sflag:s10] =	ssyncset.done $0x0  }
0x14: {  	[sflag:s10] =	ssyncadd.s32 $0xFFFF9C00  }
0x15: {  	[hbm4b:s5+s2] =	stream.linear.scatter [tilespmem:s9], [sflag:$0x2], $0x6400, $0x38;
	[tilespmem:$0x6500] =	vst v63  }
0x16: {  	s13 =	simm.s32 $0x19;
	_ =	swait.ge [sflag:s7], $0x6400  }
0x17: {  	s14 =	simm.s32 $0x32;
	s12 =	sadd.s32 $0xC80, s5;
	[sflag:s7] =	ssyncset.done $0x0  }
.LBB2_2:
0x18: {  	s15 =	sadd.s32 s13, s6  }
0x19: {  	[sflag:s7] =	ssyncadd.s32 $0xFFFF9C00;
	s13 =	smov.u32 s14;
	s16 =	sadd.s32 $0x19, s14  }
0x1a: {  	[tilespmem:s2], [sflag:$0x2] =	stream.linear.gather [hbm4b:s15+s2], $0xC8, $0x38;
	[tilespmem:$0x6500] =	vst v63  }
0x1b: {  	p0 =	sne.s32 s14, $0x258;
	_ =	swait.ge [sflag:s7], $0xC8  }
0x1c: {  	[sflag:s7] =	ssyncset.done $0x0  }
0x1d: {  	[sflag:s7] =	ssyncadd.s32 $0xFFFFFF38  }
0x1e: {  	[tilespmem:s9], [sflag:$0x1] =	stream.indirect.gather [hbm4b:s3+s8], $0x80, s2, s8, $0xb8;
	[tilespmem:$0x6500] =	vst v63  }
0x1f: {  	_ =	swait.ge [sflag:s10], $0x6400  }
.Ltmp0:
0x20: {  	[sflag:s10] =	ssyncset.done $0x0;
	(pc) =	sbr.rel @p0 .LBB2_2-.Ltmp0, $4  }
0x21: {  	[sflag:s10] =	ssyncadd.s32 $0xFFFF9C00  }
0x22: {  	[hbm4b:s12+s2] =	stream.linear.scatter [tilespmem:s9], [sflag:$0x2], $0x6400, $0x38;
	[tilespmem:$0x6500] =	vst v63  }
0x23: {  	_ =	swait.ge [sflag:s7], $0x6400  }
0x24: {  	s14 =	smov.u32 s16;
	s12 =	sadd.s32 $0xC80, s12;
	[sflag:s7] =	ssyncset.done $0x0  }
0x25: {  	s13 =	sadd.s32 s13, s6;
	[sflag:s7] =	ssyncadd.s32 $0xFFFF9C00  }
0x26: {  	[tilespmem:s2], [sflag:$0x2] =	stream.linear.gather [hbm4b:s13+s2], $0xC8, $0x38;
	[tilespmem:$0x6500] =	vst v63  }
0x27: {  	_ =	swait.ge [sflag:s7], $0xC8  }
0x28: {  	[sflag:s7] =	ssyncset.done $0x0  }
0x29: {  	[sflag:s7] =	ssyncadd.s32 $0xFFFFFF38  }
0x2a: {  	[tilespmem:s9], [sflag:$0x1] =	stream.indirect.gather [hbm4b:s3+s8], $0x80, s2, s8, $0xb8;
	[tilespmem:$0x6500] =	vst v63  }
0x2b: {  	s11 =	sadd.s32 $0x1, s11;
	_ =	swait.ge [sflag:s10], $0x6400  }
0x2c: {  	p0 =	sne.s32 s11, s4;
	[sflag:s10] =	ssyncset.done $0x0  }
.Ltmp1:
0x2d: {  	[sflag:s10] =	ssyncadd.s32 $0xFFFF9C00;
	(pc) =	sbr.rel @p0 .LBB2_1-.Ltmp1, $4  }
0x2e: {  	[hbm4b:s12+s2] =	stream.linear.scatter [tilespmem:s9], [sflag:$0x2], $0x6400, $0x38;
	[tilespmem:$0x6500] =	vst v63  }
0x2f: {  	_ =	swait.ge [sflag:s7], $0x6400  }
0x30: {  	[sflag:s7] =	ssyncset.done $0x0  }
0x31: {  	[sflag:s7] =	ssyncadd.s32 $0xFFFF9C00  }
0x32: {  	_ =	sfence.sel $0x180000  }
0x33: {  	[bflag:$0x0] =	sbarrier.arrive $0xFFFF  }
0x34: {  	p0 =	sne.s32 s1, $0x0;
	_ =	strace $0x90000059  }
0x35: {  	s0 =	sadd.s32 @!p0 $0x100000, s0;
	[bflag:$0x2] =	sbarrier.arrive $0xFFFF  }
0x36: {  	[sflag:s0] =	ssyncadd.tile.s32 @!p0 $0x1;
	_ =	shalt  }
.Lfunc_end2:
_tile_overlayer_lowered:
.L_overlay_start_2:
0x37: {  	(tag) =	ssettag $0x2  }
0x38: {  	s0 =	rddreg [dreg:$0x0];
	s2 =	stileid.u32  }
0x39: {  	s1 =	rddreg [dreg:$0x1];
	p0 =	sne.s32 s2, $0x0  }
0x3a: {  	s3 =	rddreg [dreg:$0x2];
	[bflag:$0x3] =	sbarrier.arrive $0xFFFF;
	s2 =	simm.s32 @!p0 $0x1C02  }
0x3b: {  	[timem:s3], [sflag:s2] =	dma.local @!p0 [hbm:s0], s1  }
0x3c: {  	s0 =	simm.s32 @!p0 $0x2  }
0x3d: {  	_ =	swait.ge @!p0 [sflag:s0], s1  }
0x3e: {  	s1 =	ssub.s32 @!p0 $0x0, s1;
	[sflag:s0] =	ssyncset.done @!p0 $0x0  }
0x3f: {  	[sflag:s0] =	ssyncadd.s32 @!p0 s1  }
0x40: {  	[bflag:$0x3] =	sbarrier.arrive $0xFFFF  }
0x41: {  	_ =	shalt  }

// kernel: kernel.45.cloned.1.call-start
scs
__scs_entry_jumppad:
0x0: {  	(pc) =	sbr.rel $0x88, $3  }
0x1: {  	(tag) =	ssettag $0x0;
	lr =	simm.s32 $0x1  }
0x2: {  	[smem:$0x3F7E] =	sst lr;
	_ =	strace $0xD0000000  }
0x3: {  	_ = 	snop  }
0x4: {  	_ = 	snop  }
0x5: {  	_ = 	snop  }
0x6: {  	_ = 	snop  }
0x7: {  	_ = 	snop  }
__scs_overlays_trampoline_lowered:
0x8: {  	[smem:$0x3F8D] =	sst s0  }
0x9: {  	[smem:$0x3F8E] =	sst s1  }
0xa: {  	[smem:$0x3F8F] =	sst s2  }
0xb: {  	[smem:$0x3F90] =	sst s3  }
0xc: {  	[smem:$0x3F91] =	sst s4  }
0xd: {  	[smem:$0x3F92] =	sst s5  }
0xe: {  	[smem:$0x3F93] =	sst s6  }
0xf: {  	[smem:$0x3F94] =	sst s7  }
0x10: {  	[smem:$0x3F95] =	sst s8  }
0x11: {  	[smem:$0x3F96] =	sst s9;
	s0 =	simm.s32 @!p0 $0x0  }
0x12: {  	s1 =	sld [smem:$0x3F7C];
	s0 =	simm.s32 @p0 $0x1  }
0x13: {  	[smem:$0x3F97] =	sst s0;
	s0 =	simm.s32 @!p1 $0x0  }
0x14: {  	s2 =	sld [smem:$0x3F7B];
	s0 =	simm.s32 @p1 $0x1  }
0x15: {  	[smem:$0x3F98] =	sst s0;
	s0 =	simm.s32 @!p2 $0x0  }
0x16: {  	s3 =	sld [smem:$0x3FDB];
	s0 =	simm.s32 @p2 $0x1  }
0x17: {  	s4 =	simm.s32 $0x1BF5;
	[smem:$0x3F9A] =	sst s0  }
0x18: {  	s0 =	sld [smem:$0x3F7D];
	_ =	swait.ge [sflag:s4], $0x0  }
0x19: {  	s7 =	sld [smem:$0x3F7E]  }
0x1a: {  	s8 =	sadd.s32 $0xFFFFE003, lr  }
0x1b: {  	s9 =	sadd.s32 $0xFFFFFEF7, lr;
	s5 =	simm.s32 $0xFFFFFFFF;
	p2 =	slt.u32 s8, $0xFFFFF086  }
0x1c: {  	p1 =	slt.u32 s9, $0xF7A;
	s5 =	simm.s32 @!p2 $0x0  }
0x1d: {  	s5 =	simm.s32 @p1 $0x1;
	p0 =	seq.s32 s7, s2  }
0x1e: {  	s7 =	smul.u32 @!p0 $0xF7A, s2;
	p2 =	seq.s32 @!p0 s5, $0x0  }
0x1f: {  	s9 =	smul.u32 $0xF7A, s1;
	s8 =	simm.s32 @!p0 $0x1BF5;
	p2 =	por !p2, p0  }
0x20: {  	[sflag:s8] =	ssyncset.s32 @!p0 $0xFFFFF086;
	s6 =	sadd.s32 @!p0 s3, s7;
	s7 =	simm.s32 @!p0 $0x108  }
0x21: {  	s3 =	sadd.s32 s3, s9;
	s6 =	sadd.s32 @!p0 $0x88, s6;
	s7 =	simm.s32 @p2 $0x1082  }
0x22: {  	[simem:s7], [sflag:s8] =	dma.local @!p0 [hbm:s6], $0xF7A  }
0x23: {  	s9 =	sor.u32 $0xD0000000, s2;
	s6 =	simm.s32 $0x108;
	_ =	swait.ge @!p0 [sflag:s8], $0x0  }
0x24: {  	s3 =	sadd.s32 $0x88, s3;
	s6 =	simm.s32 @!p1 $0x1082;
	[sflag:s4] =	ssyncset.s32 $0xFFFFF086  }
0x25: {  	[simem:s6], [sflag:s4] =	dma.local [hbm:s3], $0xF7A  }
0x26: {  	[smem:$0x3F7E] =	sst s1;
	(tag) =	ssettag s2;
	_ =	strace s9  }
0x27: {  	s1 =	sld [smem:$0x3F8E]  }
0x28: {  	s2 =	sld [smem:$0x3F8F]  }
0x29: {  	s4 =	sld [smem:$0x3F91]  }
0x2a: {  	p0 =	seq.s32 s5, $0x0;
	s5 =	sld [smem:$0x3F92]  }
0x2b: {  	s6 =	sld [smem:$0x3F93]  }
0x2c: {  	s7 =	sld [smem:$0x3F94]  }
0x2d: {  	s3 =	simm.s32 $0x108;
	s8 =	sld [smem:$0x3F95]  }
0x2e: {  	s3 =	simm.s32 @!p0 $0x1082;
	s9 =	sld [smem:$0x3F96]  }
0x2f: {  	lr =	sadd.s32 s0, s3;
	s0 =	sld [smem:$0x3F8D]  }
0x30: {  	s3 =	sld [smem:$0x3F90]  }
0x31: {  	[smem:$0x3F99] =	sst s10  }
0x32: {  	s10 =	sld [smem:$0x3F97];
	_ =	sdelay $0x3  }
0x33: {  	p0 =	seq.s32 s10, $0x1;
	s10 =	sld [smem:$0x3F99];
	_ =	sdelay $0x3  }
0x34: {  	[smem:$0x3F99] =	sst s10  }
0x35: {  	s10 =	sld [smem:$0x3F98];
	_ =	sdelay $0x3  }
0x36: {  	p1 =	seq.s32 s10, $0x1;
	s10 =	sld [smem:$0x3F99];
	_ =	sdelay $0x3  }
0x37: {  	[smem:$0x3F99] =	sst s10  }
0x38: {  	s10 =	sld [smem:$0x3F9A]  }
0x39: {  	_ = 	snop;
	(pc) =	sbr.ind lr, $3  }
0x3a: {  	_ = 	snop  }
0x3b: {  	_ = 	snop  }
0x3c: {  	p2 =	seq.s32 s10, $0x1;
	s10 =	sld [smem:$0x3F99]  }
0x3d: {  	_ =	shalt  }
0x3e: {  	_ =	shalt  }
0x3f: {  	_ =	shalt  }
0x40: {  	_ =	shalt  }
0x41: {  	_ =	shalt  }
0x42: {  	_ =	shalt  }
0x43: {  	_ =	shalt  }
0x44: {  	_ =	shalt  }
0x45: {  	_ =	shalt  }
0x46: {  	_ =	shalt  }
0x47: {  	_ =	shalt  }
0x48: {  	_ =	shalt  }
0x49: {  	_ =	shalt  }
0x4a: {  	_ =	shalt  }
0x4b: {  	_ =	shalt  }
0x4c: {  	_ =	shalt  }
0x4d: {  	_ =	shalt  }
0x4e: {  	_ =	shalt  }
0x4f: {  	_ =	shalt  }
0x50: {  	_ =	shalt  }
0x51: {  	_ =	shalt  }
0x52: {  	_ =	shalt  }
0x53: {  	_ =	shalt  }
0x54: {  	_ =	shalt  }
0x55: {  	_ =	shalt  }
0x56: {  	_ =	shalt  }
0x57: {  	_ =	shalt  }
0x58: {  	_ =	shalt  }
0x59: {  	_ =	shalt  }
0x5a: {  	_ =	shalt  }
0x5b: {  	_ =	shalt  }
0x5c: {  	_ =	shalt  }
0x5d: {  	_ =	shalt  }
0x5e: {  	_ =	shalt  }
0x5f: {  	_ =	shalt  }
0x60: {  	_ =	shalt  }
0x61: {  	_ =	shalt  }
0x62: {  	_ =	shalt  }
0x63: {  	_ =	shalt  }
0x64: {  	_ =	shalt  }
0x65: {  	_ =	shalt  }
0x66: {  	_ =	shalt  }
0x67: {  	_ =	shalt  }
0x68: {  	_ =	shalt  }
0x69: {  	_ =	shalt  }
0x6a: {  	_ =	shalt  }
0x6b: {  	_ =	shalt  }
0x6c: {  	_ =	shalt  }
0x6d: {  	_ =	shalt  }
0x6e: {  	_ =	shalt  }
0x6f: {  	_ =	shalt  }
0x70: {  	_ =	shalt  }
0x71: {  	_ =	shalt  }
0x72: {  	_ =	shalt  }
0x73: {  	_ =	shalt  }
0x74: {  	_ =	shalt  }
0x75: {  	_ =	shalt  }
0x76: {  	_ =	shalt  }
0x77: {  	_ =	shalt  }
0x78: {  	_ =	shalt  }
0x79: {  	_ =	shalt  }
0x7a: {  	_ =	shalt  }
0x7b: {  	_ =	shalt  }
0x7c: {  	_ =	shalt  }
0x7d: {  	_ =	shalt  }
0x7e: {  	_ =	shalt  }
0x7f: {  	_ =	shalt  }
0x80: {  	_ =	shalt  }
0x81: {  	_ =	shalt  }
0x82: {  	_ =	shalt  }
0x83: {  	_ =	shalt  }
0x84: {  	_ =	shalt  }
0x85: {  	_ =	shalt  }
0x86: {  	_ =	shalt  }
0x87: {  	_ =	shalt  }
.Lfunc_end0:
.L_simem_size_0:
called_computation.8_lowered:
.L_overlay_start_0:
0x88: {  	s2 =	sld [smem:$0x3FD9]  }
0x89: {  	s3 =	sld [smem:$0x3FFE];
	_ =	sdelay $0x1  }
0x8a: {  	s1 =	srdreg.scid  }
0x8b: {  	s0 =	sand.u32 $0x1, s1  }
0x8c: {  	s16 =	sshll.u32 s0, $0xA;
	s2 =	sadd.s32 s3, s2  }
0x8d: {  	s2 =	sadd.s32 s2, s16  }
0x8e: {  	[smem:$0x3FA5] =	sst s2  }
0x8f: {  	_ = 	snop  }
0x90: {  	(tm) =	ssettm $0x1  }
0x91: {  	s17 =	sld [smem:$0x3FFB];
	_ =	sdelay $0x3  }
0x92: {  	_ =	strace s17  }
0x93: {  	s2 =	sld [smem:$0x3FFC];
	_ =	sdelay $0x3  }
0x94: {  	_ =	strace s2  }
0x95: {  	s2 =	sld [smem:$0x3FFD];
	_ =	sdelay $0x3  }
0x96: {  	_ =	strace s2  }
0x97: {  	_ =	strace $0x8FFFFFFF  }
0x98: {  	s18 =	sld [smem:$0x3FDB];
	_ =	sdelay $0x1  }
0x99: {  	s19 =	simm.s32 $_scs_section_size  }
0x9a: {  	s4 =	simm.s32 $_size__tile_overlayer_lowered;
	s5 =	simm.s32 $_tile_overlayer_lowered  }
0x9b: {  	s22 =	simm.s32 $0x1BFF;
	s21 =	sshll.u32 s5, $0x1;
	s2 =	sadd.s32 s19, s18  }
0x9c: {  	s6 =	simm.s32 $0x0;
	s20 =	sshll.u32 s4, $0x1;
	s4 =	sadd.s32 s21, s2  }
0x9d: {  	[timem:s6], [sflag:s22] =	dma.local [hbm:s4], s20  }
0x9e: {  	_ =	swait.ge [sflag:s22], s20  }
0x9f: {  	s3 =	ssub.s32 $0x0, s20;
	[sflag:s22] =	ssyncset.done $0x0  }
0xa0: {  	[sflag:s22] =	ssyncadd.s32 s3;
	_ =	sdelay $0x1  }
0xa1: {  	s23 =	simm.s32 $0x1B8B  }
0xa2: {  	_ =	swait.ge [sflag:s23], $0x1  }
0xa3: {  	[sflag:s23] =	ssyncset.done $0x0  }
0xa4: {  	s25 =	simm.s32 $0x1B8E;
	s24 =	sld [smem:$0x3FFE];
	[sflag:s23] =	ssyncadd.s32 $0xFFFFFFFF  }
0xa5: {  	s26 =	simm.s32 $execute0_lowered;
	[smem:$0x3FD2] =	sst s25  }
0xa6: {  	s4 =	sshll.u32 s26, $0x1;
	_ =	strace $0x8000005E;
	[dreg:$0x1] =	wrdreg $0xFFFFFFFF  }
0xa7: {  	s28 =	simm.s32 $_size_execute0_lowered;
	s2 =	sadd.s32 s2, s4;
	[dreg:$0x0] =	wrdreg $0x0  }
0xa8: {  	s4 =	sshll.u32 s28, $0x1;
	[dreg:$0x2] =	wrdreg s2  }
0xa9: {  	[dreg:$0x3] =	wrdreg s4  }
0xaa: {  	[dreg:$0x4] =	wrdreg $0xC0  }
0xab: {  	_ =	task [dreg:s6], $0x5FFFF  }
0xac: {  	[dreg:$0x1] =	wrdreg $0xFFFFFFFF  }
0xad: {  	[dreg:$0x0] =	wrdreg $0x60  }
0xae: {  	[dreg:$0x2] =	wrdreg s24  }
0xaf: {  	[dreg:$0x3] =	wrdreg $0x65000  }
0xb0: {  	[dreg:$0x4] =	wrdreg $0x9  }
0xb1: {  	_ =	task.clear_ibuf [dreg:s6], $0x5FFFF;
	_ =	strace $0x9000005E  }
0xb2: {  	s29 =	simm.s32 $0x9;
	_ =	strace $0x80000060  }
0xb3: {  	_ =	swait.ge [sflag:s29], $0x1  }
0xb4: {  	[sflag:s29] =	ssyncadd.s32 $0xFFFFFFFF  }
0xb5: {  	_ =	strace $0x90000060  }
0xb6: {  	_ =	sfence  }
0xb7: {  	s30 =	sld [smem:$0x0];
	_ =	sdelay $0x2  }
0xb8: {  	s31 =	sshll.u32 s1, $0xD;
	s1 =	sshrl.u32 s1, $0x2  }
0xb9: {  	s3 =	sand.u32 $0x4000, s31;
	s1 =	sadd.s32 s1, s30  }
0xba: {  	s0 =	sor.u32 s3, s0;
	s1 =	sshll.u32 s1, $0x11  }
0xbb: {  	s0 =	sor.u32 s1, s0  }
0xbc: {  	s0 =	sadd.s32 $0x8F2B, s0  }
0xbd: {  	[sflag:s0] =	ssyncadd.remote.s32 $0x1  }
0xbe: {  	_ =	sfence.sel $0xFFFF  }
0xbf: {  	[dreg:$0x0] =	wrdreg $0xFFFFFFFF;
	(pc) =	sbr.abs _section_cstart, $3  }
0xc0: {  	[dreg:$0x1] =	wrdreg $0xFFFFFFFF  }
0xc1: {  	_ =	task.clear_ibuf [dreg:s6], $0x2FFFF;
	_ =	strace $0x9FFFFFFF  }
0xc2: {  	(tm) =	ssettm $0x7FFFFFFF  }
0xc3: {  	_ =	shalt  }
tec
execute0_lowered:
.L_overlay_start_1:
0x0: {  	(tag) =	ssettag $0x1  }
0x1: {  	s0 =	srdreg.scid  }
0x2: {  	s4 =	rddreg [dreg:$0x0];
	s5 =	sand.u32 $0x1, s0  }
0x3: {  	s0 =	stileid.u32;
	s6 =	smul.u32 $0x13880, s5  }
0x4: {  	s2 =	rddreg [dreg:$0x1];
	s7 =	smul.u32 $0x1388, s0  }
0x5: {  	s1 =	rddreg [dreg:$0x2];
	s3 =	simm.s32 $0x0;
	s8 =	smul.u32 $0x138800, s5  }
0x6: {  	s13 =	simm.s32 $0x1;
	s14 =	simm.s32 $0x2;
	s25 =	smul.u32 $0x2800, s0  }
0x7: {  	s15 =	simm.s32 $0xC8;
	[smem:$0x7FF] =	sst s3;
	s9 =	smul.u32 $0x28000, s5  }
0x8: {  	s16 =	simm.s32 $0x0;
	_ =	strace $0x8000005F;
	s11 =	smul.u32 $0x50000, s0  }
0x9: {  	s5 =	ssub.s32 $0x2, s5;
	s30 =	sshll.u32 s0, $0x6;
	s31 =	smul.u32 $0x13880, s0  }
0xa: {  	s28 =	sshrl.u32 s5, $0x1;
	s6 =	sadd.s32 s7, s6;
	s8 =	sadd.s32 s8, s4  }
0xb: {  	s26 =	sadd.s32 s25, s9;
	s7 =	sadd.s32 s25, s4;
	s9 =	ssub.s32 s5, s28  }
0xc: {  	s29 =	sshrl.u32 s11, $0x2;
	s5 =	sor.u32 $0x1C03, s30;
	s11 =	simm.s32 $0x3  }
0xd: {  	s6 =	sshrl.u32 s6, $0x3;
	s12 =	sadd.s32 s29, s2;
	s8 =	sadd.s32 s31, s8  }
0xe: {  	s10 =	sadd.s32 s6, s4;
	s6 =	sadd.s32 s26, s4;
	s4 =	sadd.s32 $0x3AA00, s7  }
0xf: {  	s7 =	smax.u32 s9, $0x1;
	s8 =	sadd.s32 $0x9FEC00, s8;
	s6 =	sadd.s32 $0x62A00, s6  }
0x10: {  	s9 =	sadd.s32 $0xE800, s10;
	s10 =	sshrl.u32 s12, $0x3;
	s12 =	simm.s32 $0x100  }
.LBB2_1:
0x11: {  	[spmem:s10], [sflag:s5] =	dma.local [hbm:s4], $0x2800  }
0x12: {  	_ =	swait.ge [sflag:s11], $0x2800  }
0x13: {  	[sflag:s11] =	ssyncset.done $0x0  }
0x14: {  	[sflag:s11] =	ssyncadd.s32 $0xFFFFD800  }
0x15: {  	s17 =	sadd.s32 $0x0, s9;
	[bflag:$0x0] =	sbarrier.arrive $0xFFFF  }
0x16: {  	[tilespmem:s3], [sflag:$0x1] =	stream.linear.gather [hbm4b:s17+s3], $0xC8, $0x38;
	[tilespmem:$0x1A500] =	vst v63  }
0x17: {  	_ = 	snop  }
0x18: {  	[tilespmem:s12], [sflag:$0x2] =	stream.linear.gather [hbm4b:s8+s3], $0x6400, $0x38;
	[tilespmem:$0x1A500] =	vst v63  }
0x19: {  	_ =	swait.ge [sflag:s13], $0xC8  }
0x1a: {  	[sflag:s13] =	ssyncset.done $0x0  }
0x1b: {  	[sflag:s13] =	ssyncadd.s32 $0xFFFFFF38  }
0x1c: {  	_ =	swait.ge [sflag:s14], $0x6400  }
0x1d: {  	[sflag:s14] =	ssyncset.done $0x0  }
0x1e: {  	[sflag:s14] =	ssyncadd.s32 $0xFFFF9C00  }
0x1f: {  	[spmem:s2] =	stream.indirect.scatter.add.f32 [tilespmem:s12], [sflag:$0x3], $0x80, s3, s15, $0xb8;
	[tilespmem:$0x1A500] =	vst v63  }
0x20: {  	s18 =	simm.s32 $0x19;
	_ =	swait.ge [sflag:s11], $0x6400  }
0x21: {  	s19 =	simm.s32 $0x32;
	s17 =	sadd.s32 $0xC80, s8;
	[sflag:s11] =	ssyncset.done $0x0  }
.LBB2_2:
0x22: {  	s20 =	sadd.s32 s18, s9  }
0x23: {  	[sflag:s11] =	ssyncadd.s32 $0xFFFF9C00;
	s18 =	smov.u32 s19;
	s21 =	sadd.s32 $0x19, s19  }
0x24: {  	[tilespmem:s3], [sflag:$0x1] =	stream.linear.gather [hbm4b:s20+s3], $0xC8, $0x38;
	[tilespmem:$0x1A500] =	vst v63  }
0x25: {  	p0 =	sne.s32 s19, $0x258  }
0x26: {  	[tilespmem:s12], [sflag:$0x2] =	stream.linear.gather [hbm4b:s17+s3], $0x6400, $0x38;
	[tilespmem:$0x1A500] =	vst v63  }
0x27: {  	_ =	swait.ge [sflag:s13], $0xC8  }
0x28: {  	[sflag:s13] =	ssyncset.done $0x0  }
0x29: {  	[sflag:s13] =	ssyncadd.s32 $0xFFFFFF38  }
0x2a: {  	_ =	swait.ge [sflag:s14], $0x6400  }
.Ltmp0:
0x2b: {  	[sflag:s14] =	ssyncset.done $0x0;
	(pc) =	sbr.rel @p0 .LBB2_2-.Ltmp0, $4  }
0x2c: {  	[sflag:s14] =	ssyncadd.s32 $0xFFFF9C00  }
0x2d: {  	[spmem:s2] =	stream.indirect.scatter.add.f32 [tilespmem:s12], [sflag:$0x3], $0x80, s3, s15, $0xb8;
	[tilespmem:$0x1A500] =	vst v63  }
0x2e: {  	_ =	swait.ge [sflag:s11], $0x6400  }
0x2f: {  	s19 =	smov.u32 s21;
	s17 =	sadd.s32 $0xC80, s17;
	[sflag:s11] =	ssyncset.done $0x0  }
0x30: {  	s18 =	sadd.s32 s18, s9;
	[sflag:s11] =	ssyncadd.s32 $0xFFFF9C00  }
0x31: {  	[tilespmem:s3], [sflag:$0x1] =	stream.linear.gather [hbm4b:s18+s3], $0xC8, $0x38;
	[tilespmem:$0x1A500] =	vst v63  }
0x32: {  	_ = 	snop  }
0x33: {  	[tilespmem:s12], [sflag:$0x2] =	stream.linear.gather [hbm4b:s17+s3], $0x6400, $0x38;
	[tilespmem:$0x1A500] =	vst v63  }
0x34: {  	_ =	swait.ge [sflag:s13], $0xC8  }
0x35: {  	[sflag:s13] =	ssyncset.done $0x0  }
0x36: {  	[sflag:s13] =	ssyncadd.s32 $0xFFFFFF38  }
0x37: {  	_ =	swait.ge [sflag:s14], $0x6400  }
0x38: {  	[sflag:s14] =	ssyncset.done $0x0  }
0x39: {  	[sflag:s14] =	ssyncadd.s32 $0xFFFF9C00  }
0x3a: {  	[spmem:s2] =	stream.indirect.scatter.add.f32 [tilespmem:s12], [sflag:$0x3], $0x80, s3, s15, $0xb8;
	[tilespmem:$0x1A500] =	vst v63  }
0x3b: {  	_ =	swait.ge [sflag:s11], $0x6400  }
0x3c: {  	s16 =	sadd.s32 $0x1, s16;
	[sflag:s11] =	ssyncset.done $0x0  }
0x3d: {  	p0 =	sne.s32 s16, s7;
	[sflag:s11] =	ssyncadd.s32 $0xFFFF9C00  }
.Ltmp1:
0x3e: {  	[bflag:$0x0] =	sbarrier.arrive $0xFFFF;
	(pc) =	sbr.rel @p0 .LBB2_1-.Ltmp1, $4  }
0x3f: {  	[hbm:s6], [sflag:s5] =	dma.local [spmem:s10], $0x2800  }
0x40: {  	_ =	swait.ge [sflag:s11], $0x2800  }
0x41: {  	[sflag:s11] =	ssyncset.done $0x0  }
0x42: {  	[sflag:s11] =	ssyncadd.s32 $0xFFFFD800  }
0x43: {  	_ =	sfence.sel $0x180000  }
0x44: {  	[bflag:$0x0] =	sbarrier.arrive $0xFFFF  }
0x45: {  	p0 =	sne.s32 s0, $0x0;
	_ =	strace $0x9000005F  }
0x46: {  	s0 =	sadd.s32 @!p0 $0x100000, s1;
	[bflag:$0x2] =	sbarrier.arrive $0xFFFF  }
0x47: {  	[sflag:s0] =	ssyncadd.tile.s32 @!p0 $0x1;
	_ =	shalt  }
.Lfunc_end2:
_tile_overlayer_lowered:
.L_overlay_start_2:
0x48: {  	(tag) =	ssettag $0x2  }
0x49: {  	s0 =	rddreg [dreg:$0x0];
	s2 =	stileid.u32  }
0x4a: {  	s1 =	rddreg [dreg:$0x1];
	p0 =	sne.s32 s2, $0x0  }
0x4b: {  	s3 =	rddreg [dreg:$0x2];
	[bflag:$0x3] =	sbarrier.arrive $0xFFFF;
	s2 =	simm.s32 @!p0 $0x1C03  }
0x4c: {  	[timem:s3], [sflag:s2] =	dma.local @!p0 [hbm:s0], s1  }
0x4d: {  	s0 =	simm.s32 @!p0 $0x3  }
0x4e: {  	_ =	swait.ge @!p0 [sflag:s0], s1  }
0x4f: {  	s1 =	ssub.s32 @!p0 $0x0, s1;
	[sflag:s0] =	ssyncset.done @!p0 $0x0  }
0x50: {  	[sflag:s0] =	ssyncadd.s32 @!p0 s1  }
0x51: {  	[bflag:$0x3] =	sbarrier.arrive $0xFFFF  }
0x52: {  	_ =	shalt  }

</sc_bundles>
